<compile_context>
chip_gen: v7x
topology: tpu7x:2x2x1
jax: 0.10.2.dev20260603
libtpu: 0.0.44.dev20260713+nightly
codegen_flags: <defaults>
</compile_context>

<pallas_src>
import functools

import jax
import jax.numpy as jnp
from jax import lax
from jax.experimental import pallas as pl
from jax.experimental.pallas import tpu as pltpu
from jax.experimental.pallas import tpu_sc as plsc

MAX_REL_DIST = 128
EMBED_DIM = 16
SEQ_LEN = 2048
TABLE_ROWS = 2 * MAX_REL_DIST + 1
BAND_COLS = 4096

NUM_CORES = 2
NUM_SUBCORES = 16
NUM_WORKERS = NUM_CORES * NUM_SUBCORES
ROWS_PER_WORKER = SEQ_LEN // NUM_WORKERS
C_TILES = EMBED_DIM // 8
J_TILES = SEQ_LEN // 128


def _band_body(table_hbm, out_hbm, table_v, bandt_v, sem):
    wid = lax.axis_index("s") * NUM_CORES + lax.axis_index("c")

    pltpu.sync_copy(table_hbm, table_v)

    off_min = (NUM_WORKERS - 1) - wid

    lane = lax.iota(jnp.int32, 16)

    def build(nb):
        m = nb * 16 + lane + off_min
        d = (SEQ_LEN - 1) - m
        idx = jnp.maximum(jnp.minimum(d, MAX_REL_DIST), -MAX_REL_DIST) + MAX_REL_DIST
        for c in range(EMBED_DIM):
            row = plsc.load_gather(table_v, [idx * EMBED_DIM + c])
            bandt_v[c // 8, c % 8, pl.ds(nb * 16, 16)] = row

    def fire(r):
        i = wid + NUM_WORKERS * r

        def fire_jt(jt, carry2):
            start = 8 * (252 - 4 * r + 16 * jt)
            src = bandt_v.at[:, :, pl.ds(start, 128)]
            pltpu.make_async_copy(src, out_hbm.at[i, :, jt], sem).start()
            return carry2

        lax.fori_loop(0, J_TILES, fire_jt, 0)

    i63 = wid + NUM_WORKERS * (ROWS_PER_WORKER - 1)

    def prefix(jb, carry):
        for b in range(8):
            build(8 * jb + b)
        src = bandt_v.at[:, :, pl.ds(jb * 128, 128)]
        pltpu.make_async_copy(src, out_hbm.at[i63, :, jb], sem).start()
        return carry

    lax.fori_loop(0, J_TILES, prefix, 0)

    def step(k, carry):
        build(126 + 2 * k)
        build(127 + 2 * k)
        fire((ROWS_PER_WORKER - 1) - k)
        return carry

    lax.fori_loop(1, ROWS_PER_WORKER, step, 0)

    def drain(r, carry):
        src = bandt_v.at[:, :, pl.ds(0, 128)]

        def drain_jt(jt, carry2):
            i = wid + NUM_WORKERS * r
            pltpu.make_async_copy(src, out_hbm.at[i, :, jt], sem).wait()
            return carry2

        lax.fori_loop(0, J_TILES, drain_jt, 0)
        return carry

    lax.fori_loop(0, ROWS_PER_WORKER, drain, 0)


_band_call = functools.partial(
    pl.kernel,
    out_type=jax.ShapeDtypeStruct((SEQ_LEN, C_TILES, J_TILES, 8, 128), jnp.float32),
    mesh=plsc.VectorSubcoreMesh(core_axis_name="c", subcore_axis_name="s"),
    compiler_params=pltpu.CompilerParams(use_tc_tiling_on_sc=False, needs_layout_passes=False),
    scratch_types=[
        pltpu.VMEM((TABLE_ROWS * EMBED_DIM,), jnp.float32),
        pltpu.VMEM((C_TILES, 8, BAND_COLS), jnp.float32),
        pltpu.SemaphoreType.DMA,
    ],
)(_band_body)


def kernel(seq_len, rel_embeddings):
    del seq_len
    flat_table = rel_embeddings.astype(jnp.float32).reshape(-1)
    out5 = _band_call(flat_table)
    out = out5.transpose(0, 1, 3, 2, 4).reshape(SEQ_LEN, EMBED_DIM, SEQ_LEN)
    return out.transpose(0, 2, 1)

# --- scband reference (transcript-rebuilt; emitter-appended) ---
"""Pipeline reference for scband-relative-positional-embedding-31293131718871 (READ-ONLY COPY).

The authoritative reference and input builder live on the scoring server;
editing this copy changes nothing except your own understanding.
"""

import jax, jax.numpy as jnp
import numpy as np

MAX_REL_DIST = 128
EMBED_DIM = 16
SEQ_LEN = 2048


def setup_inputs(seed: int = 0) -> dict:
    key = jax.random.key(seed)
    rel_embeddings = jax.random.normal(key, (2 * MAX_REL_DIST + 1, EMBED_DIM), dtype=jnp.float32)
    return {"seq_len": SEQ_LEN, "rel_embeddings": rel_embeddings}


def reference(seq_len, rel_embeddings):
    positions = jnp.arange(SEQ_LEN) + 0 * seq_len
    rel_positions = positions[:, None] - positions[None, :]
    rel_positions = jnp.clip(rel_positions, -MAX_REL_DIST, MAX_REL_DIST)
    rel_positions = rel_positions + MAX_REL_DIST
    # embedding gather: table[idx] -> (seq_len, seq_len, embed_dim)
    rel_embeddings_out = jnp.take(rel_embeddings, rel_positions, axis=0)
    return rel_embeddings_out

if __name__ == "__main__":
    import jax
    _d = setup_inputs()
    print(jax.jit(kernel)(*tuple(_d.values())))

</pallas_src>

<mosaic_0001>
#map = affine_map<(d0, d1) -> (0)>
#map1 = affine_map<(d0, d1) -> (0, 0, 0, 0, 0)>
module attributes {stable_mosaic.version = 14 : i64} {
  func.func @_band_body(%arg0: i32, %arg1: i32, %arg2: memref<4112xf32, #tpu.memory_space<hbm>>, %arg3: memref<2048x2x16x8x128xf32, #tpu.memory_space<hbm>>, %arg4: memref<4112xf32, #tpu.memory_space<vmem>>, %arg5: memref<2x8x4096xf32, #tpu.memory_space<vmem>>, %arg6: memref<!tpu.dma_semaphore, #tpu.memory_space<semaphore_mem>>) attributes {dimension_semantics = [#tpu.dimension_semantics<core_parallel>, #tpu.dimension_semantics<subcore_parallel>], iteration_bounds = array<i64: 2, 16>, scalar_prefetch = 0 : i64, scratch_operands = 3 : i64, tpu.core_type = #tpu.core_type<sc_vector_subcore>, window_params = [{transform_indices = #map}, {transform_indices = #map1}]} {
    %mul3A = arith.constant 2 : i32
    %mul3A_0 = arith.muli %arg1, %mul3A : i32
    %add3A = arith.addi %mul3A_0, %arg0 : i32
    "tpu.region"() ({
      %run_scoped3A = tpu.sem_alloc : memref<!tpu.dma_semaphore, #tpu.memory_space<semaphore_mem>>
      tpu.enqueue_dma source(%arg2 : memref<4112xf32, #tpu.memory_space<hbm>>) target(%arg4 : memref<4112xf32, #tpu.memory_space<vmem>>) target_semaphore(%run_scoped3A : memref<!tpu.dma_semaphore, #tpu.memory_space<semaphore_mem>>)
      tpu.wait_dma2 semaphore(%run_scoped3A : memref<!tpu.dma_semaphore, #tpu.memory_space<semaphore_mem>>) src(%arg2 : memref<4112xf32, #tpu.memory_space<hbm>>) dst(%arg4 : memref<4112xf32, #tpu.memory_space<vmem>>)
      tpu.yield
    }) : () -> ()
    %sub3A = arith.constant 31 : i32
    %sub3A_1 = arith.subi %sub3A, %add3A : i32
    %iota3A = tpu.iota {dimensions = array<i32: 0>} : vector<16xi32>
    %add3A_2 = arith.constant 2016 : i32
    %add3A_3 = arith.addi %add3A, %add3A_2 : i32
    %scan3A = arith.constant 0 : i32
    %scan3A_4 = arith.constant 0 : i32
    %scan3A_5 = arith.constant 16 : i32
    %scan3A_6 = arith.addi %scan3A_4, %scan3A_5 : i32
    %scan3A_7 = arith.constant 1 : i32
    scf.for %scan3A_21 = %scan3A_4 to %scan3A_6 step %scan3A_7  : i32 {
      %mul3A_22 = arith.constant 8 : i32
      %mul3A_23 = arith.muli %mul3A_22, %scan3A_21 : i32
      %add3A_24 = arith.constant 0 : i32
      %add3A_25 = arith.addi %mul3A_23, %add3A_24 : i32
      %mul3A_26 = arith.constant 16 : i32
      %mul3A_27 = arith.muli %add3A_25, %mul3A_26 : i32
      %add3A_28 = vector.broadcast %mul3A_27 : i32 to vector<16xi32>
      %add3A_29 = arith.addi %add3A_28, %iota3A : vector<16xi32>
      %add3A_30 = vector.broadcast %sub3A_1 : i32 to vector<16xi32>
      %add3A_31 = arith.addi %add3A_29, %add3A_30 : vector<16xi32>
      %sub3A_32 = arith.constant 2047 : i32
      %sub3A_33 = vector.broadcast %sub3A_32 : i32 to vector<16xi32>
      %sub3A_34 = arith.subi %sub3A_33, %add3A_31 : vector<16xi32>
      %min3A = arith.constant 128 : i32
      %min3A_35 = vector.broadcast %min3A : i32 to vector<16xi32>
      %min3A_36 = arith.minsi %sub3A_34, %min3A_35 : vector<16xi32>
      %max3A = arith.constant -128 : i32
      %max3A_37 = vector.broadcast %max3A : i32 to vector<16xi32>
      %max3A_38 = arith.maxsi %min3A_36, %max3A_37 : vector<16xi32>
      %add3A_39 = arith.constant 128 : i32
      %add3A_40 = vector.broadcast %add3A_39 : i32 to vector<16xi32>
      %add3A_41 = arith.addi %max3A_38, %add3A_40 : vector<16xi32>
      %mul3A_42 = arith.constant 16 : i32
      %mul3A_43 = vector.broadcast %mul3A_42 : i32 to vector<16xi32>
      %mul3A_44 = arith.muli %add3A_41, %mul3A_43 : vector<16xi32>
      %add3A_45 = arith.constant 0 : i32
      %add3A_46 = vector.broadcast %add3A_45 : i32 to vector<16xi32>
      %add3A_47 = arith.addi %mul3A_44, %add3A_46 : vector<16xi32>
      %gather3A = tpu.vector_load_idx %arg4[%add3A_47] : memref<4112xf32, #tpu.memory_space<vmem>>[vector<16xi32>], vector<16xf32>,
      %mul3A_48 = arith.constant 16 : i32
      %mul3A_49 = arith.muli %add3A_25, %mul3A_48 : i32
      %swap3A = arith.constant 0 : i32
      %swap3A_50 = arith.constant 0 : i32
      %swap3A_51 = arith.index_cast %swap3A : i32 to index
      %swap3A_52 = arith.index_cast %swap3A_50 : i32 to index
      %swap3A_53 = arith.index_cast %mul3A_49 : i32 to index
      %swap3A_54 = tpu.vector_load %arg5[%swap3A_51, %swap3A_52, %swap3A_53] {strides = array<i32>} : memref<2x8x4096xf32, #tpu.memory_space<vmem>>, vector<16xf32>,
      tpu.vector_store %arg5[%swap3A_51, %swap3A_52, %swap3A_53], %gather3A {strides = array<i32>} : memref<2x8x4096xf32, #tpu.memory_space<vmem>>, vector<16xf32>,
      %mul3A_55 = arith.constant 16 : i32
      %mul3A_56 = vector.broadcast %mul3A_55 : i32 to vector<16xi32>
      %mul3A_57 = arith.muli %add3A_41, %mul3A_56 : vector<16xi32>
      %add3A_58 = arith.constant 1 : i32
      %add3A_59 = vector.broadcast %add3A_58 : i32 to vector<16xi32>
      %add3A_60 = arith.addi %mul3A_57, %add3A_59 : vector<16xi32>
      %gather3A_61 = tpu.vector_load_idx %arg4[%add3A_60] : memref<4112xf32, #tpu.memory_space<vmem>>[vector<16xi32>], vector<16xf32>,
      %mul3A_62 = arith.constant 16 : i32
      %mul3A_63 = arith.muli %add3A_25, %mul3A_62 : i32
      %swap3A_64 = arith.constant 0 : i32
      %swap3A_65 = arith.constant 1 : i32
      %swap3A_66 = arith.index_cast %swap3A_64 : i32 to index
      %swap3A_67 = arith.index_cast %swap3A_65 : i32 to index
      %swap3A_68 = arith.index_cast %mul3A_63 : i32 to index
      %swap3A_69 = tpu.vector_load %arg5[%swap3A_66, %swap3A_67, %swap3A_68] {strides = array<i32>} : memref<2x8x4096xf32, #tpu.memory_space<vmem>>, vector<16xf32>,
      tpu.vector_store %arg5[%swap3A_66, %swap3A_67, %swap3A_68], %gather3A_61 {strides = array<i32>} : memref<2x8x4096xf32, #tpu.memory_space<vmem>>, vector<16xf32>,
      %mul3A_70 = arith.constant 16 : i32
      %mul3A_71 = vector.broadcast %mul3A_70 : i32 to vector<16xi32>
      %mul3A_72 = arith.muli %add3A_41, %mul3A_71 : vector<16xi32>
      %add3A_73 = arith.constant 2 : i32
      %add3A_74 = vector.broadcast %add3A_73 : i32 to vector<16xi32>
      %add3A_75 = arith.addi %mul3A_72, %add3A_74 : vector<16xi32>
      %gather3A_76 = tpu.vector_load_idx %arg4[%add3A_75] : memref<4112xf32, #tpu.memory_space<vmem>>[vector<16xi32>], vector<16xf32>,
      %mul3A_77 = arith.constant 16 : i32
      %mul3A_78 = arith.muli %add3A_25, %mul3A_77 : i32
      %swap3A_79 = arith.constant 0 : i32
      %swap3A_80 = arith.constant 2 : i32
      %swap3A_81 = arith.index_cast %swap3A_79 : i32 to index
      %swap3A_82 = arith.index_cast %swap3A_80 : i32 to index
      %swap3A_83 = arith.index_cast %mul3A_78 : i32 to index
      %swap3A_84 = tpu.vector_load %arg5[%swap3A_81, %swap3A_82, %swap3A_83] {strides = array<i32>} : memref<2x8x4096xf32, #tpu.memory_space<vmem>>, vector<16xf32>,
      tpu.vector_store %arg5[%swap3A_81, %swap3A_82, %swap3A_83], %gather3A_76 {strides = array<i32>} : memref<2x8x4096xf32, #tpu.memory_space<vmem>>, vector<16xf32>,
      %mul3A_85 = arith.constant 16 : i32
      %mul3A_86 = vector.broadcast %mul3A_85 : i32 to vector<16xi32>
      %mul3A_87 = arith.muli %add3A_41, %mul3A_86 : vector<16xi32>
      %add3A_88 = arith.constant 3 : i32
      %add3A_89 = vector.broadcast %add3A_88 : i32 to vector<16xi32>
      %add3A_90 = arith.addi %mul3A_87, %add3A_89 : vector<16xi32>
      %gather3A_91 = tpu.vector_load_idx %arg4[%add3A_90] : memref<4112xf32, #tpu.memory_space<vmem>>[vector<16xi32>], vector<16xf32>,
      %mul3A_92 = arith.constant 16 : i32
      %mul3A_93 = arith.muli %add3A_25, %mul3A_92 : i32
      %swap3A_94 = arith.constant 0 : i32
      %swap3A_95 = arith.constant 3 : i32
      %swap3A_96 = arith.index_cast %swap3A_94 : i32 to index
      %swap3A_97 = arith.index_cast %swap3A_95 : i32 to index
      %swap3A_98 = arith.index_cast %mul3A_93 : i32 to index
      %swap3A_99 = tpu.vector_load %arg5[%swap3A_96, %swap3A_97, %swap3A_98] {strides = array<i32>} : memref<2x8x4096xf32, #tpu.memory_space<vmem>>, vector<16xf32>,
      tpu.vector_store %arg5[%swap3A_96, %swap3A_97, %swap3A_98], %gather3A_91 {strides = array<i32>} : memref<2x8x4096xf32, #tpu.memory_space<vmem>>, vector<16xf32>,
      %mul3A_100 = arith.constant 16 : i32
      %mul3A_101 = vector.broadcast %mul3A_100 : i32 to vector<16xi32>
      %mul3A_102 = arith.muli %add3A_41, %mul3A_101 : vector<16xi32>
      %add3A_103 = arith.constant 4 : i32
      %add3A_104 = vector.broadcast %add3A_103 : i32 to vector<16xi32>
      %add3A_105 = arith.addi %mul3A_102, %add3A_104 : vector<16xi32>
      %gather3A_106 = tpu.vector_load_idx %arg4[%add3A_105] : memref<4112xf32, #tpu.memory_space<vmem>>[vector<16xi32>], vector<16xf32>,
      %mul3A_107 = arith.constant 16 : i32
      %mul3A_108 = arith.muli %add3A_25, %mul3A_107 : i32
      %swap3A_109 = arith.constant 0 : i32
      %swap3A_110 = arith.constant 4 : i32
      %swap3A_111 = arith.index_cast %swap3A_109 : i32 to index
      %swap3A_112 = arith.index_cast %swap3A_110 : i32 to index
      %swap3A_113 = arith.index_cast %mul3A_108 : i32 to index
      %swap3A_114 = tpu.vector_load %arg5[%swap3A_111, %swap3A_112, %swap3A_113] {strides = array<i32>} : memref<2x8x4096xf32, #tpu.memory_space<vmem>>, vector<16xf32>,
      tpu.vector_store %arg5[%swap3A_111, %swap3A_112, %swap3A_113], %gather3A_106 {strides = array<i32>} : memref<2x8x4096xf32, #tpu.memory_space<vmem>>, vector<16xf32>,
      %mul3A_115 = arith.constant 16 : i32
      %mul3A_116 = vector.broadcast %mul3A_115 : i32 to vector<16xi32>
      %mul3A_117 = arith.muli %add3A_41, %mul3A_116 : vector<16xi32>
      %add3A_118 = arith.constant 5 : i32
      %add3A_119 = vector.broadcast %add3A_118 : i32 to vector<16xi32>
      %add3A_120 = arith.addi %mul3A_117, %add3A_119 : vector<16xi32>
      %gather3A_121 = tpu.vector_load_idx %arg4[%add3A_120] : memref<4112xf32, #tpu.memory_space<vmem>>[vector<16xi32>], vector<16xf32>,
      %mul3A_122 = arith.constant 16 : i32
      %mul3A_123 = arith.muli %add3A_25, %mul3A_122 : i32
      %swap3A_124 = arith.constant 0 : i32
      %swap3A_125 = arith.constant 5 : i32
      %swap3A_126 = arith.index_cast %swap3A_124 : i32 to index
      %swap3A_127 = arith.index_cast %swap3A_125 : i32 to index
      %swap3A_128 = arith.index_cast %mul3A_123 : i32 to index
      %swap3A_129 = tpu.vector_load %arg5[%swap3A_126, %swap3A_127, %swap3A_128] {strides = array<i32>} : memref<2x8x4096xf32, #tpu.memory_space<vmem>>, vector<16xf32>,
      tpu.vector_store %arg5[%swap3A_126, %swap3A_127, %swap3A_128], %gather3A_121 {strides = array<i32>} : memref<2x8x4096xf32, #tpu.memory_space<vmem>>, vector<16xf32>,
      %mul3A_130 = arith.constant 16 : i32
      %mul3A_131 = vector.broadcast %mul3A_130 : i32 to vector<16xi32>
      %mul3A_132 = arith.muli %add3A_41, %mul3A_131 : vector<16xi32>
      %add3A_133 = arith.constant 6 : i32
      %add3A_134 = vector.broadcast %add3A_133 : i32 to vector<16xi32>
      %add3A_135 = arith.addi %mul3A_132, %add3A_134 : vector<16xi32>
      %gather3A_136 = tpu.vector_load_idx %arg4[%add3A_135] : memref<4112xf32, #tpu.memory_space<vmem>>[vector<16xi32>], vector<16xf32>,
      %mul3A_137 = arith.constant 16 : i32
      %mul3A_138 = arith.muli %add3A_25, %mul3A_137 : i32
      %swap3A_139 = arith.constant 0 : i32
      %swap3A_140 = arith.constant 6 : i32
      %swap3A_141 = arith.index_cast %swap3A_139 : i32 to index
      %swap3A_142 = arith.index_cast %swap3A_140 : i32 to index
      %swap3A_143 = arith.index_cast %mul3A_138 : i32 to index
      %swap3A_144 = tpu.vector_load %arg5[%swap3A_141, %swap3A_142, %swap3A_143] {strides = array<i32>} : memref<2x8x4096xf32, #tpu.memory_space<vmem>>, vector<16xf32>,
      tpu.vector_store %arg5[%swap3A_141, %swap3A_142, %swap3A_143], %gather3A_136 {strides = array<i32>} : memref<2x8x4096xf32, #tpu.memory_space<vmem>>, vector<16xf32>,
      %mul3A_145 = arith.constant 16 : i32
      %mul3A_146 = vector.broadcast %mul3A_145 : i32 to vector<16xi32>
      %mul3A_147 = arith.muli %add3A_41, %mul3A_146 : vector<16xi32>
      %add3A_148 = arith.constant 7 : i32
      %add3A_149 = vector.broadcast %add3A_148 : i32 to vector<16xi32>
      %add3A_150 = arith.addi %mul3A_147, %add3A_149 : vector<16xi32>
      %gather3A_151 = tpu.vector_load_idx %arg4[%add3A_150] : memref<4112xf32, #tpu.memory_space<vmem>>[vector<16xi32>], vector<16xf32>,
      %mul3A_152 = arith.constant 16 : i32
      %mul3A_153 = arith.muli %add3A_25, %mul3A_152 : i32
      %swap3A_154 = arith.constant 0 : i32
      %swap3A_155 = arith.constant 7 : i32
      %swap3A_156 = arith.index_cast %swap3A_154 : i32 to index
      %swap3A_157 = arith.index_cast %swap3A_155 : i32 to index
      %swap3A_158 = arith.index_cast %mul3A_153 : i32 to index
      %swap3A_159 = tpu.vector_load %arg5[%swap3A_156, %swap3A_157, %swap3A_158] {strides = array<i32>} : memref<2x8x4096xf32, #tpu.memory_space<vmem>>, vector<16xf32>,
      tpu.vector_store %arg5[%swap3A_156, %swap3A_157, %swap3A_158], %gather3A_151 {strides = array<i32>} : memref<2x8x4096xf32, #tpu.memory_space<vmem>>, vector<16xf32>,
      %mul3A_160 = arith.constant 16 : i32
      %mul3A_161 = vector.broadcast %mul3A_160 : i32 to vector<16xi32>
      %mul3A_162 = arith.muli %add3A_41, %mul3A_161 : vector<16xi32>
      %add3A_163 = arith.constant 8 : i32
      %add3A_164 = vector.broadcast %add3A_163 : i32 to vector<16xi32>
      %add3A_165 = arith.addi %mul3A_162, %add3A_164 : vector<16xi32>
      %gather3A_166 = tpu.vector_load_idx %arg4[%add3A_165] : memref<4112xf32, #tpu.memory_space<vmem>>[vector<16xi32>], vector<16xf32>,
      %mul3A_167 = arith.constant 16 : i32
      %mul3A_168 = arith.muli %add3A_25, %mul3A_167 : i32
      %swap3A_169 = arith.constant 1 : i32
      %swap3A_170 = arith.constant 0 : i32
      %swap3A_171 = arith.index_cast %swap3A_169 : i32 to index
      %swap3A_172 = arith.index_cast %swap3A_170 : i32 to index
      %swap3A_173 = arith.index_cast %mul3A_168 : i32 to index
      %swap3A_174 = tpu.vector_load %arg5[%swap3A_171, %swap3A_172, %swap3A_173] {strides = array<i32>} : memref<2x8x4096xf32, #tpu.memory_space<vmem>>, vector<16xf32>,
      tpu.vector_store %arg5[%swap3A_171, %swap3A_172, %swap3A_173], %gather3A_166 {strides = array<i32>} : memref<2x8x4096xf32, #tpu.memory_space<vmem>>, vector<16xf32>,
      %mul3A_175 = arith.constant 16 : i32
      %mul3A_176 = vector.broadcast %mul3A_175 : i32 to vector<16xi32>
      %mul3A_177 = arith.muli %add3A_41, %mul3A_176 : vector<16xi32>
      %add3A_178 = arith.constant 9 : i32
      %add3A_179 = vector.broadcast %add3A_178 : i32 to vector<16xi32>
      %add3A_180 = arith.addi %mul3A_177, %add3A_179 : vector<16xi32>
      %gather3A_181 = tpu.vector_load_idx %arg4[%add3A_180] : memref<4112xf32, #tpu.memory_space<vmem>>[vector<16xi32>], vector<16xf32>,
      %mul3A_182 = arith.constant 16 : i32
      %mul3A_183 = arith.muli %add3A_25, %mul3A_182 : i32
      %swap3A_184 = arith.constant 1 : i32
      %swap3A_185 = arith.constant 1 : i32
      %swap3A_186 = arith.index_cast %swap3A_184 : i32 to index
      %swap3A_187 = arith.index_cast %swap3A_185 : i32 to index
      %swap3A_188 = arith.index_cast %mul3A_183 : i32 to index
      %swap3A_189 = tpu.vector_load %arg5[%swap3A_186, %swap3A_187, %swap3A_188] {strides = array<i32>} : memref<2x8x4096xf32, #tpu.memory_space<vmem>>, vector<16xf32>,
      tpu.vector_store %arg5[%swap3A_186, %swap3A_187, %swap3A_188], %gather3A_181 {strides = array<i32>} : memref<2x8x4096xf32, #tpu.memory_space<vmem>>, vector<16xf32>,
      %mul3A_190 = arith.constant 16 : i32
      %mul3A_191 = vector.broadcast %mul3A_190 : i32 to vector<16xi32>
      %mul3A_192 = arith.muli %add3A_41, %mul3A_191 : vector<16xi32>
      %add3A_193 = arith.constant 10 : i32
      %add3A_194 = vector.broadcast %add3A_193 : i32 to vector<16xi32>
      %add3A_195 = arith.addi %mul3A_192, %add3A_194 : vector<16xi32>
      %gather3A_196 = tpu.vector_load_idx %arg4[%add3A_195] : memref<4112xf32, #tpu.memory_space<vmem>>[vector<16xi32>], vector<16xf32>,
      %mul3A_197 = arith.constant 16 : i32
      %mul3A_198 = arith.muli %add3A_25, %mul3A_197 : i32
      %swap3A_199 = arith.constant 1 : i32
      %swap3A_200 = arith.constant 2 : i32
      %swap3A_201 = arith.index_cast %swap3A_199 : i32 to index
      %swap3A_202 = arith.index_cast %swap3A_200 : i32 to index
      %swap3A_203 = arith.index_cast %mul3A_198 : i32 to index
      %swap3A_204 = tpu.vector_load %arg5[%swap3A_201, %swap3A_202, %swap3A_203] {strides = array<i32>} : memref<2x8x4096xf32, #tpu.memory_space<vmem>>, vector<16xf32>,
      tpu.vector_store %arg5[%swap3A_201, %swap3A_202, %swap3A_203], %gather3A_196 {strides = array<i32>} : memref<2x8x4096xf32, #tpu.memory_space<vmem>>, vector<16xf32>,
      %mul3A_205 = arith.constant 16 : i32
      %mul3A_206 = vector.broadcast %mul3A_205 : i32 to vector<16xi32>
      %mul3A_207 = arith.muli %add3A_41, %mul3A_206 : vector<16xi32>
      %add3A_208 = arith.constant 11 : i32
      %add3A_209 = vector.broadcast %add3A_208 : i32 to vector<16xi32>
      %add3A_210 = arith.addi %mul3A_207, %add3A_209 : vector<16xi32>
      %gather3A_211 = tpu.vector_load_idx %arg4[%add3A_210] : memref<4112xf32, #tpu.memory_space<vmem>>[vector<16xi32>], vector<16xf32>,
      %mul3A_212 = arith.constant 16 : i32
      %mul3A_213 = arith.muli %add3A_25, %mul3A_212 : i32
      %swap3A_214 = arith.constant 1 : i32
      %swap3A_215 = arith.constant 3 : i32
      %swap3A_216 = arith.index_cast %swap3A_214 : i32 to index
      %swap3A_217 = arith.index_cast %swap3A_215 : i32 to index
      %swap3A_218 = arith.index_cast %mul3A_213 : i32 to index
      %swap3A_219 = tpu.vector_load %arg5[%swap3A_216, %swap3A_217, %swap3A_218] {strides = array<i32>} : memref<2x8x4096xf32, #tpu.memory_space<vmem>>, vector<16xf32>,
      tpu.vector_store %arg5[%swap3A_216, %swap3A_217, %swap3A_218], %gather3A_211 {strides = array<i32>} : memref<2x8x4096xf32, #tpu.memory_space<vmem>>, vector<16xf32>,
      %mul3A_220 = arith.constant 16 : i32
      %mul3A_221 = vector.broadcast %mul3A_220 : i32 to vector<16xi32>
      %mul3A_222 = arith.muli %add3A_41, %mul3A_221 : vector<16xi32>
      %add3A_223 = arith.constant 12 : i32
      %add3A_224 = vector.broadcast %add3A_223 : i32 to vector<16xi32>
      %add3A_225 = arith.addi %mul3A_222, %add3A_224 : vector<16xi32>
      %gather3A_226 = tpu.vector_load_idx %arg4[%add3A_225] : memref<4112xf32, #tpu.memory_space<vmem>>[vector<16xi32>], vector<16xf32>,
      %mul3A_227 = arith.constant 16 : i32
      %mul3A_228 = arith.muli %add3A_25, %mul3A_227 : i32
      %swap3A_229 = arith.constant 1 : i32
      %swap3A_230 = arith.constant 4 : i32
      %swap3A_231 = arith.index_cast %swap3A_229 : i32 to index
      %swap3A_232 = arith.index_cast %swap3A_230 : i32 to index
      %swap3A_233 = arith.index_cast %mul3A_228 : i32 to index
      %swap3A_234 = tpu.vector_load %arg5[%swap3A_231, %swap3A_232, %swap3A_233] {strides = array<i32>} : memref<2x8x4096xf32, #tpu.memory_space<vmem>>, vector<16xf32>,
      tpu.vector_store %arg5[%swap3A_231, %swap3A_232, %swap3A_233], %gather3A_226 {strides = array<i32>} : memref<2x8x4096xf32, #tpu.memory_space<vmem>>, vector<16xf32>,
      %mul3A_235 = arith.constant 16 : i32
      %mul3A_236 = vector.broadcast %mul3A_235 : i32 to vector<16xi32>
      %mul3A_237 = arith.muli %add3A_41, %mul3A_236 : vector<16xi32>
      %add3A_238 = arith.constant 13 : i32
      %add3A_239 = vector.broadcast %add3A_238 : i32 to vector<16xi32>
      %add3A_240 = arith.addi %mul3A_237, %add3A_239 : vector<16xi32>
      %gather3A_241 = tpu.vector_load_idx %arg4[%add3A_240] : memref<4112xf32, #tpu.memory_space<vmem>>[vector<16xi32>], vector<16xf32>,
      %mul3A_242 = arith.constant 16 : i32
      %mul3A_243 = arith.muli %add3A_25, %mul3A_242 : i32
      %swap3A_244 = arith.constant 1 : i32
      %swap3A_245 = arith.constant 5 : i32
      %swap3A_246 = arith.index_cast %swap3A_244 : i32 to index
      %swap3A_247 = arith.index_cast %swap3A_245 : i32 to index
      %swap3A_248 = arith.index_cast %mul3A_243 : i32 to index
      %swap3A_249 = tpu.vector_load %arg5[%swap3A_246, %swap3A_247, %swap3A_248] {strides = array<i32>} : memref<2x8x4096xf32, #tpu.memory_space<vmem>>, vector<16xf32>,
      tpu.vector_store %arg5[%swap3A_246, %swap3A_247, %swap3A_248], %gather3A_241 {strides = array<i32>} : memref<2x8x4096xf32, #tpu.memory_space<vmem>>, vector<16xf32>,
      %mul3A_250 = arith.constant 16 : i32
      %mul3A_251 = vector.broadcast %mul3A_250 : i32 to vector<16xi32>
      %mul3A_252 = arith.muli %add3A_41, %mul3A_251 : vector<16xi32>
      %add3A_253 = arith.constant 14 : i32
      %add3A_254 = vector.broadcast %add3A_253 : i32 to vector<16xi32>
      %add3A_255 = arith.addi %mul3A_252, %add3A_254 : vector<16xi32>
      %gather3A_256 = tpu.vector_load_idx %arg4[%add3A_255] : memref<4112xf32, #tpu.memory_space<vmem>>[vector<16xi32>], vector<16xf32>,
      %mul3A_257 = arith.constant 16 : i32
      %mul3A_258 = arith.muli %add3A_25, %mul3A_257 : i32
      %swap3A_259 = arith.constant 1 : i32
      %swap3A_260 = arith.constant 6 : i32
      %swap3A_261 = arith.index_cast %swap3A_259 : i32 to index
      %swap3A_262 = arith.index_cast %swap3A_260 : i32 to index
      %swap3A_263 = arith.index_cast %mul3A_258 : i32 to index
      %swap3A_264 = tpu.vector_load %arg5[%swap3A_261, %swap3A_262, %swap3A_263] {strides = array<i32>} : memref<2x8x4096xf32, #tpu.memory_space<vmem>>, vector<16xf32>,
      tpu.vector_store %arg5[%swap3A_261, %swap3A_262, %swap3A_263], %gather3A_256 {strides = array<i32>} : memref<2x8x4096xf32, #tpu.memory_space<vmem>>, vector<16xf32>,
      %mul3A_265 = arith.constant 16 : i32
      %mul3A_266 = vector.broadcast %mul3A_265 : i32 to vector<16xi32>
      %mul3A_267 = arith.muli %add3A_41, %mul3A_266 : vector<16xi32>
      %add3A_268 = arith.constant 15 : i32
      %add3A_269 = vector.broadcast %add3A_268 : i32 to vector<16xi32>
      %add3A_270 = arith.addi %mul3A_267, %add3A_269 : vector<16xi32>
      %gather3A_271 = tpu.vector_load_idx %arg4[%add3A_270] : memref<4112xf32, #tpu.memory_space<vmem>>[vector<16xi32>], vector<16xf32>,
      %mul3A_272 = arith.constant 16 : i32
      %mul3A_273 = arith.muli %add3A_25, %mul3A_272 : i32
      %swap3A_274 = arith.constant 1 : i32
      %swap3A_275 = arith.constant 7 : i32
      %swap3A_276 = arith.index_cast %swap3A_274 : i32 to index
      %swap3A_277 = arith.index_cast %swap3A_275 : i32 to index
      %swap3A_278 = arith.index_cast %mul3A_273 : i32 to index
      %swap3A_279 = tpu.vector_load %arg5[%swap3A_276, %swap3A_277, %swap3A_278] {strides = array<i32>} : memref<2x8x4096xf32, #tpu.memory_space<vmem>>, vector<16xf32>,
      tpu.vector_store %arg5[%swap3A_276, %swap3A_277, %swap3A_278], %gather3A_271 {strides = array<i32>} : memref<2x8x4096xf32, #tpu.memory_space<vmem>>, vector<16xf32>,
      %mul3A_280 = arith.constant 8 : i32
      %mul3A_281 = arith.muli %mul3A_280, %scan3A_21 : i32
      %add3A_282 = arith.constant 1 : i32
      %add3A_283 = arith.addi %mul3A_281, %add3A_282 : i32
      %mul3A_284 = arith.constant 16 : i32
      %mul3A_285 = arith.muli %add3A_283, %mul3A_284 : i32
      %add3A_286 = vector.broadcast %mul3A_285 : i32 to vector<16xi32>
      %add3A_287 = arith.addi %add3A_286, %iota3A : vector<16xi32>
      %add3A_288 = vector.broadcast %sub3A_1 : i32 to vector<16xi32>
      %add3A_289 = arith.addi %add3A_287, %add3A_288 : vector<16xi32>
      %sub3A_290 = arith.constant 2047 : i32
      %sub3A_291 = vector.broadcast %sub3A_290 : i32 to vector<16xi32>
      %sub3A_292 = arith.subi %sub3A_291, %add3A_289 : vector<16xi32>
      %min3A_293 = arith.constant 128 : i32
      %min3A_294 = vector.broadcast %min3A_293 : i32 to vector<16xi32>
      %min3A_295 = arith.minsi %sub3A_292, %min3A_294 : vector<16xi32>
      %max3A_296 = arith.constant -128 : i32
      %max3A_297 = vector.broadcast %max3A_296 : i32 to vector<16xi32>
      %max3A_298 = arith.maxsi %min3A_295, %max3A_297 : vector<16xi32>
      %add3A_299 = arith.constant 128 : i32
      %add3A_300 = vector.broadcast %add3A_299 : i32 to vector<16xi32>
      %add3A_301 = arith.addi %max3A_298, %add3A_300 : vector<16xi32>
      %mul3A_302 = arith.constant 16 : i32
      %mul3A_303 = vector.broadcast %mul3A_302 : i32 to vector<16xi32>
      %mul3A_304 = arith.muli %add3A_301, %mul3A_303 : vector<16xi32>
      %add3A_305 = arith.constant 0 : i32
      %add3A_306 = vector.broadcast %add3A_305 : i32 to vector<16xi32>
      %add3A_307 = arith.addi %mul3A_304, %add3A_306 : vector<16xi32>
      %gather3A_308 = tpu.vector_load_idx %arg4[%add3A_307] : memref<4112xf32, #tpu.memory_space<vmem>>[vector<16xi32>], vector<16xf32>,
      %mul3A_309 = arith.constant 16 : i32
      %mul3A_310 = arith.muli %add3A_283, %mul3A_309 : i32
      %swap3A_311 = arith.constant 0 : i32
      %swap3A_312 = arith.constant 0 : i32
      %swap3A_313 = arith.index_cast %swap3A_311 : i32 to index
      %swap3A_314 = arith.index_cast %swap3A_312 : i32 to index
      %swap3A_315 = arith.index_cast %mul3A_310 : i32 to index
      %swap3A_316 = tpu.vector_load %arg5[%swap3A_313, %swap3A_314, %swap3A_315] {strides = array<i32>} : memref<2x8x4096xf32, #tpu.memory_space<vmem>>, vector<16xf32>,
      tpu.vector_store %arg5[%swap3A_313, %swap3A_314, %swap3A_315], %gather3A_308 {strides = array<i32>} : memref<2x8x4096xf32, #tpu.memory_space<vmem>>, vector<16xf32>,
      %mul3A_317 = arith.constant 16 : i32
      %mul3A_318 = vector.broadcast %mul3A_317 : i32 to vector<16xi32>
      %mul3A_319 = arith.muli %add3A_301, %mul3A_318 : vector<16xi32>
      %add3A_320 = arith.constant 1 : i32
      %add3A_321 = vector.broadcast %add3A_320 : i32 to vector<16xi32>
      %add3A_322 = arith.addi %mul3A_319, %add3A_321 : vector<16xi32>
      %gather3A_323 = tpu.vector_load_idx %arg4[%add3A_322] : memref<4112xf32, #tpu.memory_space<vmem>>[vector<16xi32>], vector<16xf32>,
      %mul3A_324 = arith.constant 16 : i32
      %mul3A_325 = arith.muli %add3A_283, %mul3A_324 : i32
      %swap3A_326 = arith.constant 0 : i32
      %swap3A_327 = arith.constant 1 : i32
      %swap3A_328 = arith.index_cast %swap3A_326 : i32 to index
      %swap3A_329 = arith.index_cast %swap3A_327 : i32 to index
      %swap3A_330 = arith.index_cast %mul3A_325 : i32 to index
      %swap3A_331 = tpu.vector_load %arg5[%swap3A_328, %swap3A_329, %swap3A_330] {strides = array<i32>} : memref<2x8x4096xf32, #tpu.memory_space<vmem>>, vector<16xf32>,
      tpu.vector_store %arg5[%swap3A_328, %swap3A_329, %swap3A_330], %gather3A_323 {strides = array<i32>} : memref<2x8x4096xf32, #tpu.memory_space<vmem>>, vector<16xf32>,
      %mul3A_332 = arith.constant 16 : i32
      %mul3A_333 = vector.broadcast %mul3A_332 : i32 to vector<16xi32>
      %mul3A_334 = arith.muli %add3A_301, %mul3A_333 : vector<16xi32>
      %add3A_335 = arith.constant 2 : i32
      %add3A_336 = vector.broadcast %add3A_335 : i32 to vector<16xi32>
      %add3A_337 = arith.addi %mul3A_334, %add3A_336 : vector<16xi32>
      %gather3A_338 = tpu.vector_load_idx %arg4[%add3A_337] : memref<4112xf32, #tpu.memory_space<vmem>>[vector<16xi32>], vector<16xf32>,
      %mul3A_339 = arith.constant 16 : i32
      %mul3A_340 = arith.muli %add3A_283, %mul3A_339 : i32
      %swap3A_341 = arith.constant 0 : i32
      %swap3A_342 = arith.constant 2 : i32
      %swap3A_343 = arith.index_cast %swap3A_341 : i32 to index
      %swap3A_344 = arith.index_cast %swap3A_342 : i32 to index
      %swap3A_345 = arith.index_cast %mul3A_340 : i32 to index
      %swap3A_346 = tpu.vector_load %arg5[%swap3A_343, %swap3A_344, %swap3A_345] {strides = array<i32>} : memref<2x8x4096xf32, #tpu.memory_space<vmem>>, vector<16xf32>,
      tpu.vector_store %arg5[%swap3A_343, %swap3A_344, %swap3A_345], %gather3A_338 {strides = array<i32>} : memref<2x8x4096xf32, #tpu.memory_space<vmem>>, vector<16xf32>,
      %mul3A_347 = arith.constant 16 : i32
      %mul3A_348 = vector.broadcast %mul3A_347 : i32 to vector<16xi32>
      %mul3A_349 = arith.muli %add3A_301, %mul3A_348 : vector<16xi32>
      %add3A_350 = arith.constant 3 : i32
      %add3A_351 = vector.broadcast %add3A_350 : i32 to vector<16xi32>
      %add3A_352 = arith.addi %mul3A_349, %add3A_351 : vector<16xi32>
      %gather3A_353 = tpu.vector_load_idx %arg4[%add3A_352] : memref<4112xf32, #tpu.memory_space<vmem>>[vector<16xi32>], vector<16xf32>,
      %mul3A_354 = arith.constant 16 : i32
      %mul3A_355 = arith.muli %add3A_283, %mul3A_354 : i32
      %swap3A_356 = arith.constant 0 : i32
      %swap3A_357 = arith.constant 3 : i32
      %swap3A_358 = arith.index_cast %swap3A_356 : i32 to index
      %swap3A_359 = arith.index_cast %swap3A_357 : i32 to index
      %swap3A_360 = arith.index_cast %mul3A_355 : i32 to index
      %swap3A_361 = tpu.vector_load %arg5[%swap3A_358, %swap3A_359, %swap3A_360] {strides = array<i32>} : memref<2x8x4096xf32, #tpu.memory_space<vmem>>, vector<16xf32>,
      tpu.vector_store %arg5[%swap3A_358, %swap3A_359, %swap3A_360], %gather3A_353 {strides = array<i32>} : memref<2x8x4096xf32, #tpu.memory_space<vmem>>, vector<16xf32>,
      %mul3A_362 = arith.constant 16 : i32
      %mul3A_363 = vector.broadcast %mul3A_362 : i32 to vector<16xi32>
      %mul3A_364 = arith.muli %add3A_301, %mul3A_363 : vector<16xi32>
      %add3A_365 = arith.constant 4 : i32
      %add3A_366 = vector.broadcast %add3A_365 : i32 to vector<16xi32>
      %add3A_367 = arith.addi %mul3A_364, %add3A_366 : vector<16xi32>
      %gather3A_368 = tpu.vector_load_idx %arg4[%add3A_367] : memref<4112xf32, #tpu.memory_space<vmem>>[vector<16xi32>], vector<16xf32>,
      %mul3A_369 = arith.constant 16 : i32
      %mul3A_370 = arith.muli %add3A_283, %mul3A_369 : i32
      %swap3A_371 = arith.constant 0 : i32
      %swap3A_372 = arith.constant 4 : i32
      %swap3A_373 = arith.index_cast %swap3A_371 : i32 to index
      %swap3A_374 = arith.index_cast %swap3A_372 : i32 to index
      %swap3A_375 = arith.index_cast %mul3A_370 : i32 to index
      %swap3A_376 = tpu.vector_load %arg5[%swap3A_373, %swap3A_374, %swap3A_375] {strides = array<i32>} : memref<2x8x4096xf32, #tpu.memory_space<vmem>>, vector<16xf32>,
      tpu.vector_store %arg5[%swap3A_373, %swap3A_374, %swap3A_375], %gather3A_368 {strides = array<i32>} : memref<2x8x4096xf32, #tpu.memory_space<vmem>>, vector<16xf32>,
      %mul3A_377 = arith.constant 16 : i32
      %mul3A_378 = vector.broadcast %mul3A_377 : i32 to vector<16xi32>
      %mul3A_379 = arith.muli %add3A_301, %mul3A_378 : vector<16xi32>
      %add3A_380 = arith.constant 5 : i32
      %add3A_381 = vector.broadcast %add3A_380 : i32 to vector<16xi32>
      %add3A_382 = arith.addi %mul3A_379, %add3A_381 : vector<16xi32>
      %gather3A_383 = tpu.vector_load_idx %arg4[%add3A_382] : memref<4112xf32, #tpu.memory_space<vmem>>[vector<16xi32>], vector<16xf32>,
      %mul3A_384 = arith.constant 16 : i32
      %mul3A_385 = arith.muli %add3A_283, %mul3A_384 : i32
      %swap3A_386 = arith.constant 0 : i32
      %swap3A_387 = arith.constant 5 : i32
      %swap3A_388 = arith.index_cast %swap3A_386 : i32 to index
      %swap3A_389 = arith.index_cast %swap3A_387 : i32 to index
      %swap3A_390 = arith.index_cast %mul3A_385 : i32 to index
      %swap3A_391 = tpu.vector_load %arg5[%swap3A_388, %swap3A_389, %swap3A_390] {strides = array<i32>} : memref<2x8x4096xf32, #tpu.memory_space<vmem>>, vector<16xf32>,
      tpu.vector_store %arg5[%swap3A_388, %swap3A_389, %swap3A_390], %gather3A_383 {strides = array<i32>} : memref<2x8x4096xf32, #tpu.memory_space<vmem>>, vector<16xf32>,
      %mul3A_392 = arith.constant 16 : i32
      %mul3A_393 = vector.broadcast %mul3A_392 : i32 to vector<16xi32>
      %mul3A_394 = arith.muli %add3A_301, %mul3A_393 : vector<16xi32>
      %add3A_395 = arith.constant 6 : i32
      %add3A_396 = vector.broadcast %add3A_395 : i32 to vector<16xi32>
      %add3A_397 = arith.addi %mul3A_394, %add3A_396 : vector<16xi32>
      %gather3A_398 = tpu.vector_load_idx %arg4[%add3A_397] : memref<4112xf32, #tpu.memory_space<vmem>>[vector<16xi32>], vector<16xf32>,
      %mul3A_399 = arith.constant 16 : i32
      %mul3A_400 = arith.muli %add3A_283, %mul3A_399 : i32
      %swap3A_401 = arith.constant 0 : i32
      %swap3A_402 = arith.constant 6 : i32
      %swap3A_403 = arith.index_cast %swap3A_401 : i32 to index
      %swap3A_404 = arith.index_cast %swap3A_402 : i32 to index
      %swap3A_405 = arith.index_cast %mul3A_400 : i32 to index
      %swap3A_406 = tpu.vector_load %arg5[%swap3A_403, %swap3A_404, %swap3A_405] {strides = array<i32>} : memref<2x8x4096xf32, #tpu.memory_space<vmem>>, vector<16xf32>,
      tpu.vector_store %arg5[%swap3A_403, %swap3A_404, %swap3A_405], %gather3A_398 {strides = array<i32>} : memref<2x8x4096xf32, #tpu.memory_space<vmem>>, vector<16xf32>,
      %mul3A_407 = arith.constant 16 : i32
      %mul3A_408 = vector.broadcast %mul3A_407 : i32 to vector<16xi32>
      %mul3A_409 = arith.muli %add3A_301, %mul3A_408 : vector<16xi32>
      %add3A_410 = arith.constant 7 : i32
      %add3A_411 = vector.broadcast %add3A_410 : i32 to vector<16xi32>
      %add3A_412 = arith.addi %mul3A_409, %add3A_411 : vector<16xi32>
      %gather3A_413 = tpu.vector_load_idx %arg4[%add3A_412] : memref<4112xf32, #tpu.memory_space<vmem>>[vector<16xi32>], vector<16xf32>,
      %mul3A_414 = arith.constant 16 : i32
      %mul3A_415 = arith.muli %add3A_283, %mul3A_414 : i32
      %swap3A_416 = arith.constant 0 : i32
      %swap3A_417 = arith.constant 7 : i32
      %swap3A_418 = arith.index_cast %swap3A_416 : i32 to index
      %swap3A_419 = arith.index_cast %swap3A_417 : i32 to index
      %swap3A_420 = arith.index_cast %mul3A_415 : i32 to index
      %swap3A_421 = tpu.vector_load %arg5[%swap3A_418, %swap3A_419, %swap3A_420] {strides = array<i32>} : memref<2x8x4096xf32, #tpu.memory_space<vmem>>, vector<16xf32>,
      tpu.vector_store %arg5[%swap3A_418, %swap3A_419, %swap3A_420], %gather3A_413 {strides = array<i32>} : memref<2x8x4096xf32, #tpu.memory_space<vmem>>, vector<16xf32>,
      %mul3A_422 = arith.constant 16 : i32
      %mul3A_423 = vector.broadcast %mul3A_422 : i32 to vector<16xi32>
      %mul3A_424 = arith.muli %add3A_301, %mul3A_423 : vector<16xi32>
      %add3A_425 = arith.constant 8 : i32
      %add3A_426 = vector.broadcast %add3A_425 : i32 to vector<16xi32>
      %add3A_427 = arith.addi %mul3A_424, %add3A_426 : vector<16xi32>
      %gather3A_428 = tpu.vector_load_idx %arg4[%add3A_427] : memref<4112xf32, #tpu.memory_space<vmem>>[vector<16xi32>], vector<16xf32>,
      %mul3A_429 = arith.constant 16 : i32
      %mul3A_430 = arith.muli %add3A_283, %mul3A_429 : i32
      %swap3A_431 = arith.constant 1 : i32
      %swap3A_432 = arith.constant 0 : i32
      %swap3A_433 = arith.index_cast %swap3A_431 : i32 to index
      %swap3A_434 = arith.index_cast %swap3A_432 : i32 to index
      %swap3A_435 = arith.index_cast %mul3A_430 : i32 to index
      %swap3A_436 = tpu.vector_load %arg5[%swap3A_433, %swap3A_434, %swap3A_435] {strides = array<i32>} : memref<2x8x4096xf32, #tpu.memory_space<vmem>>, vector<16xf32>,
      tpu.vector_store %arg5[%swap3A_433, %swap3A_434, %swap3A_435], %gather3A_428 {strides = array<i32>} : memref<2x8x4096xf32, #tpu.memory_space<vmem>>, vector<16xf32>,
      %mul3A_437 = arith.constant 16 : i32
      %mul3A_438 = vector.broadcast %mul3A_437 : i32 to vector<16xi32>
      %mul3A_439 = arith.muli %add3A_301, %mul3A_438 : vector<16xi32>
      %add3A_440 = arith.constant 9 : i32
      %add3A_441 = vector.broadcast %add3A_440 : i32 to vector<16xi32>
      %add3A_442 = arith.addi %mul3A_439, %add3A_441 : vector<16xi32>
      %gather3A_443 = tpu.vector_load_idx %arg4[%add3A_442] : memref<4112xf32, #tpu.memory_space<vmem>>[vector<16xi32>], vector<16xf32>,
      %mul3A_444 = arith.constant 16 : i32
      %mul3A_445 = arith.muli %add3A_283, %mul3A_444 : i32
      %swap3A_446 = arith.constant 1 : i32
      %swap3A_447 = arith.constant 1 : i32
      %swap3A_448 = arith.index_cast %swap3A_446 : i32 to index
      %swap3A_449 = arith.index_cast %swap3A_447 : i32 to index
      %swap3A_450 = arith.index_cast %mul3A_445 : i32 to index
      %swap3A_451 = tpu.vector_load %arg5[%swap3A_448, %swap3A_449, %swap3A_450] {strides = array<i32>} : memref<2x8x4096xf32, #tpu.memory_space<vmem>>, vector<16xf32>,
      tpu.vector_store %arg5[%swap3A_448, %swap3A_449, %swap3A_450], %gather3A_443 {strides = array<i32>} : memref<2x8x4096xf32, #tpu.memory_space<vmem>>, vector<16xf32>,
      %mul3A_452 = arith.constant 16 : i32
      %mul3A_453 = vector.broadcast %mul3A_452 : i32 to vector<16xi32>
      %mul3A_454 = arith.muli %add3A_301, %mul3A_453 : vector<16xi32>
      %add3A_455 = arith.constant 10 : i32
      %add3A_456 = vector.broadcast %add3A_455 : i32 to vector<16xi32>
      %add3A_457 = arith.addi %mul3A_454, %add3A_456 : vector<16xi32>
      %gather3A_458 = tpu.vector_load_idx %arg4[%add3A_457] : memref<4112xf32, #tpu.memory_space<vmem>>[vector<16xi32>], vector<16xf32>,
      %mul3A_459 = arith.constant 16 : i32
      %mul3A_460 = arith.muli %add3A_283, %mul3A_459 : i32
      %swap3A_461 = arith.constant 1 : i32
      %swap3A_462 = arith.constant 2 : i32
      %swap3A_463 = arith.index_cast %swap3A_461 : i32 to index
      %swap3A_464 = arith.index_cast %swap3A_462 : i32 to index
      %swap3A_465 = arith.index_cast %mul3A_460 : i32 to index
      %swap3A_466 = tpu.vector_load %arg5[%swap3A_463, %swap3A_464, %swap3A_465] {strides = array<i32>} : memref<2x8x4096xf32, #tpu.memory_space<vmem>>, vector<16xf32>,
      tpu.vector_store %arg5[%swap3A_463, %swap3A_464, %swap3A_465], %gather3A_458 {strides = array<i32>} : memref<2x8x4096xf32, #tpu.memory_space<vmem>>, vector<16xf32>,
      %mul3A_467 = arith.constant 16 : i32
      %mul3A_468 = vector.broadcast %mul3A_467 : i32 to vector<16xi32>
      %mul3A_469 = arith.muli %add3A_301, %mul3A_468 : vector<16xi32>
      %add3A_470 = arith.constant 11 : i32
      %add3A_471 = vector.broadcast %add3A_470 : i32 to vector<16xi32>
      %add3A_472 = arith.addi %mul3A_469, %add3A_471 : vector<16xi32>
      %gather3A_473 = tpu.vector_load_idx %arg4[%add3A_472] : memref<4112xf32, #tpu.memory_space<vmem>>[vector<16xi32>], vector<16xf32>,
      %mul3A_474 = arith.constant 16 : i32
      %mul3A_475 = arith.muli %add3A_283, %mul3A_474 : i32
      %swap3A_476 = arith.constant 1 : i32
      %swap3A_477 = arith.constant 3 : i32
      %swap3A_478 = arith.index_cast %swap3A_476 : i32 to index
      %swap3A_479 = arith.index_cast %swap3A_477 : i32 to index
      %swap3A_480 = arith.index_cast %mul3A_475 : i32 to index
      %swap3A_481 = tpu.vector_load %arg5[%swap3A_478, %swap3A_479, %swap3A_480] {strides = array<i32>} : memref<2x8x4096xf32, #tpu.memory_space<vmem>>, vector<16xf32>,
      tpu.vector_store %arg5[%swap3A_478, %swap3A_479, %swap3A_480], %gather3A_473 {strides = array<i32>} : memref<2x8x4096xf32, #tpu.memory_space<vmem>>, vector<16xf32>,
      %mul3A_482 = arith.constant 16 : i32
      %mul3A_483 = vector.broadcast %mul3A_482 : i32 to vector<16xi32>
      %mul3A_484 = arith.muli %add3A_301, %mul3A_483 : vector<16xi32>
      %add3A_485 = arith.constant 12 : i32
      %add3A_486 = vector.broadcast %add3A_485 : i32 to vector<16xi32>
      %add3A_487 = arith.addi %mul3A_484, %add3A_486 : vector<16xi32>
      %gather3A_488 = tpu.vector_load_idx %arg4[%add3A_487] : memref<4112xf32, #tpu.memory_space<vmem>>[vector<16xi32>], vector<16xf32>,
      %mul3A_489 = arith.constant 16 : i32
      %mul3A_490 = arith.muli %add3A_283, %mul3A_489 : i32
      %swap3A_491 = arith.constant 1 : i32
      %swap3A_492 = arith.constant 4 : i32
      %swap3A_493 = arith.index_cast %swap3A_491 : i32 to index
      %swap3A_494 = arith.index_cast %swap3A_492 : i32 to index
      %swap3A_495 = arith.index_cast %mul3A_490 : i32 to index
      %swap3A_496 = tpu.vector_load %arg5[%swap3A_493, %swap3A_494, %swap3A_495] {strides = array<i32>} : memref<2x8x4096xf32, #tpu.memory_space<vmem>>, vector<16xf32>,
      tpu.vector_store %arg5[%swap3A_493, %swap3A_494, %swap3A_495], %gather3A_488 {strides = array<i32>} : memref<2x8x4096xf32, #tpu.memory_space<vmem>>, vector<16xf32>,
      %mul3A_497 = arith.constant 16 : i32
      %mul3A_498 = vector.broadcast %mul3A_497 : i32 to vector<16xi32>
      %mul3A_499 = arith.muli %add3A_301, %mul3A_498 : vector<16xi32>
      %add3A_500 = arith.constant 13 : i32
      %add3A_501 = vector.broadcast %add3A_500 : i32 to vector<16xi32>
      %add3A_502 = arith.addi %mul3A_499, %add3A_501 : vector<16xi32>
      %gather3A_503 = tpu.vector_load_idx %arg4[%add3A_502] : memref<4112xf32, #tpu.memory_space<vmem>>[vector<16xi32>], vector<16xf32>,
      %mul3A_504 = arith.constant 16 : i32
      %mul3A_505 = arith.muli %add3A_283, %mul3A_504 : i32
      %swap3A_506 = arith.constant 1 : i32
      %swap3A_507 = arith.constant 5 : i32
      %swap3A_508 = arith.index_cast %swap3A_506 : i32 to index
      %swap3A_509 = arith.index_cast %swap3A_507 : i32 to index
      %swap3A_510 = arith.index_cast %mul3A_505 : i32 to index
      %swap3A_511 = tpu.vector_load %arg5[%swap3A_508, %swap3A_509, %swap3A_510] {strides = array<i32>} : memref<2x8x4096xf32, #tpu.memory_space<vmem>>, vector<16xf32>,
      tpu.vector_store %arg5[%swap3A_508, %swap3A_509, %swap3A_510], %gather3A_503 {strides = array<i32>} : memref<2x8x4096xf32, #tpu.memory_space<vmem>>, vector<16xf32>,
      %mul3A_512 = arith.constant 16 : i32
      %mul3A_513 = vector.broadcast %mul3A_512 : i32 to vector<16xi32>
      %mul3A_514 = arith.muli %add3A_301, %mul3A_513 : vector<16xi32>
      %add3A_515 = arith.constant 14 : i32
      %add3A_516 = vector.broadcast %add3A_515 : i32 to vector<16xi32>
      %add3A_517 = arith.addi %mul3A_514, %add3A_516 : vector<16xi32>
      %gather3A_518 = tpu.vector_load_idx %arg4[%add3A_517] : memref<4112xf32, #tpu.memory_space<vmem>>[vector<16xi32>], vector<16xf32>,
      %mul3A_519 = arith.constant 16 : i32
      %mul3A_520 = arith.muli %add3A_283, %mul3A_519 : i32
      %swap3A_521 = arith.constant 1 : i32
      %swap3A_522 = arith.constant 6 : i32
      %swap3A_523 = arith.index_cast %swap3A_521 : i32 to index
      %swap3A_524 = arith.index_cast %swap3A_522 : i32 to index
      %swap3A_525 = arith.index_cast %mul3A_520 : i32 to index
      %swap3A_526 = tpu.vector_load %arg5[%swap3A_523, %swap3A_524, %swap3A_525] {strides = array<i32>} : memref<2x8x4096xf32, #tpu.memory_space<vmem>>, vector<16xf32>,
      tpu.vector_store %arg5[%swap3A_523, %swap3A_524, %swap3A_525], %gather3A_518 {strides = array<i32>} : memref<2x8x4096xf32, #tpu.memory_space<vmem>>, vector<16xf32>,
      %mul3A_527 = arith.constant 16 : i32
      %mul3A_528 = vector.broadcast %mul3A_527 : i32 to vector<16xi32>
      %mul3A_529 = arith.muli %add3A_301, %mul3A_528 : vector<16xi32>
      %add3A_530 = arith.constant 15 : i32
      %add3A_531 = vector.broadcast %add3A_530 : i32 to vector<16xi32>
      %add3A_532 = arith.addi %mul3A_529, %add3A_531 : vector<16xi32>
      %gather3A_533 = tpu.vector_load_idx %arg4[%add3A_532] : memref<4112xf32, #tpu.memory_space<vmem>>[vector<16xi32>], vector<16xf32>,
      %mul3A_534 = arith.constant 16 : i32
      %mul3A_535 = arith.muli %add3A_283, %mul3A_534 : i32
      %swap3A_536 = arith.constant 1 : i32
      %swap3A_537 = arith.constant 7 : i32
      %swap3A_538 = arith.index_cast %swap3A_536 : i32 to index
      %swap3A_539 = arith.index_cast %swap3A_537 : i32 to index
      %swap3A_540 = arith.index_cast %mul3A_535 : i32 to index
      %swap3A_541 = tpu.vector_load %arg5[%swap3A_538, %swap3A_539, %swap3A_540] {strides = array<i32>} : memref<2x8x4096xf32, #tpu.memory_space<vmem>>, vector<16xf32>,
      tpu.vector_store %arg5[%swap3A_538, %swap3A_539, %swap3A_540], %gather3A_533 {strides = array<i32>} : memref<2x8x4096xf32, #tpu.memory_space<vmem>>, vector<16xf32>,
      %mul3A_542 = arith.constant 8 : i32
      %mul3A_543 = arith.muli %mul3A_542, %scan3A_21 : i32
      %add3A_544 = arith.constant 2 : i32
      %add3A_545 = arith.addi %mul3A_543, %add3A_544 : i32
      %mul3A_546 = arith.constant 16 : i32
      %mul3A_547 = arith.muli %add3A_545, %mul3A_546 : i32
      %add3A_548 = vector.broadcast %mul3A_547 : i32 to vector<16xi32>
      %add3A_549 = arith.addi %add3A_548, %iota3A : vector<16xi32>
      %add3A_550 = vector.broadcast %sub3A_1 : i32 to vector<16xi32>
      %add3A_551 = arith.addi %add3A_549, %add3A_550 : vector<16xi32>
      %sub3A_552 = arith.constant 2047 : i32
      %sub3A_553 = vector.broadcast %sub3A_552 : i32 to vector<16xi32>
      %sub3A_554 = arith.subi %sub3A_553, %add3A_551 : vector<16xi32>
      %min3A_555 = arith.constant 128 : i32
      %min3A_556 = vector.broadcast %min3A_555 : i32 to vector<16xi32>
      %min3A_557 = arith.minsi %sub3A_554, %min3A_556 : vector<16xi32>
      %max3A_558 = arith.constant -128 : i32
      %max3A_559 = vector.broadcast %max3A_558 : i32 to vector<16xi32>
      %max3A_560 = arith.maxsi %min3A_557, %max3A_559 : vector<16xi32>
      %add3A_561 = arith.constant 128 : i32
      %add3A_562 = vector.broadcast %add3A_561 : i32 to vector<16xi32>
      %add3A_563 = arith.addi %max3A_560, %add3A_562 : vector<16xi32>
      %mul3A_564 = arith.constant 16 : i32
      %mul3A_565 = vector.broadcast %mul3A_564 : i32 to vector<16xi32>
      %mul3A_566 = arith.muli %add3A_563, %mul3A_565 : vector<16xi32>
      %add3A_567 = arith.constant 0 : i32
      %add3A_568 = vector.broadcast %add3A_567 : i32 to vector<16xi32>
      %add3A_569 = arith.addi %mul3A_566, %add3A_568 : vector<16xi32>
      %gather3A_570 = tpu.vector_load_idx %arg4[%add3A_569] : memref<4112xf32, #tpu.memory_space<vmem>>[vector<16xi32>], vector<16xf32>,
      %mul3A_571 = arith.constant 16 : i32
      %mul3A_572 = arith.muli %add3A_545, %mul3A_571 : i32
      %swap3A_573 = arith.constant 0 : i32
      %swap3A_574 = arith.constant 0 : i32
      %swap3A_575 = arith.index_cast %swap3A_573 : i32 to index
      %swap3A_576 = arith.index_cast %swap3A_574 : i32 to index
      %swap3A_577 = arith.index_cast %mul3A_572 : i32 to index
      %swap3A_578 = tpu.vector_load %arg5[%swap3A_575, %swap3A_576, %swap3A_577] {strides = array<i32>} : memref<2x8x4096xf32, #tpu.memory_space<vmem>>, vector<16xf32>,
      tpu.vector_store %arg5[%swap3A_575, %swap3A_576, %swap3A_577], %gather3A_570 {strides = array<i32>} : memref<2x8x4096xf32, #tpu.memory_space<vmem>>, vector<16xf32>,
      %mul3A_579 = arith.constant 16 : i32
      %mul3A_580 = vector.broadcast %mul3A_579 : i32 to vector<16xi32>
      %mul3A_581 = arith.muli %add3A_563, %mul3A_580 : vector<16xi32>
      %add3A_582 = arith.constant 1 : i32
      %add3A_583 = vector.broadcast %add3A_582 : i32 to vector<16xi32>
      %add3A_584 = arith.addi %mul3A_581, %add3A_583 : vector<16xi32>
      %gather3A_585 = tpu.vector_load_idx %arg4[%add3A_584] : memref<4112xf32, #tpu.memory_space<vmem>>[vector<16xi32>], vector<16xf32>,
      %mul3A_586 = arith.constant 16 : i32
      %mul3A_587 = arith.muli %add3A_545, %mul3A_586 : i32
      %swap3A_588 = arith.constant 0 : i32
      %swap3A_589 = arith.constant 1 : i32
      %swap3A_590 = arith.index_cast %swap3A_588 : i32 to index
      %swap3A_591 = arith.index_cast %swap3A_589 : i32 to index
      %swap3A_592 = arith.index_cast %mul3A_587 : i32 to index
      %swap3A_593 = tpu.vector_load %arg5[%swap3A_590, %swap3A_591, %swap3A_592] {strides = array<i32>} : memref<2x8x4096xf32, #tpu.memory_space<vmem>>, vector<16xf32>,
      tpu.vector_store %arg5[%swap3A_590, %swap3A_591, %swap3A_592], %gather3A_585 {strides = array<i32>} : memref<2x8x4096xf32, #tpu.memory_space<vmem>>, vector<16xf32>,
      %mul3A_594 = arith.constant 16 : i32
      %mul3A_595 = vector.broadcast %mul3A_594 : i32 to vector<16xi32>
      %mul3A_596 = arith.muli %add3A_563, %mul3A_595 : vector<16xi32>
      %add3A_597 = arith.constant 2 : i32
      %add3A_598 = vector.broadcast %add3A_597 : i32 to vector<16xi32>
      %add3A_599 = arith.addi %mul3A_596, %add3A_598 : vector<16xi32>
      %gather3A_600 = tpu.vector_load_idx %arg4[%add3A_599] : memref<4112xf32, #tpu.memory_space<vmem>>[vector<16xi32>], vector<16xf32>,
      %mul3A_601 = arith.constant 16 : i32
      %mul3A_602 = arith.muli %add3A_545, %mul3A_601 : i32
      %swap3A_603 = arith.constant 0 : i32
      %swap3A_604 = arith.constant 2 : i32
      %swap3A_605 = arith.index_cast %swap3A_603 : i32 to index
      %swap3A_606 = arith.index_cast %swap3A_604 : i32 to index
      %swap3A_607 = arith.index_cast %mul3A_602 : i32 to index
      %swap3A_608 = tpu.vector_load %arg5[%swap3A_605, %swap3A_606, %swap3A_607] {strides = array<i32>} : memref<2x8x4096xf32, #tpu.memory_space<vmem>>, vector<16xf32>,
      tpu.vector_store %arg5[%swap3A_605, %swap3A_606, %swap3A_607], %gather3A_600 {strides = array<i32>} : memref<2x8x4096xf32, #tpu.memory_space<vmem>>, vector<16xf32>,
      %mul3A_609 = arith.constant 16 : i32
      %mul3A_610 = vector.broadcast %mul3A_609 : i32 to vector<16xi32>
      %mul3A_611 = arith.muli %add3A_563, %mul3A_610 : vector<16xi32>
      %add3A_612 = arith.constant 3 : i32
      %add3A_613 = vector.broadcast %add3A_612 : i32 to vector<16xi32>
      %add3A_614 = arith.addi %mul3A_611, %add3A_613 : vector<16xi32>
      %gather3A_615 = tpu.vector_load_idx %arg4[%add3A_614] : memref<4112xf32, #tpu.memory_space<vmem>>[vector<16xi32>], vector<16xf32>,
      %mul3A_616 = arith.constant 16 : i32
      %mul3A_617 = arith.muli %add3A_545, %mul3A_616 : i32
      %swap3A_618 = arith.constant 0 : i32
      %swap3A_619 = arith.constant 3 : i32
      %swap3A_620 = arith.index_cast %swap3A_618 : i32 to index
      %swap3A_621 = arith.index_cast %swap3A_619 : i32 to index
      %swap3A_622 = arith.index_cast %mul3A_617 : i32 to index
      %swap3A_623 = tpu.vector_load %arg5[%swap3A_620, %swap3A_621, %swap3A_622] {strides = array<i32>} : memref<2x8x4096xf32, #tpu.memory_space<vmem>>, vector<16xf32>,
      tpu.vector_store %arg5[%swap3A_620, %swap3A_621, %swap3A_622], %gather3A_615 {strides = array<i32>} : memref<2x8x4096xf32, #tpu.memory_space<vmem>>, vector<16xf32>,
      %mul3A_624 = arith.constant 16 : i32
      %mul3A_625 = vector.broadcast %mul3A_624 : i32 to vector<16xi32>
      %mul3A_626 = arith.muli %add3A_563, %mul3A_625 : vector<16xi32>
      %add3A_627 = arith.constant 4 : i32
      %add3A_628 = vector.broadcast %add3A_627 : i32 to vector<16xi32>
      %add3A_629 = arith.addi %mul3A_626, %add3A_628 : vector<16xi32>
      %gather3A_630 = tpu.vector_load_idx %arg4[%add3A_629] : memref<4112xf32, #tpu.memory_space<vmem>>[vector<16xi32>], vector<16xf32>,
      %mul3A_631 = arith.constant 16 : i32
      %mul3A_632 = arith.muli %add3A_545, %mul3A_631 : i32
      %swap3A_633 = arith.constant 0 : i32
      %swap3A_634 = arith.constant 4 : i32
      %swap3A_635 = arith.index_cast %swap3A_633 : i32 to index
      %swap3A_636 = arith.index_cast %swap3A_634 : i32 to index
      %swap3A_637 = arith.index_cast %mul3A_632 : i32 to index
      %swap3A_638 = tpu.vector_load %arg5[%swap3A_635, %swap3A_636, %swap3A_637] {strides = array<i32>} : memref<2x8x4096xf32, #tpu.memory_space<vmem>>, vector<16xf32>,
      tpu.vector_store %arg5[%swap3A_635, %swap3A_636, %swap3A_637], %gather3A_630 {strides = array<i32>} : memref<2x8x4096xf32, #tpu.memory_space<vmem>>, vector<16xf32>,
      %mul3A_639 = arith.constant 16 : i32
      %mul3A_640 = vector.broadcast %mul3A_639 : i32 to vector<16xi32>
      %mul3A_641 = arith.muli %add3A_563, %mul3A_640 : vector<16xi32>
      %add3A_642 = arith.constant 5 : i32
      %add3A_643 = vector.broadcast %add3A_642 : i32 to vector<16xi32>
      %add3A_644 = arith.addi %mul3A_641, %add3A_643 : vector<16xi32>
      %gather3A_645 = tpu.vector_load_idx %arg4[%add3A_644] : memref<4112xf32, #tpu.memory_space<vmem>>[vector<16xi32>], vector<16xf32>,
      %mul3A_646 = arith.constant 16 : i32
      %mul3A_647 = arith.muli %add3A_545, %mul3A_646 : i32
      %swap3A_648 = arith.constant 0 : i32
      %swap3A_649 = arith.constant 5 : i32
      %swap3A_650 = arith.index_cast %swap3A_648 : i32 to index
      %swap3A_651 = arith.index_cast %swap3A_649 : i32 to index
      %swap3A_652 = arith.index_cast %mul3A_647 : i32 to index
      %swap3A_653 = tpu.vector_load %arg5[%swap3A_650, %swap3A_651, %swap3A_652] {strides = array<i32>} : memref<2x8x4096xf32, #tpu.memory_space<vmem>>, vector<16xf32>,
      tpu.vector_store %arg5[%swap3A_650, %swap3A_651, %swap3A_652], %gather3A_645 {strides = array<i32>} : memref<2x8x4096xf32, #tpu.memory_space<vmem>>, vector<16xf32>,
      %mul3A_654 = arith.constant 16 : i32
      %mul3A_655 = vector.broadcast %mul3A_654 : i32 to vector<16xi32>
      %mul3A_656 = arith.muli %add3A_563, %mul3A_655 : vector<16xi32>
      %add3A_657 = arith.constant 6 : i32
      %add3A_658 = vector.broadcast %add3A_657 : i32 to vector<16xi32>
      %add3A_659 = arith.addi %mul3A_656, %add3A_658 : vector<16xi32>
      %gather3A_660 = tpu.vector_load_idx %arg4[%add3A_659] : memref<4112xf32, #tpu.memory_space<vmem>>[vector<16xi32>], vector<16xf32>,
      %mul3A_661 = arith.constant 16 : i32
      %mul3A_662 = arith.muli %add3A_545, %mul3A_661 : i32
      %swap3A_663 = arith.constant 0 : i32
      %swap3A_664 = arith.constant 6 : i32
      %swap3A_665 = arith.index_cast %swap3A_663 : i32 to index
      %swap3A_666 = arith.index_cast %swap3A_664 : i32 to index
      %swap3A_667 = arith.index_cast %mul3A_662 : i32 to index
      %swap3A_668 = tpu.vector_load %arg5[%swap3A_665, %swap3A_666, %swap3A_667] {strides = array<i32>} : memref<2x8x4096xf32, #tpu.memory_space<vmem>>, vector<16xf32>,
      tpu.vector_store %arg5[%swap3A_665, %swap3A_666, %swap3A_667], %gather3A_660 {strides = array<i32>} : memref<2x8x4096xf32, #tpu.memory_space<vmem>>, vector<16xf32>,
      %mul3A_669 = arith.constant 16 : i32
      %mul3A_670 = vector.broadcast %mul3A_669 : i32 to vector<16xi32>
      %mul3A_671 = arith.muli %add3A_563, %mul3A_670 : vector<16xi32>
      %add3A_672 = arith.constant 7 : i32
      %add3A_673 = vector.broadcast %add3A_672 : i32 to vector<16xi32>
      %add3A_674 = arith.addi %mul3A_671, %add3A_673 : vector<16xi32>
      %gather3A_675 = tpu.vector_load_idx %arg4[%add3A_674] : memref<4112xf32, #tpu.memory_space<vmem>>[vector<16xi32>], vector<16xf32>,
      %mul3A_676 = arith.constant 16 : i32
      %mul3A_677 = arith.muli %add3A_545, %mul3A_676 : i32
      %swap3A_678 = arith.constant 0 : i32
      %swap3A_679 = arith.constant 7 : i32
      %swap3A_680 = arith.index_cast %swap3A_678 : i32 to index
      %swap3A_681 = arith.index_cast %swap3A_679 : i32 to index
      %swap3A_682 = arith.index_cast %mul3A_677 : i32 to index
      %swap3A_683 = tpu.vector_load %arg5[%swap3A_680, %swap3A_681, %swap3A_682] {strides = array<i32>} : memref<2x8x4096xf32, #tpu.memory_space<vmem>>, vector<16xf32>,
      tpu.vector_store %arg5[%swap3A_680, %swap3A_681, %swap3A_682], %gather3A_675 {strides = array<i32>} : memref<2x8x4096xf32, #tpu.memory_space<vmem>>, vector<16xf32>,
      %mul3A_684 = arith.constant 16 : i32
      %mul3A_685 = vector.broadcast %mul3A_684 : i32 to vector<16xi32>
      %mul3A_686 = arith.muli %add3A_563, %mul3A_685 : vector<16xi32>
      %add3A_687 = arith.constant 8 : i32
      %add3A_688 = vector.broadcast %add3A_687 : i32 to vector<16xi32>
      %add3A_689 = arith.addi %mul3A_686, %add3A_688 : vector<16xi32>
      %gather3A_690 = tpu.vector_load_idx %arg4[%add3A_689] : memref<4112xf32, #tpu.memory_space<vmem>>[vector<16xi32>], vector<16xf32>,
      %mul3A_691 = arith.constant 16 : i32
      %mul3A_692 = arith.muli %add3A_545, %mul3A_691 : i32
      %swap3A_693 = arith.constant 1 : i32
      %swap3A_694 = arith.constant 0 : i32
      %swap3A_695 = arith.index_cast %swap3A_693 : i32 to index
      %swap3A_696 = arith.index_cast %swap3A_694 : i32 to index
      %swap3A_697 = arith.index_cast %mul3A_692 : i32 to index
      %swap3A_698 = tpu.vector_load %arg5[%swap3A_695, %swap3A_696, %swap3A_697] {strides = array<i32>} : memref<2x8x4096xf32, #tpu.memory_space<vmem>>, vector<16xf32>,
      tpu.vector_store %arg5[%swap3A_695, %swap3A_696, %swap3A_697], %gather3A_690 {strides = array<i32>} : memref<2x8x4096xf32, #tpu.memory_space<vmem>>, vector<16xf32>,
      %mul3A_699 = arith.constant 16 : i32
      %mul3A_700 = vector.broadcast %mul3A_699 : i32 to vector<16xi32>
      %mul3A_701 = arith.muli %add3A_563, %mul3A_700 : vector<16xi32>
      %add3A_702 = arith.constant 9 : i32
      %add3A_703 = vector.broadcast %add3A_702 : i32 to vector<16xi32>
      %add3A_704 = arith.addi %mul3A_701, %add3A_703 : vector<16xi32>
      %gather3A_705 = tpu.vector_load_idx %arg4[%add3A_704] : memref<4112xf32, #tpu.memory_space<vmem>>[vector<16xi32>], vector<16xf32>,
      %mul3A_706 = arith.constant 16 : i32
      %mul3A_707 = arith.muli %add3A_545, %mul3A_706 : i32
      %swap3A_708 = arith.constant 1 : i32
      %swap3A_709 = arith.constant 1 : i32
      %swap3A_710 = arith.index_cast %swap3A_708 : i32 to index
      %swap3A_711 = arith.index_cast %swap3A_709 : i32 to index
      %swap3A_712 = arith.index_cast %mul3A_707 : i32 to index
      %swap3A_713 = tpu.vector_load %arg5[%swap3A_710, %swap3A_711, %swap3A_712] {strides = array<i32>} : memref<2x8x4096xf32, #tpu.memory_space<vmem>>, vector<16xf32>,
      tpu.vector_store %arg5[%swap3A_710, %swap3A_711, %swap3A_712], %gather3A_705 {strides = array<i32>} : memref<2x8x4096xf32, #tpu.memory_space<vmem>>, vector<16xf32>,
      %mul3A_714 = arith.constant 16 : i32
      %mul3A_715 = vector.broadcast %mul3A_714 : i32 to vector<16xi32>
      %mul3A_716 = arith.muli %add3A_563, %mul3A_715 : vector<16xi32>
      %add3A_717 = arith.constant 10 : i32
      %add3A_718 = vector.broadcast %add3A_717 : i32 to vector<16xi32>
      %add3A_719 = arith.addi %mul3A_716, %add3A_718 : vector<16xi32>
      %gather3A_720 = tpu.vector_load_idx %arg4[%add3A_719] : memref<4112xf32, #tpu.memory_space<vmem>>[vector<16xi32>], vector<16xf32>,
      %mul3A_721 = arith.constant 16 : i32
      %mul3A_722 = arith.muli %add3A_545, %mul3A_721 : i32
      %swap3A_723 = arith.constant 1 : i32
      %swap3A_724 = arith.constant 2 : i32
      %swap3A_725 = arith.index_cast %swap3A_723 : i32 to index
      %swap3A_726 = arith.index_cast %swap3A_724 : i32 to index
      %swap3A_727 = arith.index_cast %mul3A_722 : i32 to index
      %swap3A_728 = tpu.vector_load %arg5[%swap3A_725, %swap3A_726, %swap3A_727] {strides = array<i32>} : memref<2x8x4096xf32, #tpu.memory_space<vmem>>, vector<16xf32>,
      tpu.vector_store %arg5[%swap3A_725, %swap3A_726, %swap3A_727], %gather3A_720 {strides = array<i32>} : memref<2x8x4096xf32, #tpu.memory_space<vmem>>, vector<16xf32>,
      %mul3A_729 = arith.constant 16 : i32
      %mul3A_730 = vector.broadcast %mul3A_729 : i32 to vector<16xi32>
      %mul3A_731 = arith.muli %add3A_563, %mul3A_730 : vector<16xi32>
      %add3A_732 = arith.constant 11 : i32
      %add3A_733 = vector.broadcast %add3A_732 : i32 to vector<16xi32>
      %add3A_734 = arith.addi %mul3A_731, %add3A_733 : vector<16xi32>
      %gather3A_735 = tpu.vector_load_idx %arg4[%add3A_734] : memref<4112xf32, #tpu.memory_space<vmem>>[vector<16xi32>], vector<16xf32>,
      %mul3A_736 = arith.constant 16 : i32
      %mul3A_737 = arith.muli %add3A_545, %mul3A_736 : i32
      %swap3A_738 = arith.constant 1 : i32
      %swap3A_739 = arith.constant 3 : i32
      %swap3A_740 = arith.index_cast %swap3A_738 : i32 to index
      %swap3A_741 = arith.index_cast %swap3A_739 : i32 to index
      %swap3A_742 = arith.index_cast %mul3A_737 : i32 to index
      %swap3A_743 = tpu.vector_load %arg5[%swap3A_740, %swap3A_741, %swap3A_742] {strides = array<i32>} : memref<2x8x4096xf32, #tpu.memory_space<vmem>>, vector<16xf32>,
      tpu.vector_store %arg5[%swap3A_740, %swap3A_741, %swap3A_742], %gather3A_735 {strides = array<i32>} : memref<2x8x4096xf32, #tpu.memory_space<vmem>>, vector<16xf32>,
      %mul3A_744 = arith.constant 16 : i32
      %mul3A_745 = vector.broadcast %mul3A_744 : i32 to vector<16xi32>
      %mul3A_746 = arith.muli %add3A_563, %mul3A_745 : vector<16xi32>
      %add3A_747 = arith.constant 12 : i32
      %add3A_748 = vector.broadcast %add3A_747 : i32 to vector<16xi32>
      %add3A_749 = arith.addi %mul3A_746, %add3A_748 : vector<16xi32>
      %gather3A_750 = tpu.vector_load_idx %arg4[%add3A_749] : memref<4112xf32, #tpu.memory_space<vmem>>[vector<16xi32>], vector<16xf32>,
      %mul3A_751 = arith.constant 16 : i32
      %mul3A_752 = arith.muli %add3A_545, %mul3A_751 : i32
      %swap3A_753 = arith.constant 1 : i32
      %swap3A_754 = arith.constant 4 : i32
      %swap3A_755 = arith.index_cast %swap3A_753 : i32 to index
      %swap3A_756 = arith.index_cast %swap3A_754 : i32 to index
      %swap3A_757 = arith.index_cast %mul3A_752 : i32 to index
      %swap3A_758 = tpu.vector_load %arg5[%swap3A_755, %swap3A_756, %swap3A_757] {strides = array<i32>} : memref<2x8x4096xf32, #tpu.memory_space<vmem>>, vector<16xf32>,
      tpu.vector_store %arg5[%swap3A_755, %swap3A_756, %swap3A_757], %gather3A_750 {strides = array<i32>} : memref<2x8x4096xf32, #tpu.memory_space<vmem>>, vector<16xf32>,
      %mul3A_759 = arith.constant 16 : i32
      %mul3A_760 = vector.broadcast %mul3A_759 : i32 to vector<16xi32>
      %mul3A_761 = arith.muli %add3A_563, %mul3A_760 : vector<16xi32>
      %add3A_762 = arith.constant 13 : i32
      %add3A_763 = vector.broadcast %add3A_762 : i32 to vector<16xi32>
      %add3A_764 = arith.addi %mul3A_761, %add3A_763 : vector<16xi32>
      %gather3A_765 = tpu.vector_load_idx %arg4[%add3A_764] : memref<4112xf32, #tpu.memory_space<vmem>>[vector<16xi32>], vector<16xf32>,
      %mul3A_766 = arith.constant 16 : i32
      %mul3A_767 = arith.muli %add3A_545, %mul3A_766 : i32
      %swap3A_768 = arith.constant 1 : i32
      %swap3A_769 = arith.constant 5 : i32
      %swap3A_770 = arith.index_cast %swap3A_768 : i32 to index
      %swap3A_771 = arith.index_cast %swap3A_769 : i32 to index
      %swap3A_772 = arith.index_cast %mul3A_767 : i32 to index
      %swap3A_773 = tpu.vector_load %arg5[%swap3A_770, %swap3A_771, %swap3A_772] {strides = array<i32>} : memref<2x8x4096xf32, #tpu.memory_space<vmem>>, vector<16xf32>,
      tpu.vector_store %arg5[%swap3A_770, %swap3A_771, %swap3A_772], %gather3A_765 {strides = array<i32>} : memref<2x8x4096xf32, #tpu.memory_space<vmem>>, vector<16xf32>,
      %mul3A_774 = arith.constant 16 : i32
      %mul3A_775 = vector.broadcast %mul3A_774 : i32 to vector<16xi32>
      %mul3A_776 = arith.muli %add3A_563, %mul3A_775 : vector<16xi32>
      %add3A_777 = arith.constant 14 : i32
      %add3A_778 = vector.broadcast %add3A_777 : i32 to vector<16xi32>
      %add3A_779 = arith.addi %mul3A_776, %add3A_778 : vector<16xi32>
      %gather3A_780 = tpu.vector_load_idx %arg4[%add3A_779] : memref<4112xf32, #tpu.memory_space<vmem>>[vector<16xi32>], vector<16xf32>,
      %mul3A_781 = arith.constant 16 : i32
      %mul3A_782 = arith.muli %add3A_545, %mul3A_781 : i32
      %swap3A_783 = arith.constant 1 : i32
      %swap3A_784 = arith.constant 6 : i32
      %swap3A_785 = arith.index_cast %swap3A_783 : i32 to index
      %swap3A_786 = arith.index_cast %swap3A_784 : i32 to index
      %swap3A_787 = arith.index_cast %mul3A_782 : i32 to index
      %swap3A_788 = tpu.vector_load %arg5[%swap3A_785, %swap3A_786, %swap3A_787] {strides = array<i32>} : memref<2x8x4096xf32, #tpu.memory_space<vmem>>, vector<16xf32>,
      tpu.vector_store %arg5[%swap3A_785, %swap3A_786, %swap3A_787], %gather3A_780 {strides = array<i32>} : memref<2x8x4096xf32, #tpu.memory_space<vmem>>, vector<16xf32>,
      %mul3A_789 = arith.constant 16 : i32
      %mul3A_790 = vector.broadcast %mul3A_789 : i32 to vector<16xi32>
      %mul3A_791 = arith.muli %add3A_563, %mul3A_790 : vector<16xi32>
      %add3A_792 = arith.constant 15 : i32
      %add3A_793 = vector.broadcast %add3A_792 : i32 to vector<16xi32>
      %add3A_794 = arith.addi %mul3A_791, %add3A_793 : vector<16xi32>
      %gather3A_795 = tpu.vector_load_idx %arg4[%add3A_794] : memref<4112xf32, #tpu.memory_space<vmem>>[vector<16xi32>], vector<16xf32>,
      %mul3A_796 = arith.constant 16 : i32
      %mul3A_797 = arith.muli %add3A_545, %mul3A_796 : i32
      %swap3A_798 = arith.constant 1 : i32
      %swap3A_799 = arith.constant 7 : i32
      %swap3A_800 = arith.index_cast %swap3A_798 : i32 to index
      %swap3A_801 = arith.index_cast %swap3A_799 : i32 to index
      %swap3A_802 = arith.index_cast %mul3A_797 : i32 to index
      %swap3A_803 = tpu.vector_load %arg5[%swap3A_800, %swap3A_801, %swap3A_802] {strides = array<i32>} : memref<2x8x4096xf32, #tpu.memory_space<vmem>>, vector<16xf32>,
      tpu.vector_store %arg5[%swap3A_800, %swap3A_801, %swap3A_802], %gather3A_795 {strides = array<i32>} : memref<2x8x4096xf32, #tpu.memory_space<vmem>>, vector<16xf32>,
      %mul3A_804 = arith.constant 8 : i32
      %mul3A_805 = arith.muli %mul3A_804, %scan3A_21 : i32
      %add3A_806 = arith.constant 3 : i32
      %add3A_807 = arith.addi %mul3A_805, %add3A_806 : i32
      %mul3A_808 = arith.constant 16 : i32
      %mul3A_809 = arith.muli %add3A_807, %mul3A_808 : i32
      %add3A_810 = vector.broadcast %mul3A_809 : i32 to vector<16xi32>
      %add3A_811 = arith.addi %add3A_810, %iota3A : vector<16xi32>
      %add3A_812 = vector.broadcast %sub3A_1 : i32 to vector<16xi32>
      %add3A_813 = arith.addi %add3A_811, %add3A_812 : vector<16xi32>
      %sub3A_814 = arith.constant 2047 : i32
      %sub3A_815 = vector.broadcast %sub3A_814 : i32 to vector<16xi32>
      %sub3A_816 = arith.subi %sub3A_815, %add3A_813 : vector<16xi32>
      %min3A_817 = arith.constant 128 : i32
      %min3A_818 = vector.broadcast %min3A_817 : i32 to vector<16xi32>
      %min3A_819 = arith.minsi %sub3A_816, %min3A_818 : vector<16xi32>
      %max3A_820 = arith.constant -128 : i32
      %max3A_821 = vector.broadcast %max3A_820 : i32 to vector<16xi32>
      %max3A_822 = arith.maxsi %min3A_819, %max3A_821 : vector<16xi32>
      %add3A_823 = arith.constant 128 : i32
      %add3A_824 = vector.broadcast %add3A_823 : i32 to vector<16xi32>
      %add3A_825 = arith.addi %max3A_822, %add3A_824 : vector<16xi32>
      %mul3A_826 = arith.constant 16 : i32
      %mul3A_827 = vector.broadcast %mul3A_826 : i32 to vector<16xi32>
      %mul3A_828 = arith.muli %add3A_825, %mul3A_827 : vector<16xi32>
      %add3A_829 = arith.constant 0 : i32
      %add3A_830 = vector.broadcast %add3A_829 : i32 to vector<16xi32>
      %add3A_831 = arith.addi %mul3A_828, %add3A_830 : vector<16xi32>
      %gather3A_832 = tpu.vector_load_idx %arg4[%add3A_831] : memref<4112xf32, #tpu.memory_space<vmem>>[vector<16xi32>], vector<16xf32>,
      %mul3A_833 = arith.constant 16 : i32
      %mul3A_834 = arith.muli %add3A_807, %mul3A_833 : i32
      %swap3A_835 = arith.constant 0 : i32
      %swap3A_836 = arith.constant 0 : i32
      %swap3A_837 = arith.index_cast %swap3A_835 : i32 to index
      %swap3A_838 = arith.index_cast %swap3A_836 : i32 to index
      %swap3A_839 = arith.index_cast %mul3A_834 : i32 to index
      %swap3A_840 = tpu.vector_load %arg5[%swap3A_837, %swap3A_838, %swap3A_839] {strides = array<i32>} : memref<2x8x4096xf32, #tpu.memory_space<vmem>>, vector<16xf32>,
      tpu.vector_store %arg5[%swap3A_837, %swap3A_838, %swap3A_839], %gather3A_832 {strides = array<i32>} : memref<2x8x4096xf32, #tpu.memory_space<vmem>>, vector<16xf32>,
      %mul3A_841 = arith.constant 16 : i32
      %mul3A_842 = vector.broadcast %mul3A_841 : i32 to vector<16xi32>
      %mul3A_843 = arith.muli %add3A_825, %mul3A_842 : vector<16xi32>
      %add3A_844 = arith.constant 1 : i32
      %add3A_845 = vector.broadcast %add3A_844 : i32 to vector<16xi32>
      %add3A_846 = arith.addi %mul3A_843, %add3A_845 : vector<16xi32>
      %gather3A_847 = tpu.vector_load_idx %arg4[%add3A_846] : memref<4112xf32, #tpu.memory_space<vmem>>[vector<16xi32>], vector<16xf32>,
      %mul3A_848 = arith.constant 16 : i32
      %mul3A_849 = arith.muli %add3A_807, %mul3A_848 : i32
      %swap3A_850 = arith.constant 0 : i32
      %swap3A_851 = arith.constant 1 : i32
      %swap3A_852 = arith.index_cast %swap3A_850 : i32 to index
      %swap3A_853 = arith.index_cast %swap3A_851 : i32 to index
      %swap3A_854 = arith.index_cast %mul3A_849 : i32 to index
      %swap3A_855 = tpu.vector_load %arg5[%swap3A_852, %swap3A_853, %swap3A_854] {strides = array<i32>} : memref<2x8x4096xf32, #tpu.memory_space<vmem>>, vector<16xf32>,
      tpu.vector_store %arg5[%swap3A_852, %swap3A_853, %swap3A_854], %gather3A_847 {strides = array<i32>} : memref<2x8x4096xf32, #tpu.memory_space<vmem>>, vector<16xf32>,
      %mul3A_856 = arith.constant 16 : i32
      %mul3A_857 = vector.broadcast %mul3A_856 : i32 to vector<16xi32>
      %mul3A_858 = arith.muli %add3A_825, %mul3A_857 : vector<16xi32>
      %add3A_859 = arith.constant 2 : i32
      %add3A_860 = vector.broadcast %add3A_859 : i32 to vector<16xi32>
      %add3A_861 = arith.addi %mul3A_858, %add3A_860 : vector<16xi32>
      %gather3A_862 = tpu.vector_load_idx %arg4[%add3A_861] : memref<4112xf32, #tpu.memory_space<vmem>>[vector<16xi32>], vector<16xf32>,
      %mul3A_863 = arith.constant 16 : i32
      %mul3A_864 = arith.muli %add3A_807, %mul3A_863 : i32
      %swap3A_865 = arith.constant 0 : i32
      %swap3A_866 = arith.constant 2 : i32
      %swap3A_867 = arith.index_cast %swap3A_865 : i32 to index
      %swap3A_868 = arith.index_cast %swap3A_866 : i32 to index
      %swap3A_869 = arith.index_cast %mul3A_864 : i32 to index
      %swap3A_870 = tpu.vector_load %arg5[%swap3A_867, %swap3A_868, %swap3A_869] {strides = array<i32>} : memref<2x8x4096xf32, #tpu.memory_space<vmem>>, vector<16xf32>,
      tpu.vector_store %arg5[%swap3A_867, %swap3A_868, %swap3A_869], %gather3A_862 {strides = array<i32>} : memref<2x8x4096xf32, #tpu.memory_space<vmem>>, vector<16xf32>,
      %mul3A_871 = arith.constant 16 : i32
      %mul3A_872 = vector.broadcast %mul3A_871 : i32 to vector<16xi32>
      %mul3A_873 = arith.muli %add3A_825, %mul3A_872 : vector<16xi32>
      %add3A_874 = arith.constant 3 : i32
      %add3A_875 = vector.broadcast %add3A_874 : i32 to vector<16xi32>
      %add3A_876 = arith.addi %mul3A_873, %add3A_875 : vector<16xi32>
      %gather3A_877 = tpu.vector_load_idx %arg4[%add3A_876] : memref<4112xf32, #tpu.memory_space<vmem>>[vector<16xi32>], vector<16xf32>,
      %mul3A_878 = arith.constant 16 : i32
      %mul3A_879 = arith.muli %add3A_807, %mul3A_878 : i32
      %swap3A_880 = arith.constant 0 : i32
      %swap3A_881 = arith.constant 3 : i32
      %swap3A_882 = arith.index_cast %swap3A_880 : i32 to index
      %swap3A_883 = arith.index_cast %swap3A_881 : i32 to index
      %swap3A_884 = arith.index_cast %mul3A_879 : i32 to index
      %swap3A_885 = tpu.vector_load %arg5[%swap3A_882, %swap3A_883, %swap3A_884] {strides = array<i32>} : memref<2x8x4096xf32, #tpu.memory_space<vmem>>, vector<16xf32>,
      tpu.vector_store %arg5[%swap3A_882, %swap3A_883, %swap3A_884], %gather3A_877 {strides = array<i32>} : memref<2x8x4096xf32, #tpu.memory_space<vmem>>, vector<16xf32>,
      %mul3A_886 = arith.constant 16 : i32
      %mul3A_887 = vector.broadcast %mul3A_886 : i32 to vector<16xi32>
      %mul3A_888 = arith.muli %add3A_825, %mul3A_887 : vector<16xi32>
      %add3A_889 = arith.constant 4 : i32
      %add3A_890 = vector.broadcast %add3A_889 : i32 to vector<16xi32>
      %add3A_891 = arith.addi %mul3A_888, %add3A_890 : vector<16xi32>
      %gather3A_892 = tpu.vector_load_idx %arg4[%add3A_891] : memref<4112xf32, #tpu.memory_space<vmem>>[vector<16xi32>], vector<16xf32>,
      %mul3A_893 = arith.constant 16 : i32
      %mul3A_894 = arith.muli %add3A_807, %mul3A_893 : i32
      %swap3A_895 = arith.constant 0 : i32
      %swap3A_896 = arith.constant 4 : i32
      %swap3A_897 = arith.index_cast %swap3A_895 : i32 to index
      %swap3A_898 = arith.index_cast %swap3A_896 : i32 to index
      %swap3A_899 = arith.index_cast %mul3A_894 : i32 to index
      %swap3A_900 = tpu.vector_load %arg5[%swap3A_897, %swap3A_898, %swap3A_899] {strides = array<i32>} : memref<2x8x4096xf32, #tpu.memory_space<vmem>>, vector<16xf32>,
      tpu.vector_store %arg5[%swap3A_897, %swap3A_898, %swap3A_899], %gather3A_892 {strides = array<i32>} : memref<2x8x4096xf32, #tpu.memory_space<vmem>>, vector<16xf32>,
      %mul3A_901 = arith.constant 16 : i32
      %mul3A_902 = vector.broadcast %mul3A_901 : i32 to vector<16xi32>
      %mul3A_903 = arith.muli %add3A_825, %mul3A_902 : vector<16xi32>
      %add3A_904 = arith.constant 5 : i32
      %add3A_905 = vector.broadcast %add3A_904 : i32 to vector<16xi32>
      %add3A_906 = arith.addi %mul3A_903, %add3A_905 : vector<16xi32>
      %gather3A_907 = tpu.vector_load_idx %arg4[%add3A_906] : memref<4112xf32, #tpu.memory_space<vmem>>[vector<16xi32>], vector<16xf32>,
      %mul3A_908 = arith.constant 16 : i32
      %mul3A_909 = arith.muli %add3A_807, %mul3A_908 : i32
      %swap3A_910 = arith.constant 0 : i32
      %swap3A_911 = arith.constant 5 : i32
      %swap3A_912 = arith.index_cast %swap3A_910 : i32 to index
      %swap3A_913 = arith.index_cast %swap3A_911 : i32 to index
      %swap3A_914 = arith.index_cast %mul3A_909 : i32 to index
      %swap3A_915 = tpu.vector_load %arg5[%swap3A_912, %swap3A_913, %swap3A_914] {strides = array<i32>} : memref<2x8x4096xf32, #tpu.memory_space<vmem>>, vector<16xf32>,
      tpu.vector_store %arg5[%swap3A_912, %swap3A_913, %swap3A_914], %gather3A_907 {strides = array<i32>} : memref<2x8x4096xf32, #tpu.memory_space<vmem>>, vector<16xf32>,
      %mul3A_916 = arith.constant 16 : i32
      %mul3A_917 = vector.broadcast %mul3A_916 : i32 to vector<16xi32>
      %mul3A_918 = arith.muli %add3A_825, %mul3A_917 : vector<16xi32>
      %add3A_919 = arith.constant 6 : i32
      %add3A_920 = vector.broadcast %add3A_919 : i32 to vector<16xi32>
      %add3A_921 = arith.addi %mul3A_918, %add3A_920 : vector<16xi32>
      %gather3A_922 = tpu.vector_load_idx %arg4[%add3A_921] : memref<4112xf32, #tpu.memory_space<vmem>>[vector<16xi32>], vector<16xf32>,
      %mul3A_923 = arith.constant 16 : i32
      %mul3A_924 = arith.muli %add3A_807, %mul3A_923 : i32
      %swap3A_925 = arith.constant 0 : i32
      %swap3A_926 = arith.constant 6 : i32
      %swap3A_927 = arith.index_cast %swap3A_925 : i32 to index
      %swap3A_928 = arith.index_cast %swap3A_926 : i32 to index
      %swap3A_929 = arith.index_cast %mul3A_924 : i32 to index
      %swap3A_930 = tpu.vector_load %arg5[%swap3A_927, %swap3A_928, %swap3A_929] {strides = array<i32>} : memref<2x8x4096xf32, #tpu.memory_space<vmem>>, vector<16xf32>,
      tpu.vector_store %arg5[%swap3A_927, %swap3A_928, %swap3A_929], %gather3A_922 {strides = array<i32>} : memref<2x8x4096xf32, #tpu.memory_space<vmem>>, vector<16xf32>,
      %mul3A_931 = arith.constant 16 : i32
      %mul3A_932 = vector.broadcast %mul3A_931 : i32 to vector<16xi32>
      %mul3A_933 = arith.muli %add3A_825, %mul3A_932 : vector<16xi32>
      %add3A_934 = arith.constant 7 : i32
      %add3A_935 = vector.broadcast %add3A_934 : i32 to vector<16xi32>
      %add3A_936 = arith.addi %mul3A_933, %add3A_935 : vector<16xi32>
      %gather3A_937 = tpu.vector_load_idx %arg4[%add3A_936] : memref<4112xf32, #tpu.memory_space<vmem>>[vector<16xi32>], vector<16xf32>,
      %mul3A_938 = arith.constant 16 : i32
      %mul3A_939 = arith.muli %add3A_807, %mul3A_938 : i32
      %swap3A_940 = arith.constant 0 : i32
      %swap3A_941 = arith.constant 7 : i32
      %swap3A_942 = arith.index_cast %swap3A_940 : i32 to index
      %swap3A_943 = arith.index_cast %swap3A_941 : i32 to index
      %swap3A_944 = arith.index_cast %mul3A_939 : i32 to index
      %swap3A_945 = tpu.vector_load %arg5[%swap3A_942, %swap3A_943, %swap3A_944] {strides = array<i32>} : memref<2x8x4096xf32, #tpu.memory_space<vmem>>, vector<16xf32>,
      tpu.vector_store %arg5[%swap3A_942, %swap3A_943, %swap3A_944], %gather3A_937 {strides = array<i32>} : memref<2x8x4096xf32, #tpu.memory_space<vmem>>, vector<16xf32>,
      %mul3A_946 = arith.constant 16 : i32
      %mul3A_947 = vector.broadcast %mul3A_946 : i32 to vector<16xi32>
      %mul3A_948 = arith.muli %add3A_825, %mul3A_947 : vector<16xi32>
      %add3A_949 = arith.constant 8 : i32
      %add3A_950 = vector.broadcast %add3A_949 : i32 to vector<16xi32>
      %add3A_951 = arith.addi %mul3A_948, %add3A_950 : vector<16xi32>
      %gather3A_952 = tpu.vector_load_idx %arg4[%add3A_951] : memref<4112xf32, #tpu.memory_space<vmem>>[vector<16xi32>], vector<16xf32>,
      %mul3A_953 = arith.constant 16 : i32
      %mul3A_954 = arith.muli %add3A_807, %mul3A_953 : i32
      %swap3A_955 = arith.constant 1 : i32
      %swap3A_956 = arith.constant 0 : i32
      %swap3A_957 = arith.index_cast %swap3A_955 : i32 to index
      %swap3A_958 = arith.index_cast %swap3A_956 : i32 to index
      %swap3A_959 = arith.index_cast %mul3A_954 : i32 to index
      %swap3A_960 = tpu.vector_load %arg5[%swap3A_957, %swap3A_958, %swap3A_959] {strides = array<i32>} : memref<2x8x4096xf32, #tpu.memory_space<vmem>>, vector<16xf32>,
      tpu.vector_store %arg5[%swap3A_957, %swap3A_958, %swap3A_959], %gather3A_952 {strides = array<i32>} : memref<2x8x4096xf32, #tpu.memory_space<vmem>>, vector<16xf32>,
      %mul3A_961 = arith.constant 16 : i32
      %mul3A_962 = vector.broadcast %mul3A_961 : i32 to vector<16xi32>
      %mul3A_963 = arith.muli %add3A_825, %mul3A_962 : vector<16xi32>
      %add3A_964 = arith.constant 9 : i32
      %add3A_965 = vector.broadcast %add3A_964 : i32 to vector<16xi32>
      %add3A_966 = arith.addi %mul3A_963, %add3A_965 : vector<16xi32>
      %gather3A_967 = tpu.vector_load_idx %arg4[%add3A_966] : memref<4112xf32, #tpu.memory_space<vmem>>[vector<16xi32>], vector<16xf32>,
      %mul3A_968 = arith.constant 16 : i32
      %mul3A_969 = arith.muli %add3A_807, %mul3A_968 : i32
      %swap3A_970 = arith.constant 1 : i32
      %swap3A_971 = arith.constant 1 : i32
      %swap3A_972 = arith.index_cast %swap3A_970 : i32 to index
      %swap3A_973 = arith.index_cast %swap3A_971 : i32 to index
      %swap3A_974 = arith.index_cast %mul3A_969 : i32 to index
      %swap3A_975 = tpu.vector_load %arg5[%swap3A_972, %swap3A_973, %swap3A_974] {strides = array<i32>} : memref<2x8x4096xf32, #tpu.memory_space<vmem>>, vector<16xf32>,
      tpu.vector_store %arg5[%swap3A_972, %swap3A_973, %swap3A_974], %gather3A_967 {strides = array<i32>} : memref<2x8x4096xf32, #tpu.memory_space<vmem>>, vector<16xf32>,
      %mul3A_976 = arith.constant 16 : i32
      %mul3A_977 = vector.broadcast %mul3A_976 : i32 to vector<16xi32>
      %mul3A_978 = arith.muli %add3A_825, %mul3A_977 : vector<16xi32>
      %add3A_979 = arith.constant 10 : i32
      %add3A_980 = vector.broadcast %add3A_979 : i32 to vector<16xi32>
      %add3A_981 = arith.addi %mul3A_978, %add3A_980 : vector<16xi32>
      %gather3A_982 = tpu.vector_load_idx %arg4[%add3A_981] : memref<4112xf32, #tpu.memory_space<vmem>>[vector<16xi32>], vector<16xf32>,
      %mul3A_983 = arith.constant 16 : i32
      %mul3A_984 = arith.muli %add3A_807, %mul3A_983 : i32
      %swap3A_985 = arith.constant 1 : i32
      %swap3A_986 = arith.constant 2 : i32
      %swap3A_987 = arith.index_cast %swap3A_985 : i32 to index
      %swap3A_988 = arith.index_cast %swap3A_986 : i32 to index
      %swap3A_989 = arith.index_cast %mul3A_984 : i32 to index
      %swap3A_990 = tpu.vector_load %arg5[%swap3A_987, %swap3A_988, %swap3A_989] {strides = array<i32>} : memref<2x8x4096xf32, #tpu.memory_space<vmem>>, vector<16xf32>,
      tpu.vector_store %arg5[%swap3A_987, %swap3A_988, %swap3A_989], %gather3A_982 {strides = array<i32>} : memref<2x8x4096xf32, #tpu.memory_space<vmem>>, vector<16xf32>,
      %mul3A_991 = arith.constant 16 : i32
      %mul3A_992 = vector.broadcast %mul3A_991 : i32 to vector<16xi32>
      %mul3A_993 = arith.muli %add3A_825, %mul3A_992 : vector<16xi32>
      %add3A_994 = arith.constant 11 : i32
      %add3A_995 = vector.broadcast %add3A_994 : i32 to vector<16xi32>
      %add3A_996 = arith.addi %mul3A_993, %add3A_995 : vector<16xi32>
      %gather3A_997 = tpu.vector_load_idx %arg4[%add3A_996] : memref<4112xf32, #tpu.memory_space<vmem>>[vector<16xi32>], vector<16xf32>,
      %mul3A_998 = arith.constant 16 : i32
      %mul3A_999 = arith.muli %add3A_807, %mul3A_998 : i32
      %swap3A_1000 = arith.constant 1 : i32
      %swap3A_1001 = arith.constant 3 : i32
      %swap3A_1002 = arith.index_cast %swap3A_1000 : i32 to index
      %swap3A_1003 = arith.index_cast %swap3A_1001 : i32 to index
      %swap3A_1004 = arith.index_cast %mul3A_999 : i32 to index
      %swap3A_1005 = tpu.vector_load %arg5[%swap3A_1002, %swap3A_1003, %swap3A_1004] {strides = array<i32>} : memref<2x8x4096xf32, #tpu.memory_space<vmem>>, vector<16xf32>,
      tpu.vector_store %arg5[%swap3A_1002, %swap3A_1003, %swap3A_1004], %gather3A_997 {strides = array<i32>} : memref<2x8x4096xf32, #tpu.memory_space<vmem>>, vector<16xf32>,
      %mul3A_1006 = arith.constant 16 : i32
      %mul3A_1007 = vector.broadcast %mul3A_1006 : i32 to vector<16xi32>
      %mul3A_1008 = arith.muli %add3A_825, %mul3A_1007 : vector<16xi32>
      %add3A_1009 = arith.constant 12 : i32
      %add3A_1010 = vector.broadcast %add3A_1009 : i32 to vector<16xi32>
      %add3A_1011 = arith.addi %mul3A_1008, %add3A_1010 : vector<16xi32>
      %gather3A_1012 = tpu.vector_load_idx %arg4[%add3A_1011] : memref<4112xf32, #tpu.memory_space<vmem>>[vector<16xi32>], vector<16xf32>,
      %mul3A_1013 = arith.constant 16 : i32
      %mul3A_1014 = arith.muli %add3A_807, %mul3A_1013 : i32
      %swap3A_1015 = arith.constant 1 : i32
      %swap3A_1016 = arith.constant 4 : i32
      %swap3A_1017 = arith.index_cast %swap3A_1015 : i32 to index
      %swap3A_1018 = arith.index_cast %swap3A_1016 : i32 to index
      %swap3A_1019 = arith.index_cast %mul3A_1014 : i32 to index
      %swap3A_1020 = tpu.vector_load %arg5[%swap3A_1017, %swap3A_1018, %swap3A_1019] {strides = array<i32>} : memref<2x8x4096xf32, #tpu.memory_space<vmem>>, vector<16xf32>,
      tpu.vector_store %arg5[%swap3A_1017, %swap3A_1018, %swap3A_1019], %gather3A_1012 {strides = array<i32>} : memref<2x8x4096xf32, #tpu.memory_space<vmem>>, vector<16xf32>,
      %mul3A_1021 = arith.constant 16 : i32
      %mul3A_1022 = vector.broadcast %mul3A_1021 : i32 to vector<16xi32>
      %mul3A_1023 = arith.muli %add3A_825, %mul3A_1022 : vector<16xi32>
      %add3A_1024 = arith.constant 13 : i32
      %add3A_1025 = vector.broadcast %add3A_1024 : i32 to vector<16xi32>
      %add3A_1026 = arith.addi %mul3A_1023, %add3A_1025 : vector<16xi32>
      %gather3A_1027 = tpu.vector_load_idx %arg4[%add3A_1026] : memref<4112xf32, #tpu.memory_space<vmem>>[vector<16xi32>], vector<16xf32>,
      %mul3A_1028 = arith.constant 16 : i32
      %mul3A_1029 = arith.muli %add3A_807, %mul3A_1028 : i32
      %swap3A_1030 = arith.constant 1 : i32
      %swap3A_1031 = arith.constant 5 : i32
      %swap3A_1032 = arith.index_cast %swap3A_1030 : i32 to index
      %swap3A_1033 = arith.index_cast %swap3A_1031 : i32 to index
      %swap3A_1034 = arith.index_cast %mul3A_1029 : i32 to index
      %swap3A_1035 = tpu.vector_load %arg5[%swap3A_1032, %swap3A_1033, %swap3A_1034] {strides = array<i32>} : memref<2x8x4096xf32, #tpu.memory_space<vmem>>, vector<16xf32>,
      tpu.vector_store %arg5[%swap3A_1032, %swap3A_1033, %swap3A_1034], %gather3A_1027 {strides = array<i32>} : memref<2x8x4096xf32, #tpu.memory_space<vmem>>, vector<16xf32>,
      %mul3A_1036 = arith.constant 16 : i32
      %mul3A_1037 = vector.broadcast %mul3A_1036 : i32 to vector<16xi32>
      %mul3A_1038 = arith.muli %add3A_825, %mul3A_1037 : vector<16xi32>
      %add3A_1039 = arith.constant 14 : i32
      %add3A_1040 = vector.broadcast %add3A_1039 : i32 to vector<16xi32>
      %add3A_1041 = arith.addi %mul3A_1038, %add3A_1040 : vector<16xi32>
      %gather3A_1042 = tpu.vector_load_idx %arg4[%add3A_1041] : memref<4112xf32, #tpu.memory_space<vmem>>[vector<16xi32>], vector<16xf32>,
      %mul3A_1043 = arith.constant 16 : i32
      %mul3A_1044 = arith.muli %add3A_807, %mul3A_1043 : i32
      %swap3A_1045 = arith.constant 1 : i32
      %swap3A_1046 = arith.constant 6 : i32
      %swap3A_1047 = arith.index_cast %swap3A_1045 : i32 to index
      %swap3A_1048 = arith.index_cast %swap3A_1046 : i32 to index
      %swap3A_1049 = arith.index_cast %mul3A_1044 : i32 to index
      %swap3A_1050 = tpu.vector_load %arg5[%swap3A_1047, %swap3A_1048, %swap3A_1049] {strides = array<i32>} : memref<2x8x4096xf32, #tpu.memory_space<vmem>>, vector<16xf32>,
      tpu.vector_store %arg5[%swap3A_1047, %swap3A_1048, %swap3A_1049], %gather3A_1042 {strides = array<i32>} : memref<2x8x4096xf32, #tpu.memory_space<vmem>>, vector<16xf32>,
      %mul3A_1051 = arith.constant 16 : i32
      %mul3A_1052 = vector.broadcast %mul3A_1051 : i32 to vector<16xi32>
      %mul3A_1053 = arith.muli %add3A_825, %mul3A_1052 : vector<16xi32>
      %add3A_1054 = arith.constant 15 : i32
      %add3A_1055 = vector.broadcast %add3A_1054 : i32 to vector<16xi32>
      %add3A_1056 = arith.addi %mul3A_1053, %add3A_1055 : vector<16xi32>
      %gather3A_1057 = tpu.vector_load_idx %arg4[%add3A_1056] : memref<4112xf32, #tpu.memory_space<vmem>>[vector<16xi32>], vector<16xf32>,
      %mul3A_1058 = arith.constant 16 : i32
      %mul3A_1059 = arith.muli %add3A_807, %mul3A_1058 : i32
      %swap3A_1060 = arith.constant 1 : i32
      %swap3A_1061 = arith.constant 7 : i32
      %swap3A_1062 = arith.index_cast %swap3A_1060 : i32 to index
      %swap3A_1063 = arith.index_cast %swap3A_1061 : i32 to index
      %swap3A_1064 = arith.index_cast %mul3A_1059 : i32 to index
      %swap3A_1065 = tpu.vector_load %arg5[%swap3A_1062, %swap3A_1063, %swap3A_1064] {strides = array<i32>} : memref<2x8x4096xf32, #tpu.memory_space<vmem>>, vector<16xf32>,
      tpu.vector_store %arg5[%swap3A_1062, %swap3A_1063, %swap3A_1064], %gather3A_1057 {strides = array<i32>} : memref<2x8x4096xf32, #tpu.memory_space<vmem>>, vector<16xf32>,
      %mul3A_1066 = arith.constant 8 : i32
      %mul3A_1067 = arith.muli %mul3A_1066, %scan3A_21 : i32
      %add3A_1068 = arith.constant 4 : i32
      %add3A_1069 = arith.addi %mul3A_1067, %add3A_1068 : i32
      %mul3A_1070 = arith.constant 16 : i32
      %mul3A_1071 = arith.muli %add3A_1069, %mul3A_1070 : i32
      %add3A_1072 = vector.broadcast %mul3A_1071 : i32 to vector<16xi32>
      %add3A_1073 = arith.addi %add3A_1072, %iota3A : vector<16xi32>
      %add3A_1074 = vector.broadcast %sub3A_1 : i32 to vector<16xi32>
      %add3A_1075 = arith.addi %add3A_1073, %add3A_1074 : vector<16xi32>
      %sub3A_1076 = arith.constant 2047 : i32
      %sub3A_1077 = vector.broadcast %sub3A_1076 : i32 to vector<16xi32>
      %sub3A_1078 = arith.subi %sub3A_1077, %add3A_1075 : vector<16xi32>
      %min3A_1079 = arith.constant 128 : i32
      %min3A_1080 = vector.broadcast %min3A_1079 : i32 to vector<16xi32>
      %min3A_1081 = arith.minsi %sub3A_1078, %min3A_1080 : vector<16xi32>
      %max3A_1082 = arith.constant -128 : i32
      %max3A_1083 = vector.broadcast %max3A_1082 : i32 to vector<16xi32>
      %max3A_1084 = arith.maxsi %min3A_1081, %max3A_1083 : vector<16xi32>
      %add3A_1085 = arith.constant 128 : i32
      %add3A_1086 = vector.broadcast %add3A_1085 : i32 to vector<16xi32>
      %add3A_1087 = arith.addi %max3A_1084, %add3A_1086 : vector<16xi32>
      %mul3A_1088 = arith.constant 16 : i32
      %mul3A_1089 = vector.broadcast %mul3A_1088 : i32 to vector<16xi32>
      %mul3A_1090 = arith.muli %add3A_1087, %mul3A_1089 : vector<16xi32>
      %add3A_1091 = arith.constant 0 : i32
      %add3A_1092 = vector.broadcast %add3A_1091 : i32 to vector<16xi32>
      %add3A_1093 = arith.addi %mul3A_1090, %add3A_1092 : vector<16xi32>
      %gather3A_1094 = tpu.vector_load_idx %arg4[%add3A_1093] : memref<4112xf32, #tpu.memory_space<vmem>>[vector<16xi32>], vector<16xf32>,
      %mul3A_1095 = arith.constant 16 : i32
      %mul3A_1096 = arith.muli %add3A_1069, %mul3A_1095 : i32
      %swap3A_1097 = arith.constant 0 : i32
      %swap3A_1098 = arith.constant 0 : i32
      %swap3A_1099 = arith.index_cast %swap3A_1097 : i32 to index
      %swap3A_1100 = arith.index_cast %swap3A_1098 : i32 to index
      %swap3A_1101 = arith.index_cast %mul3A_1096 : i32 to index
      %swap3A_1102 = tpu.vector_load %arg5[%swap3A_1099, %swap3A_1100, %swap3A_1101] {strides = array<i32>} : memref<2x8x4096xf32, #tpu.memory_space<vmem>>, vector<16xf32>,
      tpu.vector_store %arg5[%swap3A_1099, %swap3A_1100, %swap3A_1101], %gather3A_1094 {strides = array<i32>} : memref<2x8x4096xf32, #tpu.memory_space<vmem>>, vector<16xf32>,
      %mul3A_1103 = arith.constant 16 : i32
      %mul3A_1104 = vector.broadcast %mul3A_1103 : i32 to vector<16xi32>
      %mul3A_1105 = arith.muli %add3A_1087, %mul3A_1104 : vector<16xi32>
      %add3A_1106 = arith.constant 1 : i32
      %add3A_1107 = vector.broadcast %add3A_1106 : i32 to vector<16xi32>
      %add3A_1108 = arith.addi %mul3A_1105, %add3A_1107 : vector<16xi32>
      %gather3A_1109 = tpu.vector_load_idx %arg4[%add3A_1108] : memref<4112xf32, #tpu.memory_space<vmem>>[vector<16xi32>], vector<16xf32>,
      %mul3A_1110 = arith.constant 16 : i32
      %mul3A_1111 = arith.muli %add3A_1069, %mul3A_1110 : i32
      %swap3A_1112 = arith.constant 0 : i32
      %swap3A_1113 = arith.constant 1 : i32
      %swap3A_1114 = arith.index_cast %swap3A_1112 : i32 to index
      %swap3A_1115 = arith.index_cast %swap3A_1113 : i32 to index
      %swap3A_1116 = arith.index_cast %mul3A_1111 : i32 to index
      %swap3A_1117 = tpu.vector_load %arg5[%swap3A_1114, %swap3A_1115, %swap3A_1116] {strides = array<i32>} : memref<2x8x4096xf32, #tpu.memory_space<vmem>>, vector<16xf32>,
      tpu.vector_store %arg5[%swap3A_1114, %swap3A_1115, %swap3A_1116], %gather3A_1109 {strides = array<i32>} : memref<2x8x4096xf32, #tpu.memory_space<vmem>>, vector<16xf32>,
      %mul3A_1118 = arith.constant 16 : i32
      %mul3A_1119 = vector.broadcast %mul3A_1118 : i32 to vector<16xi32>
      %mul3A_1120 = arith.muli %add3A_1087, %mul3A_1119 : vector<16xi32>
      %add3A_1121 = arith.constant 2 : i32
      %add3A_1122 = vector.broadcast %add3A_1121 : i32 to vector<16xi32>
      %add3A_1123 = arith.addi %mul3A_1120, %add3A_1122 : vector<16xi32>
      %gather3A_1124 = tpu.vector_load_idx %arg4[%add3A_1123] : memref<4112xf32, #tpu.memory_space<vmem>>[vector<16xi32>], vector<16xf32>,
      %mul3A_1125 = arith.constant 16 : i32
      %mul3A_1126 = arith.muli %add3A_1069, %mul3A_1125 : i32
      %swap3A_1127 = arith.constant 0 : i32
      %swap3A_1128 = arith.constant 2 : i32
      %swap3A_1129 = arith.index_cast %swap3A_1127 : i32 to index
      %swap3A_1130 = arith.index_cast %swap3A_1128 : i32 to index
      %swap3A_1131 = arith.index_cast %mul3A_1126 : i32 to index
      %swap3A_1132 = tpu.vector_load %arg5[%swap3A_1129, %swap3A_1130, %swap3A_1131] {strides = array<i32>} : memref<2x8x4096xf32, #tpu.memory_space<vmem>>, vector<16xf32>,
      tpu.vector_store %arg5[%swap3A_1129, %swap3A_1130, %swap3A_1131], %gather3A_1124 {strides = array<i32>} : memref<2x8x4096xf32, #tpu.memory_space<vmem>>, vector<16xf32>,
      %mul3A_1133 = arith.constant 16 : i32
      %mul3A_1134 = vector.broadcast %mul3A_1133 : i32 to vector<16xi32>
      %mul3A_1135 = arith.muli %add3A_1087, %mul3A_1134 : vector<16xi32>
      %add3A_1136 = arith.constant 3 : i32
      %add3A_1137 = vector.broadcast %add3A_1136 : i32 to vector<16xi32>
      %add3A_1138 = arith.addi %mul3A_1135, %add3A_1137 : vector<16xi32>
      %gather3A_1139 = tpu.vector_load_idx %arg4[%add3A_1138] : memref<4112xf32, #tpu.memory_space<vmem>>[vector<16xi32>], vector<16xf32>,
      %mul3A_1140 = arith.constant 16 : i32
      %mul3A_1141 = arith.muli %add3A_1069, %mul3A_1140 : i32
      %swap3A_1142 = arith.constant 0 : i32
      %swap3A_1143 = arith.constant 3 : i32
      %swap3A_1144 = arith.index_cast %swap3A_1142 : i32 to index
      %swap3A_1145 = arith.index_cast %swap3A_1143 : i32 to index
      %swap3A_1146 = arith.index_cast %mul3A_1141 : i32 to index
      %swap3A_1147 = tpu.vector_load %arg5[%swap3A_1144, %swap3A_1145, %swap3A_1146] {strides = array<i32>} : memref<2x8x4096xf32, #tpu.memory_space<vmem>>, vector<16xf32>,
      tpu.vector_store %arg5[%swap3A_1144, %swap3A_1145, %swap3A_1146], %gather3A_1139 {strides = array<i32>} : memref<2x8x4096xf32, #tpu.memory_space<vmem>>, vector<16xf32>,
      %mul3A_1148 = arith.constant 16 : i32
      %mul3A_1149 = vector.broadcast %mul3A_1148 : i32 to vector<16xi32>
      %mul3A_1150 = arith.muli %add3A_1087, %mul3A_1149 : vector<16xi32>
      %add3A_1151 = arith.constant 4 : i32
      %add3A_1152 = vector.broadcast %add3A_1151 : i32 to vector<16xi32>
      %add3A_1153 = arith.addi %mul3A_1150, %add3A_1152 : vector<16xi32>
      %gather3A_1154 = tpu.vector_load_idx %arg4[%add3A_1153] : memref<4112xf32, #tpu.memory_space<vmem>>[vector<16xi32>], vector<16xf32>,
      %mul3A_1155 = arith.constant 16 : i32
      %mul3A_1156 = arith.muli %add3A_1069, %mul3A_1155 : i32
      %swap3A_1157 = arith.constant 0 : i32
      %swap3A_1158 = arith.constant 4 : i32
      %swap3A_1159 = arith.index_cast %swap3A_1157 : i32 to index
      %swap3A_1160 = arith.index_cast %swap3A_1158 : i32 to index
      %swap3A_1161 = arith.index_cast %mul3A_1156 : i32 to index
      %swap3A_1162 = tpu.vector_load %arg5[%swap3A_1159, %swap3A_1160, %swap3A_1161] {strides = array<i32>} : memref<2x8x4096xf32, #tpu.memory_space<vmem>>, vector<16xf32>,
      tpu.vector_store %arg5[%swap3A_1159, %swap3A_1160, %swap3A_1161], %gather3A_1154 {strides = array<i32>} : memref<2x8x4096xf32, #tpu.memory_space<vmem>>, vector<16xf32>,
      %mul3A_1163 = arith.constant 16 : i32
      %mul3A_1164 = vector.broadcast %mul3A_1163 : i32 to vector<16xi32>
      %mul3A_1165 = arith.muli %add3A_1087, %mul3A_1164 : vector<16xi32>
      %add3A_1166 = arith.constant 5 : i32
      %add3A_1167 = vector.broadcast %add3A_1166 : i32 to vector<16xi32>
      %add3A_1168 = arith.addi %mul3A_1165, %add3A_1167 : vector<16xi32>
      %gather3A_1169 = tpu.vector_load_idx %arg4[%add3A_1168] : memref<4112xf32, #tpu.memory_space<vmem>>[vector<16xi32>], vector<16xf32>,
      %mul3A_1170 = arith.constant 16 : i32
      %mul3A_1171 = arith.muli %add3A_1069, %mul3A_1170 : i32
      %swap3A_1172 = arith.constant 0 : i32
      %swap3A_1173 = arith.constant 5 : i32
      %swap3A_1174 = arith.index_cast %swap3A_1172 : i32 to index
      %swap3A_1175 = arith.index_cast %swap3A_1173 : i32 to index
      %swap3A_1176 = arith.index_cast %mul3A_1171 : i32 to index
      %swap3A_1177 = tpu.vector_load %arg5[%swap3A_1174, %swap3A_1175, %swap3A_1176] {strides = array<i32>} : memref<2x8x4096xf32, #tpu.memory_space<vmem>>, vector<16xf32>,
      tpu.vector_store %arg5[%swap3A_1174, %swap3A_1175, %swap3A_1176], %gather3A_1169 {strides = array<i32>} : memref<2x8x4096xf32, #tpu.memory_space<vmem>>, vector<16xf32>,
      %mul3A_1178 = arith.constant 16 : i32
      %mul3A_1179 = vector.broadcast %mul3A_1178 : i32 to vector<16xi32>
      %mul3A_1180 = arith.muli %add3A_1087, %mul3A_1179 : vector<16xi32>
      %add3A_1181 = arith.constant 6 : i32
      %add3A_1182 = vector.broadcast %add3A_1181 : i32 to vector<16xi32>
      %add3A_1183 = arith.addi %mul3A_1180, %add3A_1182 : vector<16xi32>
      %gather3A_1184 = tpu.vector_load_idx %arg4[%add3A_1183] : memref<4112xf32, #tpu.memory_space<vmem>>[vector<16xi32>], vector<16xf32>,
      %mul3A_1185 = arith.constant 16 : i32
      %mul3A_1186 = arith.muli %add3A_1069, %mul3A_1185 : i32
      %swap3A_1187 = arith.constant 0 : i32
      %swap3A_1188 = arith.constant 6 : i32
      %swap3A_1189 = arith.index_cast %swap3A_1187 : i32 to index
      %swap3A_1190 = arith.index_cast %swap3A_1188 : i32 to index
      %swap3A_1191 = arith.index_cast %mul3A_1186 : i32 to index
      %swap3A_1192 = tpu.vector_load %arg5[%swap3A_1189, %swap3A_1190, %swap3A_1191] {strides = array<i32>} : memref<2x8x4096xf32, #tpu.memory_space<vmem>>, vector<16xf32>,
      tpu.vector_store %arg5[%swap3A_1189, %swap3A_1190, %swap3A_1191], %gather3A_1184 {strides = array<i32>} : memref<2x8x4096xf32, #tpu.memory_space<vmem>>, vector<16xf32>,
      %mul3A_1193 = arith.constant 16 : i32
      %mul3A_1194 = vector.broadcast %mul3A_1193 : i32 to vector<16xi32>
      %mul3A_1195 = arith.muli %add3A_1087, %mul3A_1194 : vector<16xi32>
      %add3A_1196 = arith.constant 7 : i32
      %add3A_1197 = vector.broadcast %add3A_1196 : i32 to vector<16xi32>
      %add3A_1198 = arith.addi %mul3A_1195, %add3A_1197 : vector<16xi32>
      %gather3A_1199 = tpu.vector_load_idx %arg4[%add3A_1198] : memref<4112xf32, #tpu.memory_space<vmem>>[vector<16xi32>], vector<16xf32>,
      %mul3A_1200 = arith.constant 16 : i32
      %mul3A_1201 = arith.muli %add3A_1069, %mul3A_1200 : i32
      %swap3A_1202 = arith.constant 0 : i32
      %swap3A_1203 = arith.constant 7 : i32
      %swap3A_1204 = arith.index_cast %swap3A_1202 : i32 to index
      %swap3A_1205 = arith.index_cast %swap3A_1203 : i32 to index
      %swap3A_1206 = arith.index_cast %mul3A_1201 : i32 to index
      %swap3A_1207 = tpu.vector_load %arg5[%swap3A_1204, %swap3A_1205, %swap3A_1206] {strides = array<i32>} : memref<2x8x4096xf32, #tpu.memory_space<vmem>>, vector<16xf32>,
      tpu.vector_store %arg5[%swap3A_1204, %swap3A_1205, %swap3A_1206], %gather3A_1199 {strides = array<i32>} : memref<2x8x4096xf32, #tpu.memory_space<vmem>>, vector<16xf32>,
      %mul3A_1208 = arith.constant 16 : i32
      %mul3A_1209 = vector.broadcast %mul3A_1208 : i32 to vector<16xi32>
      %mul3A_1210 = arith.muli %add3A_1087, %mul3A_1209 : vector<16xi32>
      %add3A_1211 = arith.constant 8 : i32
      %add3A_1212 = vector.broadcast %add3A_1211 : i32 to vector<16xi32>
      %add3A_1213 = arith.addi %mul3A_1210, %add3A_1212 : vector<16xi32>
      %gather3A_1214 = tpu.vector_load_idx %arg4[%add3A_1213] : memref<4112xf32, #tpu.memory_space<vmem>>[vector<16xi32>], vector<16xf32>,
      %mul3A_1215 = arith.constant 16 : i32
      %mul3A_1216 = arith.muli %add3A_1069, %mul3A_1215 : i32
      %swap3A_1217 = arith.constant 1 : i32
      %swap3A_1218 = arith.constant 0 : i32
      %swap3A_1219 = arith.index_cast %swap3A_1217 : i32 to index
      %swap3A_1220 = arith.index_cast %swap3A_1218 : i32 to index
      %swap3A_1221 = arith.index_cast %mul3A_1216 : i32 to index
      %swap3A_1222 = tpu.vector_load %arg5[%swap3A_1219, %swap3A_1220, %swap3A_1221] {strides = array<i32>} : memref<2x8x4096xf32, #tpu.memory_space<vmem>>, vector<16xf32>,
      tpu.vector_store %arg5[%swap3A_1219, %swap3A_1220, %swap3A_1221], %gather3A_1214 {strides = array<i32>} : memref<2x8x4096xf32, #tpu.memory_space<vmem>>, vector<16xf32>,
      %mul3A_1223 = arith.constant 16 : i32
      %mul3A_1224 = vector.broadcast %mul3A_1223 : i32 to vector<16xi32>
      %mul3A_1225 = arith.muli %add3A_1087, %mul3A_1224 : vector<16xi32>
      %add3A_1226 = arith.constant 9 : i32
      %add3A_1227 = vector.broadcast %add3A_1226 : i32 to vector<16xi32>
      %add3A_1228 = arith.addi %mul3A_1225, %add3A_1227 : vector<16xi32>
      %gather3A_1229 = tpu.vector_load_idx %arg4[%add3A_1228] : memref<4112xf32, #tpu.memory_space<vmem>>[vector<16xi32>], vector<16xf32>,
      %mul3A_1230 = arith.constant 16 : i32
      %mul3A_1231 = arith.muli %add3A_1069, %mul3A_1230 : i32
      %swap3A_1232 = arith.constant 1 : i32
      %swap3A_1233 = arith.constant 1 : i32
      %swap3A_1234 = arith.index_cast %swap3A_1232 : i32 to index
      %swap3A_1235 = arith.index_cast %swap3A_1233 : i32 to index
      %swap3A_1236 = arith.index_cast %mul3A_1231 : i32 to index
      %swap3A_1237 = tpu.vector_load %arg5[%swap3A_1234, %swap3A_1235, %swap3A_1236] {strides = array<i32>} : memref<2x8x4096xf32, #tpu.memory_space<vmem>>, vector<16xf32>,
      tpu.vector_store %arg5[%swap3A_1234, %swap3A_1235, %swap3A_1236], %gather3A_1229 {strides = array<i32>} : memref<2x8x4096xf32, #tpu.memory_space<vmem>>, vector<16xf32>,
      %mul3A_1238 = arith.constant 16 : i32
      %mul3A_1239 = vector.broadcast %mul3A_1238 : i32 to vector<16xi32>
      %mul3A_1240 = arith.muli %add3A_1087, %mul3A_1239 : vector<16xi32>
      %add3A_1241 = arith.constant 10 : i32
      %add3A_1242 = vector.broadcast %add3A_1241 : i32 to vector<16xi32>
      %add3A_1243 = arith.addi %mul3A_1240, %add3A_1242 : vector<16xi32>
      %gather3A_1244 = tpu.vector_load_idx %arg4[%add3A_1243] : memref<4112xf32, #tpu.memory_space<vmem>>[vector<16xi32>], vector<16xf32>,
      %mul3A_1245 = arith.constant 16 : i32
      %mul3A_1246 = arith.muli %add3A_1069, %mul3A_1245 : i32
      %swap3A_1247 = arith.constant 1 : i32
      %swap3A_1248 = arith.constant 2 : i32
      %swap3A_1249 = arith.index_cast %swap3A_1247 : i32 to index
      %swap3A_1250 = arith.index_cast %swap3A_1248 : i32 to index
      %swap3A_1251 = arith.index_cast %mul3A_1246 : i32 to index
      %swap3A_1252 = tpu.vector_load %arg5[%swap3A_1249, %swap3A_1250, %swap3A_1251] {strides = array<i32>} : memref<2x8x4096xf32, #tpu.memory_space<vmem>>, vector<16xf32>,
      tpu.vector_store %arg5[%swap3A_1249, %swap3A_1250, %swap3A_1251], %gather3A_1244 {strides = array<i32>} : memref<2x8x4096xf32, #tpu.memory_space<vmem>>, vector<16xf32>,
      %mul3A_1253 = arith.constant 16 : i32
      %mul3A_1254 = vector.broadcast %mul3A_1253 : i32 to vector<16xi32>
      %mul3A_1255 = arith.muli %add3A_1087, %mul3A_1254 : vector<16xi32>
      %add3A_1256 = arith.constant 11 : i32
      %add3A_1257 = vector.broadcast %add3A_1256 : i32 to vector<16xi32>
      %add3A_1258 = arith.addi %mul3A_1255, %add3A_1257 : vector<16xi32>
      %gather3A_1259 = tpu.vector_load_idx %arg4[%add3A_1258] : memref<4112xf32, #tpu.memory_space<vmem>>[vector<16xi32>], vector<16xf32>,
      %mul3A_1260 = arith.constant 16 : i32
      %mul3A_1261 = arith.muli %add3A_1069, %mul3A_1260 : i32
      %swap3A_1262 = arith.constant 1 : i32
      %swap3A_1263 = arith.constant 3 : i32
      %swap3A_1264 = arith.index_cast %swap3A_1262 : i32 to index
      %swap3A_1265 = arith.index_cast %swap3A_1263 : i32 to index
      %swap3A_1266 = arith.index_cast %mul3A_1261 : i32 to index
      %swap3A_1267 = tpu.vector_load %arg5[%swap3A_1264, %swap3A_1265, %swap3A_1266] {strides = array<i32>} : memref<2x8x4096xf32, #tpu.memory_space<vmem>>, vector<16xf32>,
      tpu.vector_store %arg5[%swap3A_1264, %swap3A_1265, %swap3A_1266], %gather3A_1259 {strides = array<i32>} : memref<2x8x4096xf32, #tpu.memory_space<vmem>>, vector<16xf32>,
      %mul3A_1268 = arith.constant 16 : i32
      %mul3A_1269 = vector.broadcast %mul3A_1268 : i32 to vector<16xi32>
      %mul3A_1270 = arith.muli %add3A_1087, %mul3A_1269 : vector<16xi32>
      %add3A_1271 = arith.constant 12 : i32
      %add3A_1272 = vector.broadcast %add3A_1271 : i32 to vector<16xi32>
      %add3A_1273 = arith.addi %mul3A_1270, %add3A_1272 : vector<16xi32>
      %gather3A_1274 = tpu.vector_load_idx %arg4[%add3A_1273] : memref<4112xf32, #tpu.memory_space<vmem>>[vector<16xi32>], vector<16xf32>,
      %mul3A_1275 = arith.constant 16 : i32
      %mul3A_1276 = arith.muli %add3A_1069, %mul3A_1275 : i32
      %swap3A_1277 = arith.constant 1 : i32
      %swap3A_1278 = arith.constant 4 : i32
      %swap3A_1279 = arith.index_cast %swap3A_1277 : i32 to index
      %swap3A_1280 = arith.index_cast %swap3A_1278 : i32 to index
      %swap3A_1281 = arith.index_cast %mul3A_1276 : i32 to index
      %swap3A_1282 = tpu.vector_load %arg5[%swap3A_1279, %swap3A_1280, %swap3A_1281] {strides = array<i32>} : memref<2x8x4096xf32, #tpu.memory_space<vmem>>, vector<16xf32>,
      tpu.vector_store %arg5[%swap3A_1279, %swap3A_1280, %swap3A_1281], %gather3A_1274 {strides = array<i32>} : memref<2x8x4096xf32, #tpu.memory_space<vmem>>, vector<16xf32>,
      %mul3A_1283 = arith.constant 16 : i32
      %mul3A_1284 = vector.broadcast %mul3A_1283 : i32 to vector<16xi32>
      %mul3A_1285 = arith.muli %add3A_1087, %mul3A_1284 : vector<16xi32>
      %add3A_1286 = arith.constant 13 : i32
      %add3A_1287 = vector.broadcast %add3A_1286 : i32 to vector<16xi32>
      %add3A_1288 = arith.addi %mul3A_1285, %add3A_1287 : vector<16xi32>
      %gather3A_1289 = tpu.vector_load_idx %arg4[%add3A_1288] : memref<4112xf32, #tpu.memory_space<vmem>>[vector<16xi32>], vector<16xf32>,
      %mul3A_1290 = arith.constant 16 : i32
      %mul3A_1291 = arith.muli %add3A_1069, %mul3A_1290 : i32
      %swap3A_1292 = arith.constant 1 : i32
      %swap3A_1293 = arith.constant 5 : i32
      %swap3A_1294 = arith.index_cast %swap3A_1292 : i32 to index
      %swap3A_1295 = arith.index_cast %swap3A_1293 : i32 to index
      %swap3A_1296 = arith.index_cast %mul3A_1291 : i32 to index
      %swap3A_1297 = tpu.vector_load %arg5[%swap3A_1294, %swap3A_1295, %swap3A_1296] {strides = array<i32>} : memref<2x8x4096xf32, #tpu.memory_space<vmem>>, vector<16xf32>,
      tpu.vector_store %arg5[%swap3A_1294, %swap3A_1295, %swap3A_1296], %gather3A_1289 {strides = array<i32>} : memref<2x8x4096xf32, #tpu.memory_space<vmem>>, vector<16xf32>,
      %mul3A_1298 = arith.constant 16 : i32
      %mul3A_1299 = vector.broadcast %mul3A_1298 : i32 to vector<16xi32>
      %mul3A_1300 = arith.muli %add3A_1087, %mul3A_1299 : vector<16xi32>
      %add3A_1301 = arith.constant 14 : i32
      %add3A_1302 = vector.broadcast %add3A_1301 : i32 to vector<16xi32>
      %add3A_1303 = arith.addi %mul3A_1300, %add3A_1302 : vector<16xi32>
      %gather3A_1304 = tpu.vector_load_idx %arg4[%add3A_1303] : memref<4112xf32, #tpu.memory_space<vmem>>[vector<16xi32>], vector<16xf32>,
      %mul3A_1305 = arith.constant 16 : i32
      %mul3A_1306 = arith.muli %add3A_1069, %mul3A_1305 : i32
      %swap3A_1307 = arith.constant 1 : i32
      %swap3A_1308 = arith.constant 6 : i32
      %swap3A_1309 = arith.index_cast %swap3A_1307 : i32 to index
      %swap3A_1310 = arith.index_cast %swap3A_1308 : i32 to index
      %swap3A_1311 = arith.index_cast %mul3A_1306 : i32 to index
      %swap3A_1312 = tpu.vector_load %arg5[%swap3A_1309, %swap3A_1310, %swap3A_1311] {strides = array<i32>} : memref<2x8x4096xf32, #tpu.memory_space<vmem>>, vector<16xf32>,
      tpu.vector_store %arg5[%swap3A_1309, %swap3A_1310, %swap3A_1311], %gather3A_1304 {strides = array<i32>} : memref<2x8x4096xf32, #tpu.memory_space<vmem>>, vector<16xf32>,
      %mul3A_1313 = arith.constant 16 : i32
      %mul3A_1314 = vector.broadcast %mul3A_1313 : i32 to vector<16xi32>
      %mul3A_1315 = arith.muli %add3A_1087, %mul3A_1314 : vector<16xi32>
      %add3A_1316 = arith.constant 15 : i32
      %add3A_1317 = vector.broadcast %add3A_1316 : i32 to vector<16xi32>
      %add3A_1318 = arith.addi %mul3A_1315, %add3A_1317 : vector<16xi32>
      %gather3A_1319 = tpu.vector_load_idx %arg4[%add3A_1318] : memref<4112xf32, #tpu.memory_space<vmem>>[vector<16xi32>], vector<16xf32>,
      %mul3A_1320 = arith.constant 16 : i32
      %mul3A_1321 = arith.muli %add3A_1069, %mul3A_1320 : i32
      %swap3A_1322 = arith.constant 1 : i32
      %swap3A_1323 = arith.constant 7 : i32
      %swap3A_1324 = arith.index_cast %swap3A_1322 : i32 to index
      %swap3A_1325 = arith.index_cast %swap3A_1323 : i32 to index
      %swap3A_1326 = arith.index_cast %mul3A_1321 : i32 to index
      %swap3A_1327 = tpu.vector_load %arg5[%swap3A_1324, %swap3A_1325, %swap3A_1326] {strides = array<i32>} : memref<2x8x4096xf32, #tpu.memory_space<vmem>>, vector<16xf32>,
      tpu.vector_store %arg5[%swap3A_1324, %swap3A_1325, %swap3A_1326], %gather3A_1319 {strides = array<i32>} : memref<2x8x4096xf32, #tpu.memory_space<vmem>>, vector<16xf32>,
      %mul3A_1328 = arith.constant 8 : i32
      %mul3A_1329 = arith.muli %mul3A_1328, %scan3A_21 : i32
      %add3A_1330 = arith.constant 5 : i32
      %add3A_1331 = arith.addi %mul3A_1329, %add3A_1330 : i32
      %mul3A_1332 = arith.constant 16 : i32
      %mul3A_1333 = arith.muli %add3A_1331, %mul3A_1332 : i32
      %add3A_1334 = vector.broadcast %mul3A_1333 : i32 to vector<16xi32>
      %add3A_1335 = arith.addi %add3A_1334, %iota3A : vector<16xi32>
      %add3A_1336 = vector.broadcast %sub3A_1 : i32 to vector<16xi32>
      %add3A_1337 = arith.addi %add3A_1335, %add3A_1336 : vector<16xi32>
      %sub3A_1338 = arith.constant 2047 : i32
      %sub3A_1339 = vector.broadcast %sub3A_1338 : i32 to vector<16xi32>
      %sub3A_1340 = arith.subi %sub3A_1339, %add3A_1337 : vector<16xi32>
      %min3A_1341 = arith.constant 128 : i32
      %min3A_1342 = vector.broadcast %min3A_1341 : i32 to vector<16xi32>
      %min3A_1343 = arith.minsi %sub3A_1340, %min3A_1342 : vector<16xi32>
      %max3A_1344 = arith.constant -128 : i32
      %max3A_1345 = vector.broadcast %max3A_1344 : i32 to vector<16xi32>
      %max3A_1346 = arith.maxsi %min3A_1343, %max3A_1345 : vector<16xi32>
      %add3A_1347 = arith.constant 128 : i32
      %add3A_1348 = vector.broadcast %add3A_1347 : i32 to vector<16xi32>
      %add3A_1349 = arith.addi %max3A_1346, %add3A_1348 : vector<16xi32>
      %mul3A_1350 = arith.constant 16 : i32
      %mul3A_1351 = vector.broadcast %mul3A_1350 : i32 to vector<16xi32>
      %mul3A_1352 = arith.muli %add3A_1349, %mul3A_1351 : vector<16xi32>
      %add3A_1353 = arith.constant 0 : i32
      %add3A_1354 = vector.broadcast %add3A_1353 : i32 to vector<16xi32>
      %add3A_1355 = arith.addi %mul3A_1352, %add3A_1354 : vector<16xi32>
      %gather3A_1356 = tpu.vector_load_idx %arg4[%add3A_1355] : memref<4112xf32, #tpu.memory_space<vmem>>[vector<16xi32>], vector<16xf32>,
      %mul3A_1357 = arith.constant 16 : i32
      %mul3A_1358 = arith.muli %add3A_1331, %mul3A_1357 : i32
      %swap3A_1359 = arith.constant 0 : i32
      %swap3A_1360 = arith.constant 0 : i32
      %swap3A_1361 = arith.index_cast %swap3A_1359 : i32 to index
      %swap3A_1362 = arith.index_cast %swap3A_1360 : i32 to index
      %swap3A_1363 = arith.index_cast %mul3A_1358 : i32 to index
      %swap3A_1364 = tpu.vector_load %arg5[%swap3A_1361, %swap3A_1362, %swap3A_1363] {strides = array<i32>} : memref<2x8x4096xf32, #tpu.memory_space<vmem>>, vector<16xf32>,
      tpu.vector_store %arg5[%swap3A_1361, %swap3A_1362, %swap3A_1363], %gather3A_1356 {strides = array<i32>} : memref<2x8x4096xf32, #tpu.memory_space<vmem>>, vector<16xf32>,
      %mul3A_1365 = arith.constant 16 : i32
      %mul3A_1366 = vector.broadcast %mul3A_1365 : i32 to vector<16xi32>
      %mul3A_1367 = arith.muli %add3A_1349, %mul3A_1366 : vector<16xi32>
      %add3A_1368 = arith.constant 1 : i32
      %add3A_1369 = vector.broadcast %add3A_1368 : i32 to vector<16xi32>
      %add3A_1370 = arith.addi %mul3A_1367, %add3A_1369 : vector<16xi32>
      %gather3A_1371 = tpu.vector_load_idx %arg4[%add3A_1370] : memref<4112xf32, #tpu.memory_space<vmem>>[vector<16xi32>], vector<16xf32>,
      %mul3A_1372 = arith.constant 16 : i32
      %mul3A_1373 = arith.muli %add3A_1331, %mul3A_1372 : i32
      %swap3A_1374 = arith.constant 0 : i32
      %swap3A_1375 = arith.constant 1 : i32
      %swap3A_1376 = arith.index_cast %swap3A_1374 : i32 to index
      %swap3A_1377 = arith.index_cast %swap3A_1375 : i32 to index
      %swap3A_1378 = arith.index_cast %mul3A_1373 : i32 to index
      %swap3A_1379 = tpu.vector_load %arg5[%swap3A_1376, %swap3A_1377, %swap3A_1378] {strides = array<i32>} : memref<2x8x4096xf32, #tpu.memory_space<vmem>>, vector<16xf32>,
      tpu.vector_store %arg5[%swap3A_1376, %swap3A_1377, %swap3A_1378], %gather3A_1371 {strides = array<i32>} : memref<2x8x4096xf32, #tpu.memory_space<vmem>>, vector<16xf32>,
      %mul3A_1380 = arith.constant 16 : i32
      %mul3A_1381 = vector.broadcast %mul3A_1380 : i32 to vector<16xi32>
      %mul3A_1382 = arith.muli %add3A_1349, %mul3A_1381 : vector<16xi32>
      %add3A_1383 = arith.constant 2 : i32
      %add3A_1384 = vector.broadcast %add3A_1383 : i32 to vector<16xi32>
      %add3A_1385 = arith.addi %mul3A_1382, %add3A_1384 : vector<16xi32>
      %gather3A_1386 = tpu.vector_load_idx %arg4[%add3A_1385] : memref<4112xf32, #tpu.memory_space<vmem>>[vector<16xi32>], vector<16xf32>,
      %mul3A_1387 = arith.constant 16 : i32
      %mul3A_1388 = arith.muli %add3A_1331, %mul3A_1387 : i32
      %swap3A_1389 = arith.constant 0 : i32
      %swap3A_1390 = arith.constant 2 : i32
      %swap3A_1391 = arith.index_cast %swap3A_1389 : i32 to index
      %swap3A_1392 = arith.index_cast %swap3A_1390 : i32 to index
      %swap3A_1393 = arith.index_cast %mul3A_1388 : i32 to index
      %swap3A_1394 = tpu.vector_load %arg5[%swap3A_1391, %swap3A_1392, %swap3A_1393] {strides = array<i32>} : memref<2x8x4096xf32, #tpu.memory_space<vmem>>, vector<16xf32>,
      tpu.vector_store %arg5[%swap3A_1391, %swap3A_1392, %swap3A_1393], %gather3A_1386 {strides = array<i32>} : memref<2x8x4096xf32, #tpu.memory_space<vmem>>, vector<16xf32>,
      %mul3A_1395 = arith.constant 16 : i32
      %mul3A_1396 = vector.broadcast %mul3A_1395 : i32 to vector<16xi32>
      %mul3A_1397 = arith.muli %add3A_1349, %mul3A_1396 : vector<16xi32>
      %add3A_1398 = arith.constant 3 : i32
      %add3A_1399 = vector.broadcast %add3A_1398 : i32 to vector<16xi32>
      %add3A_1400 = arith.addi %mul3A_1397, %add3A_1399 : vector<16xi32>
      %gather3A_1401 = tpu.vector_load_idx %arg4[%add3A_1400] : memref<4112xf32, #tpu.memory_space<vmem>>[vector<16xi32>], vector<16xf32>,
      %mul3A_1402 = arith.constant 16 : i32
      %mul3A_1403 = arith.muli %add3A_1331, %mul3A_1402 : i32
      %swap3A_1404 = arith.constant 0 : i32
      %swap3A_1405 = arith.constant 3 : i32
      %swap3A_1406 = arith.index_cast %swap3A_1404 : i32 to index
      %swap3A_1407 = arith.index_cast %swap3A_1405 : i32 to index
      %swap3A_1408 = arith.index_cast %mul3A_1403 : i32 to index
      %swap3A_1409 = tpu.vector_load %arg5[%swap3A_1406, %swap3A_1407, %swap3A_1408] {strides = array<i32>} : memref<2x8x4096xf32, #tpu.memory_space<vmem>>, vector<16xf32>,
      tpu.vector_store %arg5[%swap3A_1406, %swap3A_1407, %swap3A_1408], %gather3A_1401 {strides = array<i32>} : memref<2x8x4096xf32, #tpu.memory_space<vmem>>, vector<16xf32>,
      %mul3A_1410 = arith.constant 16 : i32
      %mul3A_1411 = vector.broadcast %mul3A_1410 : i32 to vector<16xi32>
      %mul3A_1412 = arith.muli %add3A_1349, %mul3A_1411 : vector<16xi32>
      %add3A_1413 = arith.constant 4 : i32
      %add3A_1414 = vector.broadcast %add3A_1413 : i32 to vector<16xi32>
      %add3A_1415 = arith.addi %mul3A_1412, %add3A_1414 : vector<16xi32>
      %gather3A_1416 = tpu.vector_load_idx %arg4[%add3A_1415] : memref<4112xf32, #tpu.memory_space<vmem>>[vector<16xi32>], vector<16xf32>,
      %mul3A_1417 = arith.constant 16 : i32
      %mul3A_1418 = arith.muli %add3A_1331, %mul3A_1417 : i32
      %swap3A_1419 = arith.constant 0 : i32
      %swap3A_1420 = arith.constant 4 : i32
      %swap3A_1421 = arith.index_cast %swap3A_1419 : i32 to index
      %swap3A_1422 = arith.index_cast %swap3A_1420 : i32 to index
      %swap3A_1423 = arith.index_cast %mul3A_1418 : i32 to index
      %swap3A_1424 = tpu.vector_load %arg5[%swap3A_1421, %swap3A_1422, %swap3A_1423] {strides = array<i32>} : memref<2x8x4096xf32, #tpu.memory_space<vmem>>, vector<16xf32>,
      tpu.vector_store %arg5[%swap3A_1421, %swap3A_1422, %swap3A_1423], %gather3A_1416 {strides = array<i32>} : memref<2x8x4096xf32, #tpu.memory_space<vmem>>, vector<16xf32>,
      %mul3A_1425 = arith.constant 16 : i32
      %mul3A_1426 = vector.broadcast %mul3A_1425 : i32 to vector<16xi32>
      %mul3A_1427 = arith.muli %add3A_1349, %mul3A_1426 : vector<16xi32>
      %add3A_1428 = arith.constant 5 : i32
      %add3A_1429 = vector.broadcast %add3A_1428 : i32 to vector<16xi32>
      %add3A_1430 = arith.addi %mul3A_1427, %add3A_1429 : vector<16xi32>
      %gather3A_1431 = tpu.vector_load_idx %arg4[%add3A_1430] : memref<4112xf32, #tpu.memory_space<vmem>>[vector<16xi32>], vector<16xf32>,
      %mul3A_1432 = arith.constant 16 : i32
      %mul3A_1433 = arith.muli %add3A_1331, %mul3A_1432 : i32
      %swap3A_1434 = arith.constant 0 : i32
      %swap3A_1435 = arith.constant 5 : i32
      %swap3A_1436 = arith.index_cast %swap3A_1434 : i32 to index
      %swap3A_1437 = arith.index_cast %swap3A_1435 : i32 to index
      %swap3A_1438 = arith.index_cast %mul3A_1433 : i32 to index
      %swap3A_1439 = tpu.vector_load %arg5[%swap3A_1436, %swap3A_1437, %swap3A_1438] {strides = array<i32>} : memref<2x8x4096xf32, #tpu.memory_space<vmem>>, vector<16xf32>,
      tpu.vector_store %arg5[%swap3A_1436, %swap3A_1437, %swap3A_1438], %gather3A_1431 {strides = array<i32>} : memref<2x8x4096xf32, #tpu.memory_space<vmem>>, vector<16xf32>,
      %mul3A_1440 = arith.constant 16 : i32
      %mul3A_1441 = vector.broadcast %mul3A_1440 : i32 to vector<16xi32>
      %mul3A_1442 = arith.muli %add3A_1349, %mul3A_1441 : vector<16xi32>
      %add3A_1443 = arith.constant 6 : i32
      %add3A_1444 = vector.broadcast %add3A_1443 : i32 to vector<16xi32>
      %add3A_1445 = arith.addi %mul3A_1442, %add3A_1444 : vector<16xi32>
      %gather3A_1446 = tpu.vector_load_idx %arg4[%add3A_1445] : memref<4112xf32, #tpu.memory_space<vmem>>[vector<16xi32>], vector<16xf32>,
      %mul3A_1447 = arith.constant 16 : i32
      %mul3A_1448 = arith.muli %add3A_1331, %mul3A_1447 : i32
      %swap3A_1449 = arith.constant 0 : i32
      %swap3A_1450 = arith.constant 6 : i32
      %swap3A_1451 = arith.index_cast %swap3A_1449 : i32 to index
      %swap3A_1452 = arith.index_cast %swap3A_1450 : i32 to index
      %swap3A_1453 = arith.index_cast %mul3A_1448 : i32 to index
      %swap3A_1454 = tpu.vector_load %arg5[%swap3A_1451, %swap3A_1452, %swap3A_1453] {strides = array<i32>} : memref<2x8x4096xf32, #tpu.memory_space<vmem>>, vector<16xf32>,
      tpu.vector_store %arg5[%swap3A_1451, %swap3A_1452, %swap3A_1453], %gather3A_1446 {strides = array<i32>} : memref<2x8x4096xf32, #tpu.memory_space<vmem>>, vector<16xf32>,
      %mul3A_1455 = arith.constant 16 : i32
      %mul3A_1456 = vector.broadcast %mul3A_1455 : i32 to vector<16xi32>
      %mul3A_1457 = arith.muli %add3A_1349, %mul3A_1456 : vector<16xi32>
      %add3A_1458 = arith.constant 7 : i32
      %add3A_1459 = vector.broadcast %add3A_1458 : i32 to vector<16xi32>
      %add3A_1460 = arith.addi %mul3A_1457, %add3A_1459 : vector<16xi32>
      %gather3A_1461 = tpu.vector_load_idx %arg4[%add3A_1460] : memref<4112xf32, #tpu.memory_space<vmem>>[vector<16xi32>], vector<16xf32>,
      %mul3A_1462 = arith.constant 16 : i32
      %mul3A_1463 = arith.muli %add3A_1331, %mul3A_1462 : i32
      %swap3A_1464 = arith.constant 0 : i32
      %swap3A_1465 = arith.constant 7 : i32
      %swap3A_1466 = arith.index_cast %swap3A_1464 : i32 to index
      %swap3A_1467 = arith.index_cast %swap3A_1465 : i32 to index
      %swap3A_1468 = arith.index_cast %mul3A_1463 : i32 to index
      %swap3A_1469 = tpu.vector_load %arg5[%swap3A_1466, %swap3A_1467, %swap3A_1468] {strides = array<i32>} : memref<2x8x4096xf32, #tpu.memory_space<vmem>>, vector<16xf32>,
      tpu.vector_store %arg5[%swap3A_1466, %swap3A_1467, %swap3A_1468], %gather3A_1461 {strides = array<i32>} : memref<2x8x4096xf32, #tpu.memory_space<vmem>>, vector<16xf32>,
      %mul3A_1470 = arith.constant 16 : i32
      %mul3A_1471 = vector.broadcast %mul3A_1470 : i32 to vector<16xi32>
      %mul3A_1472 = arith.muli %add3A_1349, %mul3A_1471 : vector<16xi32>
      %add3A_1473 = arith.constant 8 : i32
      %add3A_1474 = vector.broadcast %add3A_1473 : i32 to vector<16xi32>
      %add3A_1475 = arith.addi %mul3A_1472, %add3A_1474 : vector<16xi32>
      %gather3A_1476 = tpu.vector_load_idx %arg4[%add3A_1475] : memref<4112xf32, #tpu.memory_space<vmem>>[vector<16xi32>], vector<16xf32>,
      %mul3A_1477 = arith.constant 16 : i32
      %mul3A_1478 = arith.muli %add3A_1331, %mul3A_1477 : i32
      %swap3A_1479 = arith.constant 1 : i32
      %swap3A_1480 = arith.constant 0 : i32
      %swap3A_1481 = arith.index_cast %swap3A_1479 : i32 to index
      %swap3A_1482 = arith.index_cast %swap3A_1480 : i32 to index
      %swap3A_1483 = arith.index_cast %mul3A_1478 : i32 to index
      %swap3A_1484 = tpu.vector_load %arg5[%swap3A_1481, %swap3A_1482, %swap3A_1483] {strides = array<i32>} : memref<2x8x4096xf32, #tpu.memory_space<vmem>>, vector<16xf32>,
      tpu.vector_store %arg5[%swap3A_1481, %swap3A_1482, %swap3A_1483], %gather3A_1476 {strides = array<i32>} : memref<2x8x4096xf32, #tpu.memory_space<vmem>>, vector<16xf32>,
      %mul3A_1485 = arith.constant 16 : i32
      %mul3A_1486 = vector.broadcast %mul3A_1485 : i32 to vector<16xi32>
      %mul3A_1487 = arith.muli %add3A_1349, %mul3A_1486 : vector<16xi32>
      %add3A_1488 = arith.constant 9 : i32
      %add3A_1489 = vector.broadcast %add3A_1488 : i32 to vector<16xi32>
      %add3A_1490 = arith.addi %mul3A_1487, %add3A_1489 : vector<16xi32>
      %gather3A_1491 = tpu.vector_load_idx %arg4[%add3A_1490] : memref<4112xf32, #tpu.memory_space<vmem>>[vector<16xi32>], vector<16xf32>,
      %mul3A_1492 = arith.constant 16 : i32
      %mul3A_1493 = arith.muli %add3A_1331, %mul3A_1492 : i32
      %swap3A_1494 = arith.constant 1 : i32
      %swap3A_1495 = arith.constant 1 : i32
      %swap3A_1496 = arith.index_cast %swap3A_1494 : i32 to index
      %swap3A_1497 = arith.index_cast %swap3A_1495 : i32 to index
      %swap3A_1498 = arith.index_cast %mul3A_1493 : i32 to index
      %swap3A_1499 = tpu.vector_load %arg5[%swap3A_1496, %swap3A_1497, %swap3A_1498] {strides = array<i32>} : memref<2x8x4096xf32, #tpu.memory_space<vmem>>, vector<16xf32>,
      tpu.vector_store %arg5[%swap3A_1496, %swap3A_1497, %swap3A_1498], %gather3A_1491 {strides = array<i32>} : memref<2x8x4096xf32, #tpu.memory_space<vmem>>, vector<16xf32>,
      %mul3A_1500 = arith.constant 16 : i32
      %mul3A_1501 = vector.broadcast %mul3A_1500 : i32 to vector<16xi32>
      %mul3A_1502 = arith.muli %add3A_1349, %mul3A_1501 : vector<16xi32>
      %add3A_1503 = arith.constant 10 : i32
      %add3A_1504 = vector.broadcast %add3A_1503 : i32 to vector<16xi32>
      %add3A_1505 = arith.addi %mul3A_1502, %add3A_1504 : vector<16xi32>
      %gather3A_1506 = tpu.vector_load_idx %arg4[%add3A_1505] : memref<4112xf32, #tpu.memory_space<vmem>>[vector<16xi32>], vector<16xf32>,
      %mul3A_1507 = arith.constant 16 : i32
      %mul3A_1508 = arith.muli %add3A_1331, %mul3A_1507 : i32
      %swap3A_1509 = arith.constant 1 : i32
      %swap3A_1510 = arith.constant 2 : i32
      %swap3A_1511 = arith.index_cast %swap3A_1509 : i32 to index
      %swap3A_1512 = arith.index_cast %swap3A_1510 : i32 to index
      %swap3A_1513 = arith.index_cast %mul3A_1508 : i32 to index
      %swap3A_1514 = tpu.vector_load %arg5[%swap3A_1511, %swap3A_1512, %swap3A_1513] {strides = array<i32>} : memref<2x8x4096xf32, #tpu.memory_space<vmem>>, vector<16xf32>,
      tpu.vector_store %arg5[%swap3A_1511, %swap3A_1512, %swap3A_1513], %gather3A_1506 {strides = array<i32>} : memref<2x8x4096xf32, #tpu.memory_space<vmem>>, vector<16xf32>,
      %mul3A_1515 = arith.constant 16 : i32
      %mul3A_1516 = vector.broadcast %mul3A_1515 : i32 to vector<16xi32>
      %mul3A_1517 = arith.muli %add3A_1349, %mul3A_1516 : vector<16xi32>
      %add3A_1518 = arith.constant 11 : i32
      %add3A_1519 = vector.broadcast %add3A_1518 : i32 to vector<16xi32>
      %add3A_1520 = arith.addi %mul3A_1517, %add3A_1519 : vector<16xi32>
      %gather3A_1521 = tpu.vector_load_idx %arg4[%add3A_1520] : memref<4112xf32, #tpu.memory_space<vmem>>[vector<16xi32>], vector<16xf32>,
      %mul3A_1522 = arith.constant 16 : i32
      %mul3A_1523 = arith.muli %add3A_1331, %mul3A_1522 : i32
      %swap3A_1524 = arith.constant 1 : i32
      %swap3A_1525 = arith.constant 3 : i32
      %swap3A_1526 = arith.index_cast %swap3A_1524 : i32 to index
      %swap3A_1527 = arith.index_cast %swap3A_1525 : i32 to index
      %swap3A_1528 = arith.index_cast %mul3A_1523 : i32 to index
      %swap3A_1529 = tpu.vector_load %arg5[%swap3A_1526, %swap3A_1527, %swap3A_1528] {strides = array<i32>} : memref<2x8x4096xf32, #tpu.memory_space<vmem>>, vector<16xf32>,
      tpu.vector_store %arg5[%swap3A_1526, %swap3A_1527, %swap3A_1528], %gather3A_1521 {strides = array<i32>} : memref<2x8x4096xf32, #tpu.memory_space<vmem>>, vector<16xf32>,
      %mul3A_1530 = arith.constant 16 : i32
      %mul3A_1531 = vector.broadcast %mul3A_1530 : i32 to vector<16xi32>
      %mul3A_1532 = arith.muli %add3A_1349, %mul3A_1531 : vector<16xi32>
      %add3A_1533 = arith.constant 12 : i32
      %add3A_1534 = vector.broadcast %add3A_1533 : i32 to vector<16xi32>
      %add3A_1535 = arith.addi %mul3A_1532, %add3A_1534 : vector<16xi32>
      %gather3A_1536 = tpu.vector_load_idx %arg4[%add3A_1535] : memref<4112xf32, #tpu.memory_space<vmem>>[vector<16xi32>], vector<16xf32>,
      %mul3A_1537 = arith.constant 16 : i32
      %mul3A_1538 = arith.muli %add3A_1331, %mul3A_1537 : i32
      %swap3A_1539 = arith.constant 1 : i32
      %swap3A_1540 = arith.constant 4 : i32
      %swap3A_1541 = arith.index_cast %swap3A_1539 : i32 to index
      %swap3A_1542 = arith.index_cast %swap3A_1540 : i32 to index
      %swap3A_1543 = arith.index_cast %mul3A_1538 : i32 to index
      %swap3A_1544 = tpu.vector_load %arg5[%swap3A_1541, %swap3A_1542, %swap3A_1543] {strides = array<i32>} : memref<2x8x4096xf32, #tpu.memory_space<vmem>>, vector<16xf32>,
      tpu.vector_store %arg5[%swap3A_1541, %swap3A_1542, %swap3A_1543], %gather3A_1536 {strides = array<i32>} : memref<2x8x4096xf32, #tpu.memory_space<vmem>>, vector<16xf32>,
      %mul3A_1545 = arith.constant 16 : i32
      %mul3A_1546 = vector.broadcast %mul3A_1545 : i32 to vector<16xi32>
      %mul3A_1547 = arith.muli %add3A_1349, %mul3A_1546 : vector<16xi32>
      %add3A_1548 = arith.constant 13 : i32
      %add3A_1549 = vector.broadcast %add3A_1548 : i32 to vector<16xi32>
      %add3A_1550 = arith.addi %mul3A_1547, %add3A_1549 : vector<16xi32>
      %gather3A_1551 = tpu.vector_load_idx %arg4[%add3A_1550] : memref<4112xf32, #tpu.memory_space<vmem>>[vector<16xi32>], vector<16xf32>,
      %mul3A_1552 = arith.constant 16 : i32
      %mul3A_1553 = arith.muli %add3A_1331, %mul3A_1552 : i32
      %swap3A_1554 = arith.constant 1 : i32
      %swap3A_1555 = arith.constant 5 : i32
      %swap3A_1556 = arith.index_cast %swap3A_1554 : i32 to index
      %swap3A_1557 = arith.index_cast %swap3A_1555 : i32 to index
      %swap3A_1558 = arith.index_cast %mul3A_1553 : i32 to index
      %swap3A_1559 = tpu.vector_load %arg5[%swap3A_1556, %swap3A_1557, %swap3A_1558] {strides = array<i32>} : memref<2x8x4096xf32, #tpu.memory_space<vmem>>, vector<16xf32>,
      tpu.vector_store %arg5[%swap3A_1556, %swap3A_1557, %swap3A_1558], %gather3A_1551 {strides = array<i32>} : memref<2x8x4096xf32, #tpu.memory_space<vmem>>, vector<16xf32>,
      %mul3A_1560 = arith.constant 16 : i32
      %mul3A_1561 = vector.broadcast %mul3A_1560 : i32 to vector<16xi32>
      %mul3A_1562 = arith.muli %add3A_1349, %mul3A_1561 : vector<16xi32>
      %add3A_1563 = arith.constant 14 : i32
      %add3A_1564 = vector.broadcast %add3A_1563 : i32 to vector<16xi32>
      %add3A_1565 = arith.addi %mul3A_1562, %add3A_1564 : vector<16xi32>
      %gather3A_1566 = tpu.vector_load_idx %arg4[%add3A_1565] : memref<4112xf32, #tpu.memory_space<vmem>>[vector<16xi32>], vector<16xf32>,
      %mul3A_1567 = arith.constant 16 : i32
      %mul3A_1568 = arith.muli %add3A_1331, %mul3A_1567 : i32
      %swap3A_1569 = arith.constant 1 : i32
      %swap3A_1570 = arith.constant 6 : i32
      %swap3A_1571 = arith.index_cast %swap3A_1569 : i32 to index
      %swap3A_1572 = arith.index_cast %swap3A_1570 : i32 to index
      %swap3A_1573 = arith.index_cast %mul3A_1568 : i32 to index
      %swap3A_1574 = tpu.vector_load %arg5[%swap3A_1571, %swap3A_1572, %swap3A_1573] {strides = array<i32>} : memref<2x8x4096xf32, #tpu.memory_space<vmem>>, vector<16xf32>,
      tpu.vector_store %arg5[%swap3A_1571, %swap3A_1572, %swap3A_1573], %gather3A_1566 {strides = array<i32>} : memref<2x8x4096xf32, #tpu.memory_space<vmem>>, vector<16xf32>,
      %mul3A_1575 = arith.constant 16 : i32
      %mul3A_1576 = vector.broadcast %mul3A_1575 : i32 to vector<16xi32>
      %mul3A_1577 = arith.muli %add3A_1349, %mul3A_1576 : vector<16xi32>
      %add3A_1578 = arith.constant 15 : i32
      %add3A_1579 = vector.broadcast %add3A_1578 : i32 to vector<16xi32>
      %add3A_1580 = arith.addi %mul3A_1577, %add3A_1579 : vector<16xi32>
      %gather3A_1581 = tpu.vector_load_idx %arg4[%add3A_1580] : memref<4112xf32, #tpu.memory_space<vmem>>[vector<16xi32>], vector<16xf32>,
      %mul3A_1582 = arith.constant 16 : i32
      %mul3A_1583 = arith.muli %add3A_1331, %mul3A_1582 : i32
      %swap3A_1584 = arith.constant 1 : i32
      %swap3A_1585 = arith.constant 7 : i32
      %swap3A_1586 = arith.index_cast %swap3A_1584 : i32 to index
      %swap3A_1587 = arith.index_cast %swap3A_1585 : i32 to index
      %swap3A_1588 = arith.index_cast %mul3A_1583 : i32 to index
      %swap3A_1589 = tpu.vector_load %arg5[%swap3A_1586, %swap3A_1587, %swap3A_1588] {strides = array<i32>} : memref<2x8x4096xf32, #tpu.memory_space<vmem>>, vector<16xf32>,
      tpu.vector_store %arg5[%swap3A_1586, %swap3A_1587, %swap3A_1588], %gather3A_1581 {strides = array<i32>} : memref<2x8x4096xf32, #tpu.memory_space<vmem>>, vector<16xf32>,
      %mul3A_1590 = arith.constant 8 : i32
      %mul3A_1591 = arith.muli %mul3A_1590, %scan3A_21 : i32
      %add3A_1592 = arith.constant 6 : i32
      %add3A_1593 = arith.addi %mul3A_1591, %add3A_1592 : i32
      %mul3A_1594 = arith.constant 16 : i32
      %mul3A_1595 = arith.muli %add3A_1593, %mul3A_1594 : i32
      %add3A_1596 = vector.broadcast %mul3A_1595 : i32 to vector<16xi32>
      %add3A_1597 = arith.addi %add3A_1596, %iota3A : vector<16xi32>
      %add3A_1598 = vector.broadcast %sub3A_1 : i32 to vector<16xi32>
      %add3A_1599 = arith.addi %add3A_1597, %add3A_1598 : vector<16xi32>
      %sub3A_1600 = arith.constant 2047 : i32
      %sub3A_1601 = vector.broadcast %sub3A_1600 : i32 to vector<16xi32>
      %sub3A_1602 = arith.subi %sub3A_1601, %add3A_1599 : vector<16xi32>
      %min3A_1603 = arith.constant 128 : i32
      %min3A_1604 = vector.broadcast %min3A_1603 : i32 to vector<16xi32>
      %min3A_1605 = arith.minsi %sub3A_1602, %min3A_1604 : vector<16xi32>
      %max3A_1606 = arith.constant -128 : i32
      %max3A_1607 = vector.broadcast %max3A_1606 : i32 to vector<16xi32>
      %max3A_1608 = arith.maxsi %min3A_1605, %max3A_1607 : vector<16xi32>
      %add3A_1609 = arith.constant 128 : i32
      %add3A_1610 = vector.broadcast %add3A_1609 : i32 to vector<16xi32>
      %add3A_1611 = arith.addi %max3A_1608, %add3A_1610 : vector<16xi32>
      %mul3A_1612 = arith.constant 16 : i32
      %mul3A_1613 = vector.broadcast %mul3A_1612 : i32 to vector<16xi32>
      %mul3A_1614 = arith.muli %add3A_1611, %mul3A_1613 : vector<16xi32>
      %add3A_1615 = arith.constant 0 : i32
      %add3A_1616 = vector.broadcast %add3A_1615 : i32 to vector<16xi32>
      %add3A_1617 = arith.addi %mul3A_1614, %add3A_1616 : vector<16xi32>
      %gather3A_1618 = tpu.vector_load_idx %arg4[%add3A_1617] : memref<4112xf32, #tpu.memory_space<vmem>>[vector<16xi32>], vector<16xf32>,
      %mul3A_1619 = arith.constant 16 : i32
      %mul3A_1620 = arith.muli %add3A_1593, %mul3A_1619 : i32
      %swap3A_1621 = arith.constant 0 : i32
      %swap3A_1622 = arith.constant 0 : i32
      %swap3A_1623 = arith.index_cast %swap3A_1621 : i32 to index
      %swap3A_1624 = arith.index_cast %swap3A_1622 : i32 to index
      %swap3A_1625 = arith.index_cast %mul3A_1620 : i32 to index
      %swap3A_1626 = tpu.vector_load %arg5[%swap3A_1623, %swap3A_1624, %swap3A_1625] {strides = array<i32>} : memref<2x8x4096xf32, #tpu.memory_space<vmem>>, vector<16xf32>,
      tpu.vector_store %arg5[%swap3A_1623, %swap3A_1624, %swap3A_1625], %gather3A_1618 {strides = array<i32>} : memref<2x8x4096xf32, #tpu.memory_space<vmem>>, vector<16xf32>,
      %mul3A_1627 = arith.constant 16 : i32
      %mul3A_1628 = vector.broadcast %mul3A_1627 : i32 to vector<16xi32>
      %mul3A_1629 = arith.muli %add3A_1611, %mul3A_1628 : vector<16xi32>
      %add3A_1630 = arith.constant 1 : i32
      %add3A_1631 = vector.broadcast %add3A_1630 : i32 to vector<16xi32>
      %add3A_1632 = arith.addi %mul3A_1629, %add3A_1631 : vector<16xi32>
      %gather3A_1633 = tpu.vector_load_idx %arg4[%add3A_1632] : memref<4112xf32, #tpu.memory_space<vmem>>[vector<16xi32>], vector<16xf32>,
      %mul3A_1634 = arith.constant 16 : i32
      %mul3A_1635 = arith.muli %add3A_1593, %mul3A_1634 : i32
      %swap3A_1636 = arith.constant 0 : i32
      %swap3A_1637 = arith.constant 1 : i32
      %swap3A_1638 = arith.index_cast %swap3A_1636 : i32 to index
      %swap3A_1639 = arith.index_cast %swap3A_1637 : i32 to index
      %swap3A_1640 = arith.index_cast %mul3A_1635 : i32 to index
      %swap3A_1641 = tpu.vector_load %arg5[%swap3A_1638, %swap3A_1639, %swap3A_1640] {strides = array<i32>} : memref<2x8x4096xf32, #tpu.memory_space<vmem>>, vector<16xf32>,
      tpu.vector_store %arg5[%swap3A_1638, %swap3A_1639, %swap3A_1640], %gather3A_1633 {strides = array<i32>} : memref<2x8x4096xf32, #tpu.memory_space<vmem>>, vector<16xf32>,
      %mul3A_1642 = arith.constant 16 : i32
      %mul3A_1643 = vector.broadcast %mul3A_1642 : i32 to vector<16xi32>
      %mul3A_1644 = arith.muli %add3A_1611, %mul3A_1643 : vector<16xi32>
      %add3A_1645 = arith.constant 2 : i32
      %add3A_1646 = vector.broadcast %add3A_1645 : i32 to vector<16xi32>
      %add3A_1647 = arith.addi %mul3A_1644, %add3A_1646 : vector<16xi32>
      %gather3A_1648 = tpu.vector_load_idx %arg4[%add3A_1647] : memref<4112xf32, #tpu.memory_space<vmem>>[vector<16xi32>], vector<16xf32>,
      %mul3A_1649 = arith.constant 16 : i32
      %mul3A_1650 = arith.muli %add3A_1593, %mul3A_1649 : i32
      %swap3A_1651 = arith.constant 0 : i32
      %swap3A_1652 = arith.constant 2 : i32
      %swap3A_1653 = arith.index_cast %swap3A_1651 : i32 to index
      %swap3A_1654 = arith.index_cast %swap3A_1652 : i32 to index
      %swap3A_1655 = arith.index_cast %mul3A_1650 : i32 to index
      %swap3A_1656 = tpu.vector_load %arg5[%swap3A_1653, %swap3A_1654, %swap3A_1655] {strides = array<i32>} : memref<2x8x4096xf32, #tpu.memory_space<vmem>>, vector<16xf32>,
      tpu.vector_store %arg5[%swap3A_1653, %swap3A_1654, %swap3A_1655], %gather3A_1648 {strides = array<i32>} : memref<2x8x4096xf32, #tpu.memory_space<vmem>>, vector<16xf32>,
      %mul3A_1657 = arith.constant 16 : i32
      %mul3A_1658 = vector.broadcast %mul3A_1657 : i32 to vector<16xi32>
      %mul3A_1659 = arith.muli %add3A_1611, %mul3A_1658 : vector<16xi32>
      %add3A_1660 = arith.constant 3 : i32
      %add3A_1661 = vector.broadcast %add3A_1660 : i32 to vector<16xi32>
      %add3A_1662 = arith.addi %mul3A_1659, %add3A_1661 : vector<16xi32>
      %gather3A_1663 = tpu.vector_load_idx %arg4[%add3A_1662] : memref<4112xf32, #tpu.memory_space<vmem>>[vector<16xi32>], vector<16xf32>,
      %mul3A_1664 = arith.constant 16 : i32
      %mul3A_1665 = arith.muli %add3A_1593, %mul3A_1664 : i32
      %swap3A_1666 = arith.constant 0 : i32
      %swap3A_1667 = arith.constant 3 : i32
      %swap3A_1668 = arith.index_cast %swap3A_1666 : i32 to index
      %swap3A_1669 = arith.index_cast %swap3A_1667 : i32 to index
      %swap3A_1670 = arith.index_cast %mul3A_1665 : i32 to index
      %swap3A_1671 = tpu.vector_load %arg5[%swap3A_1668, %swap3A_1669, %swap3A_1670] {strides = array<i32>} : memref<2x8x4096xf32, #tpu.memory_space<vmem>>, vector<16xf32>,
      tpu.vector_store %arg5[%swap3A_1668, %swap3A_1669, %swap3A_1670], %gather3A_1663 {strides = array<i32>} : memref<2x8x4096xf32, #tpu.memory_space<vmem>>, vector<16xf32>,
      %mul3A_1672 = arith.constant 16 : i32
      %mul3A_1673 = vector.broadcast %mul3A_1672 : i32 to vector<16xi32>
      %mul3A_1674 = arith.muli %add3A_1611, %mul3A_1673 : vector<16xi32>
      %add3A_1675 = arith.constant 4 : i32
      %add3A_1676 = vector.broadcast %add3A_1675 : i32 to vector<16xi32>
      %add3A_1677 = arith.addi %mul3A_1674, %add3A_1676 : vector<16xi32>
      %gather3A_1678 = tpu.vector_load_idx %arg4[%add3A_1677] : memref<4112xf32, #tpu.memory_space<vmem>>[vector<16xi32>], vector<16xf32>,
      %mul3A_1679 = arith.constant 16 : i32
      %mul3A_1680 = arith.muli %add3A_1593, %mul3A_1679 : i32
      %swap3A_1681 = arith.constant 0 : i32
      %swap3A_1682 = arith.constant 4 : i32
      %swap3A_1683 = arith.index_cast %swap3A_1681 : i32 to index
      %swap3A_1684 = arith.index_cast %swap3A_1682 : i32 to index
      %swap3A_1685 = arith.index_cast %mul3A_1680 : i32 to index
      %swap3A_1686 = tpu.vector_load %arg5[%swap3A_1683, %swap3A_1684, %swap3A_1685] {strides = array<i32>} : memref<2x8x4096xf32, #tpu.memory_space<vmem>>, vector<16xf32>,
      tpu.vector_store %arg5[%swap3A_1683, %swap3A_1684, %swap3A_1685], %gather3A_1678 {strides = array<i32>} : memref<2x8x4096xf32, #tpu.memory_space<vmem>>, vector<16xf32>,
      %mul3A_1687 = arith.constant 16 : i32
      %mul3A_1688 = vector.broadcast %mul3A_1687 : i32 to vector<16xi32>
      %mul3A_1689 = arith.muli %add3A_1611, %mul3A_1688 : vector<16xi32>
      %add3A_1690 = arith.constant 5 : i32
      %add3A_1691 = vector.broadcast %add3A_1690 : i32 to vector<16xi32>
      %add3A_1692 = arith.addi %mul3A_1689, %add3A_1691 : vector<16xi32>
      %gather3A_1693 = tpu.vector_load_idx %arg4[%add3A_1692] : memref<4112xf32, #tpu.memory_space<vmem>>[vector<16xi32>], vector<16xf32>,
      %mul3A_1694 = arith.constant 16 : i32
      %mul3A_1695 = arith.muli %add3A_1593, %mul3A_1694 : i32
      %swap3A_1696 = arith.constant 0 : i32
      %swap3A_1697 = arith.constant 5 : i32
      %swap3A_1698 = arith.index_cast %swap3A_1696 : i32 to index
      %swap3A_1699 = arith.index_cast %swap3A_1697 : i32 to index
      %swap3A_1700 = arith.index_cast %mul3A_1695 : i32 to index
      %swap3A_1701 = tpu.vector_load %arg5[%swap3A_1698, %swap3A_1699, %swap3A_1700] {strides = array<i32>} : memref<2x8x4096xf32, #tpu.memory_space<vmem>>, vector<16xf32>,
      tpu.vector_store %arg5[%swap3A_1698, %swap3A_1699, %swap3A_1700], %gather3A_1693 {strides = array<i32>} : memref<2x8x4096xf32, #tpu.memory_space<vmem>>, vector<16xf32>,
      %mul3A_1702 = arith.constant 16 : i32
      %mul3A_1703 = vector.broadcast %mul3A_1702 : i32 to vector<16xi32>
      %mul3A_1704 = arith.muli %add3A_1611, %mul3A_1703 : vector<16xi32>
      %add3A_1705 = arith.constant 6 : i32
      %add3A_1706 = vector.broadcast %add3A_1705 : i32 to vector<16xi32>
      %add3A_1707 = arith.addi %mul3A_1704, %add3A_1706 : vector<16xi32>
      %gather3A_1708 = tpu.vector_load_idx %arg4[%add3A_1707] : memref<4112xf32, #tpu.memory_space<vmem>>[vector<16xi32>], vector<16xf32>,
      %mul3A_1709 = arith.constant 16 : i32
      %mul3A_1710 = arith.muli %add3A_1593, %mul3A_1709 : i32
      %swap3A_1711 = arith.constant 0 : i32
      %swap3A_1712 = arith.constant 6 : i32
      %swap3A_1713 = arith.index_cast %swap3A_1711 : i32 to index
      %swap3A_1714 = arith.index_cast %swap3A_1712 : i32 to index
      %swap3A_1715 = arith.index_cast %mul3A_1710 : i32 to index
      %swap3A_1716 = tpu.vector_load %arg5[%swap3A_1713, %swap3A_1714, %swap3A_1715] {strides = array<i32>} : memref<2x8x4096xf32, #tpu.memory_space<vmem>>, vector<16xf32>,
      tpu.vector_store %arg5[%swap3A_1713, %swap3A_1714, %swap3A_1715], %gather3A_1708 {strides = array<i32>} : memref<2x8x4096xf32, #tpu.memory_space<vmem>>, vector<16xf32>,
      %mul3A_1717 = arith.constant 16 : i32
      %mul3A_1718 = vector.broadcast %mul3A_1717 : i32 to vector<16xi32>
      %mul3A_1719 = arith.muli %add3A_1611, %mul3A_1718 : vector<16xi32>
      %add3A_1720 = arith.constant 7 : i32
      %add3A_1721 = vector.broadcast %add3A_1720 : i32 to vector<16xi32>
      %add3A_1722 = arith.addi %mul3A_1719, %add3A_1721 : vector<16xi32>
      %gather3A_1723 = tpu.vector_load_idx %arg4[%add3A_1722] : memref<4112xf32, #tpu.memory_space<vmem>>[vector<16xi32>], vector<16xf32>,
      %mul3A_1724 = arith.constant 16 : i32
      %mul3A_1725 = arith.muli %add3A_1593, %mul3A_1724 : i32
      %swap3A_1726 = arith.constant 0 : i32
      %swap3A_1727 = arith.constant 7 : i32
      %swap3A_1728 = arith.index_cast %swap3A_1726 : i32 to index
      %swap3A_1729 = arith.index_cast %swap3A_1727 : i32 to index
      %swap3A_1730 = arith.index_cast %mul3A_1725 : i32 to index
      %swap3A_1731 = tpu.vector_load %arg5[%swap3A_1728, %swap3A_1729, %swap3A_1730] {strides = array<i32>} : memref<2x8x4096xf32, #tpu.memory_space<vmem>>, vector<16xf32>,
      tpu.vector_store %arg5[%swap3A_1728, %swap3A_1729, %swap3A_1730], %gather3A_1723 {strides = array<i32>} : memref<2x8x4096xf32, #tpu.memory_space<vmem>>, vector<16xf32>,
      %mul3A_1732 = arith.constant 16 : i32
      %mul3A_1733 = vector.broadcast %mul3A_1732 : i32 to vector<16xi32>
      %mul3A_1734 = arith.muli %add3A_1611, %mul3A_1733 : vector<16xi32>
      %add3A_1735 = arith.constant 8 : i32
      %add3A_1736 = vector.broadcast %add3A_1735 : i32 to vector<16xi32>
      %add3A_1737 = arith.addi %mul3A_1734, %add3A_1736 : vector<16xi32>
      %gather3A_1738 = tpu.vector_load_idx %arg4[%add3A_1737] : memref<4112xf32, #tpu.memory_space<vmem>>[vector<16xi32>], vector<16xf32>,
      %mul3A_1739 = arith.constant 16 : i32
      %mul3A_1740 = arith.muli %add3A_1593, %mul3A_1739 : i32
      %swap3A_1741 = arith.constant 1 : i32
      %swap3A_1742 = arith.constant 0 : i32
      %swap3A_1743 = arith.index_cast %swap3A_1741 : i32 to index
      %swap3A_1744 = arith.index_cast %swap3A_1742 : i32 to index
      %swap3A_1745 = arith.index_cast %mul3A_1740 : i32 to index
      %swap3A_1746 = tpu.vector_load %arg5[%swap3A_1743, %swap3A_1744, %swap3A_1745] {strides = array<i32>} : memref<2x8x4096xf32, #tpu.memory_space<vmem>>, vector<16xf32>,
      tpu.vector_store %arg5[%swap3A_1743, %swap3A_1744, %swap3A_1745], %gather3A_1738 {strides = array<i32>} : memref<2x8x4096xf32, #tpu.memory_space<vmem>>, vector<16xf32>,
      %mul3A_1747 = arith.constant 16 : i32
      %mul3A_1748 = vector.broadcast %mul3A_1747 : i32 to vector<16xi32>
      %mul3A_1749 = arith.muli %add3A_1611, %mul3A_1748 : vector<16xi32>
      %add3A_1750 = arith.constant 9 : i32
      %add3A_1751 = vector.broadcast %add3A_1750 : i32 to vector<16xi32>
      %add3A_1752 = arith.addi %mul3A_1749, %add3A_1751 : vector<16xi32>
      %gather3A_1753 = tpu.vector_load_idx %arg4[%add3A_1752] : memref<4112xf32, #tpu.memory_space<vmem>>[vector<16xi32>], vector<16xf32>,
      %mul3A_1754 = arith.constant 16 : i32
      %mul3A_1755 = arith.muli %add3A_1593, %mul3A_1754 : i32
      %swap3A_1756 = arith.constant 1 : i32
      %swap3A_1757 = arith.constant 1 : i32
      %swap3A_1758 = arith.index_cast %swap3A_1756 : i32 to index
      %swap3A_1759 = arith.index_cast %swap3A_1757 : i32 to index
      %swap3A_1760 = arith.index_cast %mul3A_1755 : i32 to index
      %swap3A_1761 = tpu.vector_load %arg5[%swap3A_1758, %swap3A_1759, %swap3A_1760] {strides = array<i32>} : memref<2x8x4096xf32, #tpu.memory_space<vmem>>, vector<16xf32>,
      tpu.vector_store %arg5[%swap3A_1758, %swap3A_1759, %swap3A_1760], %gather3A_1753 {strides = array<i32>} : memref<2x8x4096xf32, #tpu.memory_space<vmem>>, vector<16xf32>,
      %mul3A_1762 = arith.constant 16 : i32
      %mul3A_1763 = vector.broadcast %mul3A_1762 : i32 to vector<16xi32>
      %mul3A_1764 = arith.muli %add3A_1611, %mul3A_1763 : vector<16xi32>
      %add3A_1765 = arith.constant 10 : i32
      %add3A_1766 = vector.broadcast %add3A_1765 : i32 to vector<16xi32>
      %add3A_1767 = arith.addi %mul3A_1764, %add3A_1766 : vector<16xi32>
      %gather3A_1768 = tpu.vector_load_idx %arg4[%add3A_1767] : memref<4112xf32, #tpu.memory_space<vmem>>[vector<16xi32>], vector<16xf32>,
      %mul3A_1769 = arith.constant 16 : i32
      %mul3A_1770 = arith.muli %add3A_1593, %mul3A_1769 : i32
      %swap3A_1771 = arith.constant 1 : i32
      %swap3A_1772 = arith.constant 2 : i32
      %swap3A_1773 = arith.index_cast %swap3A_1771 : i32 to index
      %swap3A_1774 = arith.index_cast %swap3A_1772 : i32 to index
      %swap3A_1775 = arith.index_cast %mul3A_1770 : i32 to index
      %swap3A_1776 = tpu.vector_load %arg5[%swap3A_1773, %swap3A_1774, %swap3A_1775] {strides = array<i32>} : memref<2x8x4096xf32, #tpu.memory_space<vmem>>, vector<16xf32>,
      tpu.vector_store %arg5[%swap3A_1773, %swap3A_1774, %swap3A_1775], %gather3A_1768 {strides = array<i32>} : memref<2x8x4096xf32, #tpu.memory_space<vmem>>, vector<16xf32>,
      %mul3A_1777 = arith.constant 16 : i32
      %mul3A_1778 = vector.broadcast %mul3A_1777 : i32 to vector<16xi32>
      %mul3A_1779 = arith.muli %add3A_1611, %mul3A_1778 : vector<16xi32>
      %add3A_1780 = arith.constant 11 : i32
      %add3A_1781 = vector.broadcast %add3A_1780 : i32 to vector<16xi32>
      %add3A_1782 = arith.addi %mul3A_1779, %add3A_1781 : vector<16xi32>
      %gather3A_1783 = tpu.vector_load_idx %arg4[%add3A_1782] : memref<4112xf32, #tpu.memory_space<vmem>>[vector<16xi32>], vector<16xf32>,
      %mul3A_1784 = arith.constant 16 : i32
      %mul3A_1785 = arith.muli %add3A_1593, %mul3A_1784 : i32
      %swap3A_1786 = arith.constant 1 : i32
      %swap3A_1787 = arith.constant 3 : i32
      %swap3A_1788 = arith.index_cast %swap3A_1786 : i32 to index
      %swap3A_1789 = arith.index_cast %swap3A_1787 : i32 to index
      %swap3A_1790 = arith.index_cast %mul3A_1785 : i32 to index
      %swap3A_1791 = tpu.vector_load %arg5[%swap3A_1788, %swap3A_1789, %swap3A_1790] {strides = array<i32>} : memref<2x8x4096xf32, #tpu.memory_space<vmem>>, vector<16xf32>,
      tpu.vector_store %arg5[%swap3A_1788, %swap3A_1789, %swap3A_1790], %gather3A_1783 {strides = array<i32>} : memref<2x8x4096xf32, #tpu.memory_space<vmem>>, vector<16xf32>,
      %mul3A_1792 = arith.constant 16 : i32
      %mul3A_1793 = vector.broadcast %mul3A_1792 : i32 to vector<16xi32>
      %mul3A_1794 = arith.muli %add3A_1611, %mul3A_1793 : vector<16xi32>
      %add3A_1795 = arith.constant 12 : i32
      %add3A_1796 = vector.broadcast %add3A_1795 : i32 to vector<16xi32>
      %add3A_1797 = arith.addi %mul3A_1794, %add3A_1796 : vector<16xi32>
      %gather3A_1798 = tpu.vector_load_idx %arg4[%add3A_1797] : memref<4112xf32, #tpu.memory_space<vmem>>[vector<16xi32>], vector<16xf32>,
      %mul3A_1799 = arith.constant 16 : i32
      %mul3A_1800 = arith.muli %add3A_1593, %mul3A_1799 : i32
      %swap3A_1801 = arith.constant 1 : i32
      %swap3A_1802 = arith.constant 4 : i32
      %swap3A_1803 = arith.index_cast %swap3A_1801 : i32 to index
      %swap3A_1804 = arith.index_cast %swap3A_1802 : i32 to index
      %swap3A_1805 = arith.index_cast %mul3A_1800 : i32 to index
      %swap3A_1806 = tpu.vector_load %arg5[%swap3A_1803, %swap3A_1804, %swap3A_1805] {strides = array<i32>} : memref<2x8x4096xf32, #tpu.memory_space<vmem>>, vector<16xf32>,
      tpu.vector_store %arg5[%swap3A_1803, %swap3A_1804, %swap3A_1805], %gather3A_1798 {strides = array<i32>} : memref<2x8x4096xf32, #tpu.memory_space<vmem>>, vector<16xf32>,
      %mul3A_1807 = arith.constant 16 : i32
      %mul3A_1808 = vector.broadcast %mul3A_1807 : i32 to vector<16xi32>
      %mul3A_1809 = arith.muli %add3A_1611, %mul3A_1808 : vector<16xi32>
      %add3A_1810 = arith.constant 13 : i32
      %add3A_1811 = vector.broadcast %add3A_1810 : i32 to vector<16xi32>
      %add3A_1812 = arith.addi %mul3A_1809, %add3A_1811 : vector<16xi32>
      %gather3A_1813 = tpu.vector_load_idx %arg4[%add3A_1812] : memref<4112xf32, #tpu.memory_space<vmem>>[vector<16xi32>], vector<16xf32>,
      %mul3A_1814 = arith.constant 16 : i32
      %mul3A_1815 = arith.muli %add3A_1593, %mul3A_1814 : i32
      %swap3A_1816 = arith.constant 1 : i32
      %swap3A_1817 = arith.constant 5 : i32
      %swap3A_1818 = arith.index_cast %swap3A_1816 : i32 to index
      %swap3A_1819 = arith.index_cast %swap3A_1817 : i32 to index
      %swap3A_1820 = arith.index_cast %mul3A_1815 : i32 to index
      %swap3A_1821 = tpu.vector_load %arg5[%swap3A_1818, %swap3A_1819, %swap3A_1820] {strides = array<i32>} : memref<2x8x4096xf32, #tpu.memory_space<vmem>>, vector<16xf32>,
      tpu.vector_store %arg5[%swap3A_1818, %swap3A_1819, %swap3A_1820], %gather3A_1813 {strides = array<i32>} : memref<2x8x4096xf32, #tpu.memory_space<vmem>>, vector<16xf32>,
      %mul3A_1822 = arith.constant 16 : i32
      %mul3A_1823 = vector.broadcast %mul3A_1822 : i32 to vector<16xi32>
      %mul3A_1824 = arith.muli %add3A_1611, %mul3A_1823 : vector<16xi32>
      %add3A_1825 = arith.constant 14 : i32
      %add3A_1826 = vector.broadcast %add3A_1825 : i32 to vector<16xi32>
      %add3A_1827 = arith.addi %mul3A_1824, %add3A_1826 : vector<16xi32>
      %gather3A_1828 = tpu.vector_load_idx %arg4[%add3A_1827] : memref<4112xf32, #tpu.memory_space<vmem>>[vector<16xi32>], vector<16xf32>,
      %mul3A_1829 = arith.constant 16 : i32
      %mul3A_1830 = arith.muli %add3A_1593, %mul3A_1829 : i32
      %swap3A_1831 = arith.constant 1 : i32
      %swap3A_1832 = arith.constant 6 : i32
      %swap3A_1833 = arith.index_cast %swap3A_1831 : i32 to index
      %swap3A_1834 = arith.index_cast %swap3A_1832 : i32 to index
      %swap3A_1835 = arith.index_cast %mul3A_1830 : i32 to index
      %swap3A_1836 = tpu.vector_load %arg5[%swap3A_1833, %swap3A_1834, %swap3A_1835] {strides = array<i32>} : memref<2x8x4096xf32, #tpu.memory_space<vmem>>, vector<16xf32>,
      tpu.vector_store %arg5[%swap3A_1833, %swap3A_1834, %swap3A_1835], %gather3A_1828 {strides = array<i32>} : memref<2x8x4096xf32, #tpu.memory_space<vmem>>, vector<16xf32>,
      %mul3A_1837 = arith.constant 16 : i32
      %mul3A_1838 = vector.broadcast %mul3A_1837 : i32 to vector<16xi32>
      %mul3A_1839 = arith.muli %add3A_1611, %mul3A_1838 : vector<16xi32>
      %add3A_1840 = arith.constant 15 : i32
      %add3A_1841 = vector.broadcast %add3A_1840 : i32 to vector<16xi32>
      %add3A_1842 = arith.addi %mul3A_1839, %add3A_1841 : vector<16xi32>
      %gather3A_1843 = tpu.vector_load_idx %arg4[%add3A_1842] : memref<4112xf32, #tpu.memory_space<vmem>>[vector<16xi32>], vector<16xf32>,
      %mul3A_1844 = arith.constant 16 : i32
      %mul3A_1845 = arith.muli %add3A_1593, %mul3A_1844 : i32
      %swap3A_1846 = arith.constant 1 : i32
      %swap3A_1847 = arith.constant 7 : i32
      %swap3A_1848 = arith.index_cast %swap3A_1846 : i32 to index
      %swap3A_1849 = arith.index_cast %swap3A_1847 : i32 to index
      %swap3A_1850 = arith.index_cast %mul3A_1845 : i32 to index
      %swap3A_1851 = tpu.vector_load %arg5[%swap3A_1848, %swap3A_1849, %swap3A_1850] {strides = array<i32>} : memref<2x8x4096xf32, #tpu.memory_space<vmem>>, vector<16xf32>,
      tpu.vector_store %arg5[%swap3A_1848, %swap3A_1849, %swap3A_1850], %gather3A_1843 {strides = array<i32>} : memref<2x8x4096xf32, #tpu.memory_space<vmem>>, vector<16xf32>,
      %mul3A_1852 = arith.constant 8 : i32
      %mul3A_1853 = arith.muli %mul3A_1852, %scan3A_21 : i32
      %add3A_1854 = arith.constant 7 : i32
      %add3A_1855 = arith.addi %mul3A_1853, %add3A_1854 : i32
      %mul3A_1856 = arith.constant 16 : i32
      %mul3A_1857 = arith.muli %add3A_1855, %mul3A_1856 : i32
      %add3A_1858 = vector.broadcast %mul3A_1857 : i32 to vector<16xi32>
      %add3A_1859 = arith.addi %add3A_1858, %iota3A : vector<16xi32>
      %add3A_1860 = vector.broadcast %sub3A_1 : i32 to vector<16xi32>
      %add3A_1861 = arith.addi %add3A_1859, %add3A_1860 : vector<16xi32>
      %sub3A_1862 = arith.constant 2047 : i32
      %sub3A_1863 = vector.broadcast %sub3A_1862 : i32 to vector<16xi32>
      %sub3A_1864 = arith.subi %sub3A_1863, %add3A_1861 : vector<16xi32>
      %min3A_1865 = arith.constant 128 : i32
      %min3A_1866 = vector.broadcast %min3A_1865 : i32 to vector<16xi32>
      %min3A_1867 = arith.minsi %sub3A_1864, %min3A_1866 : vector<16xi32>
      %max3A_1868 = arith.constant -128 : i32
      %max3A_1869 = vector.broadcast %max3A_1868 : i32 to vector<16xi32>
      %max3A_1870 = arith.maxsi %min3A_1867, %max3A_1869 : vector<16xi32>
      %add3A_1871 = arith.constant 128 : i32
      %add3A_1872 = vector.broadcast %add3A_1871 : i32 to vector<16xi32>
      %add3A_1873 = arith.addi %max3A_1870, %add3A_1872 : vector<16xi32>
      %mul3A_1874 = arith.constant 16 : i32
      %mul3A_1875 = vector.broadcast %mul3A_1874 : i32 to vector<16xi32>
      %mul3A_1876 = arith.muli %add3A_1873, %mul3A_1875 : vector<16xi32>
      %add3A_1877 = arith.constant 0 : i32
      %add3A_1878 = vector.broadcast %add3A_1877 : i32 to vector<16xi32>
      %add3A_1879 = arith.addi %mul3A_1876, %add3A_1878 : vector<16xi32>
      %gather3A_1880 = tpu.vector_load_idx %arg4[%add3A_1879] : memref<4112xf32, #tpu.memory_space<vmem>>[vector<16xi32>], vector<16xf32>,
      %mul3A_1881 = arith.constant 16 : i32
      %mul3A_1882 = arith.muli %add3A_1855, %mul3A_1881 : i32
      %swap3A_1883 = arith.constant 0 : i32
      %swap3A_1884 = arith.constant 0 : i32
      %swap3A_1885 = arith.index_cast %swap3A_1883 : i32 to index
      %swap3A_1886 = arith.index_cast %swap3A_1884 : i32 to index
      %swap3A_1887 = arith.index_cast %mul3A_1882 : i32 to index
      %swap3A_1888 = tpu.vector_load %arg5[%swap3A_1885, %swap3A_1886, %swap3A_1887] {strides = array<i32>} : memref<2x8x4096xf32, #tpu.memory_space<vmem>>, vector<16xf32>,
      tpu.vector_store %arg5[%swap3A_1885, %swap3A_1886, %swap3A_1887], %gather3A_1880 {strides = array<i32>} : memref<2x8x4096xf32, #tpu.memory_space<vmem>>, vector<16xf32>,
      %mul3A_1889 = arith.constant 16 : i32
      %mul3A_1890 = vector.broadcast %mul3A_1889 : i32 to vector<16xi32>
      %mul3A_1891 = arith.muli %add3A_1873, %mul3A_1890 : vector<16xi32>
      %add3A_1892 = arith.constant 1 : i32
      %add3A_1893 = vector.broadcast %add3A_1892 : i32 to vector<16xi32>
      %add3A_1894 = arith.addi %mul3A_1891, %add3A_1893 : vector<16xi32>
      %gather3A_1895 = tpu.vector_load_idx %arg4[%add3A_1894] : memref<4112xf32, #tpu.memory_space<vmem>>[vector<16xi32>], vector<16xf32>,
      %mul3A_1896 = arith.constant 16 : i32
      %mul3A_1897 = arith.muli %add3A_1855, %mul3A_1896 : i32
      %swap3A_1898 = arith.constant 0 : i32
      %swap3A_1899 = arith.constant 1 : i32
      %swap3A_1900 = arith.index_cast %swap3A_1898 : i32 to index
      %swap3A_1901 = arith.index_cast %swap3A_1899 : i32 to index
      %swap3A_1902 = arith.index_cast %mul3A_1897 : i32 to index
      %swap3A_1903 = tpu.vector_load %arg5[%swap3A_1900, %swap3A_1901, %swap3A_1902] {strides = array<i32>} : memref<2x8x4096xf32, #tpu.memory_space<vmem>>, vector<16xf32>,
      tpu.vector_store %arg5[%swap3A_1900, %swap3A_1901, %swap3A_1902], %gather3A_1895 {strides = array<i32>} : memref<2x8x4096xf32, #tpu.memory_space<vmem>>, vector<16xf32>,
      %mul3A_1904 = arith.constant 16 : i32
      %mul3A_1905 = vector.broadcast %mul3A_1904 : i32 to vector<16xi32>
      %mul3A_1906 = arith.muli %add3A_1873, %mul3A_1905 : vector<16xi32>
      %add3A_1907 = arith.constant 2 : i32
      %add3A_1908 = vector.broadcast %add3A_1907 : i32 to vector<16xi32>
      %add3A_1909 = arith.addi %mul3A_1906, %add3A_1908 : vector<16xi32>
      %gather3A_1910 = tpu.vector_load_idx %arg4[%add3A_1909] : memref<4112xf32, #tpu.memory_space<vmem>>[vector<16xi32>], vector<16xf32>,
      %mul3A_1911 = arith.constant 16 : i32
      %mul3A_1912 = arith.muli %add3A_1855, %mul3A_1911 : i32
      %swap3A_1913 = arith.constant 0 : i32
      %swap3A_1914 = arith.constant 2 : i32
      %swap3A_1915 = arith.index_cast %swap3A_1913 : i32 to index
      %swap3A_1916 = arith.index_cast %swap3A_1914 : i32 to index
      %swap3A_1917 = arith.index_cast %mul3A_1912 : i32 to index
      %swap3A_1918 = tpu.vector_load %arg5[%swap3A_1915, %swap3A_1916, %swap3A_1917] {strides = array<i32>} : memref<2x8x4096xf32, #tpu.memory_space<vmem>>, vector<16xf32>,
      tpu.vector_store %arg5[%swap3A_1915, %swap3A_1916, %swap3A_1917], %gather3A_1910 {strides = array<i32>} : memref<2x8x4096xf32, #tpu.memory_space<vmem>>, vector<16xf32>,
      %mul3A_1919 = arith.constant 16 : i32
      %mul3A_1920 = vector.broadcast %mul3A_1919 : i32 to vector<16xi32>
      %mul3A_1921 = arith.muli %add3A_1873, %mul3A_1920 : vector<16xi32>
      %add3A_1922 = arith.constant 3 : i32
      %add3A_1923 = vector.broadcast %add3A_1922 : i32 to vector<16xi32>
      %add3A_1924 = arith.addi %mul3A_1921, %add3A_1923 : vector<16xi32>
      %gather3A_1925 = tpu.vector_load_idx %arg4[%add3A_1924] : memref<4112xf32, #tpu.memory_space<vmem>>[vector<16xi32>], vector<16xf32>,
      %mul3A_1926 = arith.constant 16 : i32
      %mul3A_1927 = arith.muli %add3A_1855, %mul3A_1926 : i32
      %swap3A_1928 = arith.constant 0 : i32
      %swap3A_1929 = arith.constant 3 : i32
      %swap3A_1930 = arith.index_cast %swap3A_1928 : i32 to index
      %swap3A_1931 = arith.index_cast %swap3A_1929 : i32 to index
      %swap3A_1932 = arith.index_cast %mul3A_1927 : i32 to index
      %swap3A_1933 = tpu.vector_load %arg5[%swap3A_1930, %swap3A_1931, %swap3A_1932] {strides = array<i32>} : memref<2x8x4096xf32, #tpu.memory_space<vmem>>, vector<16xf32>,
      tpu.vector_store %arg5[%swap3A_1930, %swap3A_1931, %swap3A_1932], %gather3A_1925 {strides = array<i32>} : memref<2x8x4096xf32, #tpu.memory_space<vmem>>, vector<16xf32>,
      %mul3A_1934 = arith.constant 16 : i32
      %mul3A_1935 = vector.broadcast %mul3A_1934 : i32 to vector<16xi32>
      %mul3A_1936 = arith.muli %add3A_1873, %mul3A_1935 : vector<16xi32>
      %add3A_1937 = arith.constant 4 : i32
      %add3A_1938 = vector.broadcast %add3A_1937 : i32 to vector<16xi32>
      %add3A_1939 = arith.addi %mul3A_1936, %add3A_1938 : vector<16xi32>
      %gather3A_1940 = tpu.vector_load_idx %arg4[%add3A_1939] : memref<4112xf32, #tpu.memory_space<vmem>>[vector<16xi32>], vector<16xf32>,
      %mul3A_1941 = arith.constant 16 : i32
      %mul3A_1942 = arith.muli %add3A_1855, %mul3A_1941 : i32
      %swap3A_1943 = arith.constant 0 : i32
      %swap3A_1944 = arith.constant 4 : i32
      %swap3A_1945 = arith.index_cast %swap3A_1943 : i32 to index
      %swap3A_1946 = arith.index_cast %swap3A_1944 : i32 to index
      %swap3A_1947 = arith.index_cast %mul3A_1942 : i32 to index
      %swap3A_1948 = tpu.vector_load %arg5[%swap3A_1945, %swap3A_1946, %swap3A_1947] {strides = array<i32>} : memref<2x8x4096xf32, #tpu.memory_space<vmem>>, vector<16xf32>,
      tpu.vector_store %arg5[%swap3A_1945, %swap3A_1946, %swap3A_1947], %gather3A_1940 {strides = array<i32>} : memref<2x8x4096xf32, #tpu.memory_space<vmem>>, vector<16xf32>,
      %mul3A_1949 = arith.constant 16 : i32
      %mul3A_1950 = vector.broadcast %mul3A_1949 : i32 to vector<16xi32>
      %mul3A_1951 = arith.muli %add3A_1873, %mul3A_1950 : vector<16xi32>
      %add3A_1952 = arith.constant 5 : i32
      %add3A_1953 = vector.broadcast %add3A_1952 : i32 to vector<16xi32>
      %add3A_1954 = arith.addi %mul3A_1951, %add3A_1953 : vector<16xi32>
      %gather3A_1955 = tpu.vector_load_idx %arg4[%add3A_1954] : memref<4112xf32, #tpu.memory_space<vmem>>[vector<16xi32>], vector<16xf32>,
      %mul3A_1956 = arith.constant 16 : i32
      %mul3A_1957 = arith.muli %add3A_1855, %mul3A_1956 : i32
      %swap3A_1958 = arith.constant 0 : i32
      %swap3A_1959 = arith.constant 5 : i32
      %swap3A_1960 = arith.index_cast %swap3A_1958 : i32 to index
      %swap3A_1961 = arith.index_cast %swap3A_1959 : i32 to index
      %swap3A_1962 = arith.index_cast %mul3A_1957 : i32 to index
      %swap3A_1963 = tpu.vector_load %arg5[%swap3A_1960, %swap3A_1961, %swap3A_1962] {strides = array<i32>} : memref<2x8x4096xf32, #tpu.memory_space<vmem>>, vector<16xf32>,
      tpu.vector_store %arg5[%swap3A_1960, %swap3A_1961, %swap3A_1962], %gather3A_1955 {strides = array<i32>} : memref<2x8x4096xf32, #tpu.memory_space<vmem>>, vector<16xf32>,
      %mul3A_1964 = arith.constant 16 : i32
      %mul3A_1965 = vector.broadcast %mul3A_1964 : i32 to vector<16xi32>
      %mul3A_1966 = arith.muli %add3A_1873, %mul3A_1965 : vector<16xi32>
      %add3A_1967 = arith.constant 6 : i32
      %add3A_1968 = vector.broadcast %add3A_1967 : i32 to vector<16xi32>
      %add3A_1969 = arith.addi %mul3A_1966, %add3A_1968 : vector<16xi32>
      %gather3A_1970 = tpu.vector_load_idx %arg4[%add3A_1969] : memref<4112xf32, #tpu.memory_space<vmem>>[vector<16xi32>], vector<16xf32>,
      %mul3A_1971 = arith.constant 16 : i32
      %mul3A_1972 = arith.muli %add3A_1855, %mul3A_1971 : i32
      %swap3A_1973 = arith.constant 0 : i32
      %swap3A_1974 = arith.constant 6 : i32
      %swap3A_1975 = arith.index_cast %swap3A_1973 : i32 to index
      %swap3A_1976 = arith.index_cast %swap3A_1974 : i32 to index
      %swap3A_1977 = arith.index_cast %mul3A_1972 : i32 to index
      %swap3A_1978 = tpu.vector_load %arg5[%swap3A_1975, %swap3A_1976, %swap3A_1977] {strides = array<i32>} : memref<2x8x4096xf32, #tpu.memory_space<vmem>>, vector<16xf32>,
      tpu.vector_store %arg5[%swap3A_1975, %swap3A_1976, %swap3A_1977], %gather3A_1970 {strides = array<i32>} : memref<2x8x4096xf32, #tpu.memory_space<vmem>>, vector<16xf32>,
      %mul3A_1979 = arith.constant 16 : i32
      %mul3A_1980 = vector.broadcast %mul3A_1979 : i32 to vector<16xi32>
      %mul3A_1981 = arith.muli %add3A_1873, %mul3A_1980 : vector<16xi32>
      %add3A_1982 = arith.constant 7 : i32
      %add3A_1983 = vector.broadcast %add3A_1982 : i32 to vector<16xi32>
      %add3A_1984 = arith.addi %mul3A_1981, %add3A_1983 : vector<16xi32>
      %gather3A_1985 = tpu.vector_load_idx %arg4[%add3A_1984] : memref<4112xf32, #tpu.memory_space<vmem>>[vector<16xi32>], vector<16xf32>,
      %mul3A_1986 = arith.constant 16 : i32
      %mul3A_1987 = arith.muli %add3A_1855, %mul3A_1986 : i32
      %swap3A_1988 = arith.constant 0 : i32
      %swap3A_1989 = arith.constant 7 : i32
      %swap3A_1990 = arith.index_cast %swap3A_1988 : i32 to index
      %swap3A_1991 = arith.index_cast %swap3A_1989 : i32 to index
      %swap3A_1992 = arith.index_cast %mul3A_1987 : i32 to index
      %swap3A_1993 = tpu.vector_load %arg5[%swap3A_1990, %swap3A_1991, %swap3A_1992] {strides = array<i32>} : memref<2x8x4096xf32, #tpu.memory_space<vmem>>, vector<16xf32>,
      tpu.vector_store %arg5[%swap3A_1990, %swap3A_1991, %swap3A_1992], %gather3A_1985 {strides = array<i32>} : memref<2x8x4096xf32, #tpu.memory_space<vmem>>, vector<16xf32>,
      %mul3A_1994 = arith.constant 16 : i32
      %mul3A_1995 = vector.broadcast %mul3A_1994 : i32 to vector<16xi32>
      %mul3A_1996 = arith.muli %add3A_1873, %mul3A_1995 : vector<16xi32>
      %add3A_1997 = arith.constant 8 : i32
      %add3A_1998 = vector.broadcast %add3A_1997 : i32 to vector<16xi32>
      %add3A_1999 = arith.addi %mul3A_1996, %add3A_1998 : vector<16xi32>
      %gather3A_2000 = tpu.vector_load_idx %arg4[%add3A_1999] : memref<4112xf32, #tpu.memory_space<vmem>>[vector<16xi32>], vector<16xf32>,
      %mul3A_2001 = arith.constant 16 : i32
      %mul3A_2002 = arith.muli %add3A_1855, %mul3A_2001 : i32
      %swap3A_2003 = arith.constant 1 : i32
      %swap3A_2004 = arith.constant 0 : i32
      %swap3A_2005 = arith.index_cast %swap3A_2003 : i32 to index
      %swap3A_2006 = arith.index_cast %swap3A_2004 : i32 to index
      %swap3A_2007 = arith.index_cast %mul3A_2002 : i32 to index
      %swap3A_2008 = tpu.vector_load %arg5[%swap3A_2005, %swap3A_2006, %swap3A_2007] {strides = array<i32>} : memref<2x8x4096xf32, #tpu.memory_space<vmem>>, vector<16xf32>,
      tpu.vector_store %arg5[%swap3A_2005, %swap3A_2006, %swap3A_2007], %gather3A_2000 {strides = array<i32>} : memref<2x8x4096xf32, #tpu.memory_space<vmem>>, vector<16xf32>,
      %mul3A_2009 = arith.constant 16 : i32
      %mul3A_2010 = vector.broadcast %mul3A_2009 : i32 to vector<16xi32>
      %mul3A_2011 = arith.muli %add3A_1873, %mul3A_2010 : vector<16xi32>
      %add3A_2012 = arith.constant 9 : i32
      %add3A_2013 = vector.broadcast %add3A_2012 : i32 to vector<16xi32>
      %add3A_2014 = arith.addi %mul3A_2011, %add3A_2013 : vector<16xi32>
      %gather3A_2015 = tpu.vector_load_idx %arg4[%add3A_2014] : memref<4112xf32, #tpu.memory_space<vmem>>[vector<16xi32>], vector<16xf32>,
      %mul3A_2016 = arith.constant 16 : i32
      %mul3A_2017 = arith.muli %add3A_1855, %mul3A_2016 : i32
      %swap3A_2018 = arith.constant 1 : i32
      %swap3A_2019 = arith.constant 1 : i32
      %swap3A_2020 = arith.index_cast %swap3A_2018 : i32 to index
      %swap3A_2021 = arith.index_cast %swap3A_2019 : i32 to index
      %swap3A_2022 = arith.index_cast %mul3A_2017 : i32 to index
      %swap3A_2023 = tpu.vector_load %arg5[%swap3A_2020, %swap3A_2021, %swap3A_2022] {strides = array<i32>} : memref<2x8x4096xf32, #tpu.memory_space<vmem>>, vector<16xf32>,
      tpu.vector_store %arg5[%swap3A_2020, %swap3A_2021, %swap3A_2022], %gather3A_2015 {strides = array<i32>} : memref<2x8x4096xf32, #tpu.memory_space<vmem>>, vector<16xf32>,
      %mul3A_2024 = arith.constant 16 : i32
      %mul3A_2025 = vector.broadcast %mul3A_2024 : i32 to vector<16xi32>
      %mul3A_2026 = arith.muli %add3A_1873, %mul3A_2025 : vector<16xi32>
      %add3A_2027 = arith.constant 10 : i32
      %add3A_2028 = vector.broadcast %add3A_2027 : i32 to vector<16xi32>
      %add3A_2029 = arith.addi %mul3A_2026, %add3A_2028 : vector<16xi32>
      %gather3A_2030 = tpu.vector_load_idx %arg4[%add3A_2029] : memref<4112xf32, #tpu.memory_space<vmem>>[vector<16xi32>], vector<16xf32>,
      %mul3A_2031 = arith.constant 16 : i32
      %mul3A_2032 = arith.muli %add3A_1855, %mul3A_2031 : i32
      %swap3A_2033 = arith.constant 1 : i32
      %swap3A_2034 = arith.constant 2 : i32
      %swap3A_2035 = arith.index_cast %swap3A_2033 : i32 to index
      %swap3A_2036 = arith.index_cast %swap3A_2034 : i32 to index
      %swap3A_2037 = arith.index_cast %mul3A_2032 : i32 to index
      %swap3A_2038 = tpu.vector_load %arg5[%swap3A_2035, %swap3A_2036, %swap3A_2037] {strides = array<i32>} : memref<2x8x4096xf32, #tpu.memory_space<vmem>>, vector<16xf32>,
      tpu.vector_store %arg5[%swap3A_2035, %swap3A_2036, %swap3A_2037], %gather3A_2030 {strides = array<i32>} : memref<2x8x4096xf32, #tpu.memory_space<vmem>>, vector<16xf32>,
      %mul3A_2039 = arith.constant 16 : i32
      %mul3A_2040 = vector.broadcast %mul3A_2039 : i32 to vector<16xi32>
      %mul3A_2041 = arith.muli %add3A_1873, %mul3A_2040 : vector<16xi32>
      %add3A_2042 = arith.constant 11 : i32
      %add3A_2043 = vector.broadcast %add3A_2042 : i32 to vector<16xi32>
      %add3A_2044 = arith.addi %mul3A_2041, %add3A_2043 : vector<16xi32>
      %gather3A_2045 = tpu.vector_load_idx %arg4[%add3A_2044] : memref<4112xf32, #tpu.memory_space<vmem>>[vector<16xi32>], vector<16xf32>,
      %mul3A_2046 = arith.constant 16 : i32
      %mul3A_2047 = arith.muli %add3A_1855, %mul3A_2046 : i32
      %swap3A_2048 = arith.constant 1 : i32
      %swap3A_2049 = arith.constant 3 : i32
      %swap3A_2050 = arith.index_cast %swap3A_2048 : i32 to index
      %swap3A_2051 = arith.index_cast %swap3A_2049 : i32 to index
      %swap3A_2052 = arith.index_cast %mul3A_2047 : i32 to index
      %swap3A_2053 = tpu.vector_load %arg5[%swap3A_2050, %swap3A_2051, %swap3A_2052] {strides = array<i32>} : memref<2x8x4096xf32, #tpu.memory_space<vmem>>, vector<16xf32>,
      tpu.vector_store %arg5[%swap3A_2050, %swap3A_2051, %swap3A_2052], %gather3A_2045 {strides = array<i32>} : memref<2x8x4096xf32, #tpu.memory_space<vmem>>, vector<16xf32>,
      %mul3A_2054 = arith.constant 16 : i32
      %mul3A_2055 = vector.broadcast %mul3A_2054 : i32 to vector<16xi32>
      %mul3A_2056 = arith.muli %add3A_1873, %mul3A_2055 : vector<16xi32>
      %add3A_2057 = arith.constant 12 : i32
      %add3A_2058 = vector.broadcast %add3A_2057 : i32 to vector<16xi32>
      %add3A_2059 = arith.addi %mul3A_2056, %add3A_2058 : vector<16xi32>
      %gather3A_2060 = tpu.vector_load_idx %arg4[%add3A_2059] : memref<4112xf32, #tpu.memory_space<vmem>>[vector<16xi32>], vector<16xf32>,
      %mul3A_2061 = arith.constant 16 : i32
      %mul3A_2062 = arith.muli %add3A_1855, %mul3A_2061 : i32
      %swap3A_2063 = arith.constant 1 : i32
      %swap3A_2064 = arith.constant 4 : i32
      %swap3A_2065 = arith.index_cast %swap3A_2063 : i32 to index
      %swap3A_2066 = arith.index_cast %swap3A_2064 : i32 to index
      %swap3A_2067 = arith.index_cast %mul3A_2062 : i32 to index
      %swap3A_2068 = tpu.vector_load %arg5[%swap3A_2065, %swap3A_2066, %swap3A_2067] {strides = array<i32>} : memref<2x8x4096xf32, #tpu.memory_space<vmem>>, vector<16xf32>,
      tpu.vector_store %arg5[%swap3A_2065, %swap3A_2066, %swap3A_2067], %gather3A_2060 {strides = array<i32>} : memref<2x8x4096xf32, #tpu.memory_space<vmem>>, vector<16xf32>,
      %mul3A_2069 = arith.constant 16 : i32
      %mul3A_2070 = vector.broadcast %mul3A_2069 : i32 to vector<16xi32>
      %mul3A_2071 = arith.muli %add3A_1873, %mul3A_2070 : vector<16xi32>
      %add3A_2072 = arith.constant 13 : i32
      %add3A_2073 = vector.broadcast %add3A_2072 : i32 to vector<16xi32>
      %add3A_2074 = arith.addi %mul3A_2071, %add3A_2073 : vector<16xi32>
      %gather3A_2075 = tpu.vector_load_idx %arg4[%add3A_2074] : memref<4112xf32, #tpu.memory_space<vmem>>[vector<16xi32>], vector<16xf32>,
      %mul3A_2076 = arith.constant 16 : i32
      %mul3A_2077 = arith.muli %add3A_1855, %mul3A_2076 : i32
      %swap3A_2078 = arith.constant 1 : i32
      %swap3A_2079 = arith.constant 5 : i32
      %swap3A_2080 = arith.index_cast %swap3A_2078 : i32 to index
      %swap3A_2081 = arith.index_cast %swap3A_2079 : i32 to index
      %swap3A_2082 = arith.index_cast %mul3A_2077 : i32 to index
      %swap3A_2083 = tpu.vector_load %arg5[%swap3A_2080, %swap3A_2081, %swap3A_2082] {strides = array<i32>} : memref<2x8x4096xf32, #tpu.memory_space<vmem>>, vector<16xf32>,
      tpu.vector_store %arg5[%swap3A_2080, %swap3A_2081, %swap3A_2082], %gather3A_2075 {strides = array<i32>} : memref<2x8x4096xf32, #tpu.memory_space<vmem>>, vector<16xf32>,
      %mul3A_2084 = arith.constant 16 : i32
      %mul3A_2085 = vector.broadcast %mul3A_2084 : i32 to vector<16xi32>
      %mul3A_2086 = arith.muli %add3A_1873, %mul3A_2085 : vector<16xi32>
      %add3A_2087 = arith.constant 14 : i32
      %add3A_2088 = vector.broadcast %add3A_2087 : i32 to vector<16xi32>
      %add3A_2089 = arith.addi %mul3A_2086, %add3A_2088 : vector<16xi32>
      %gather3A_2090 = tpu.vector_load_idx %arg4[%add3A_2089] : memref<4112xf32, #tpu.memory_space<vmem>>[vector<16xi32>], vector<16xf32>,
      %mul3A_2091 = arith.constant 16 : i32
      %mul3A_2092 = arith.muli %add3A_1855, %mul3A_2091 : i32
      %swap3A_2093 = arith.constant 1 : i32
      %swap3A_2094 = arith.constant 6 : i32
      %swap3A_2095 = arith.index_cast %swap3A_2093 : i32 to index
      %swap3A_2096 = arith.index_cast %swap3A_2094 : i32 to index
      %swap3A_2097 = arith.index_cast %mul3A_2092 : i32 to index
      %swap3A_2098 = tpu.vector_load %arg5[%swap3A_2095, %swap3A_2096, %swap3A_2097] {strides = array<i32>} : memref<2x8x4096xf32, #tpu.memory_space<vmem>>, vector<16xf32>,
      tpu.vector_store %arg5[%swap3A_2095, %swap3A_2096, %swap3A_2097], %gather3A_2090 {strides = array<i32>} : memref<2x8x4096xf32, #tpu.memory_space<vmem>>, vector<16xf32>,
      %mul3A_2099 = arith.constant 16 : i32
      %mul3A_2100 = vector.broadcast %mul3A_2099 : i32 to vector<16xi32>
      %mul3A_2101 = arith.muli %add3A_1873, %mul3A_2100 : vector<16xi32>
      %add3A_2102 = arith.constant 15 : i32
      %add3A_2103 = vector.broadcast %add3A_2102 : i32 to vector<16xi32>
      %add3A_2104 = arith.addi %mul3A_2101, %add3A_2103 : vector<16xi32>
      %gather3A_2105 = tpu.vector_load_idx %arg4[%add3A_2104] : memref<4112xf32, #tpu.memory_space<vmem>>[vector<16xi32>], vector<16xf32>,
      %mul3A_2106 = arith.constant 16 : i32
      %mul3A_2107 = arith.muli %add3A_1855, %mul3A_2106 : i32
      %swap3A_2108 = arith.constant 1 : i32
      %swap3A_2109 = arith.constant 7 : i32
      %swap3A_2110 = arith.index_cast %swap3A_2108 : i32 to index
      %swap3A_2111 = arith.index_cast %swap3A_2109 : i32 to index
      %swap3A_2112 = arith.index_cast %mul3A_2107 : i32 to index
      %swap3A_2113 = tpu.vector_load %arg5[%swap3A_2110, %swap3A_2111, %swap3A_2112] {strides = array<i32>} : memref<2x8x4096xf32, #tpu.memory_space<vmem>>, vector<16xf32>,
      tpu.vector_store %arg5[%swap3A_2110, %swap3A_2111, %swap3A_2112], %gather3A_2105 {strides = array<i32>} : memref<2x8x4096xf32, #tpu.memory_space<vmem>>, vector<16xf32>,
      %mul3A_2114 = arith.constant 128 : i32
      %mul3A_2115 = arith.muli %scan3A_21, %mul3A_2114 : i32
      %dma_start3A = arith.constant 0 : i32
      %dma_start3A_2116 = arith.constant 0 : i32
      %dma_start3A_2117 = tpu.memref_slice %arg5[%dma_start3A, %dma_start3A_2116, %mul3A_2115] : memref<2x8x4096xf32, #tpu.memory_space<vmem>> -> memref<2x8x128xf32, #tpu.memory_space<vmem>>
      %dma_start3A_2118 = arith.constant 0 : i32
      %dma_start3A_2119 = arith.constant 0 : i32
      %dma_start3A_2120 = arith.constant 0 : i32
      %dma_start3A_2121 = tpu.memref_slice %arg3[%add3A_3, %dma_start3A_2118, %scan3A_21, %dma_start3A_2119, %dma_start3A_2120] : memref<2048x2x16x8x128xf32, #tpu.memory_space<hbm>> -> memref<1x2x1x8x128xf32, #tpu.memory_space<hbm>>
      %dma_start3A_2122 = tpu.memref_squeeze %dma_start3A_2121 : memref<1x2x1x8x128xf32, #tpu.memory_space<hbm>> -> memref<2x8x128xf32, #tpu.memory_space<hbm>>
      %dma_start3A_2123 = arith.constant 0 : i32
      %dma_start3A_2124 = arith.constant 0 : i32
      %dma_start3A_2125 = arith.constant 0 : i32
      %dma_start3A_2126 = tpu.memref_slice %arg3[%add3A_3, %dma_start3A_2123, %scan3A_21, %dma_start3A_2124, %dma_start3A_2125] : memref<2048x2x16x8x128xf32, #tpu.memory_space<hbm>> -> memref<1x2x1x8x128xf32, #tpu.memory_space<hbm>>
      %dma_start3A_2127 = tpu.memref_squeeze %dma_start3A_2126 : memref<1x2x1x8x128xf32, #tpu.memory_space<hbm>> -> memref<2x8x128xf32, #tpu.memory_space<hbm>>
      %dma_start3A_2128 = arith.constant 0 : i32
      %dma_start3A_2129 = arith.constant 0 : i32
      %dma_start3A_2130 = tpu.memref_slice %arg5[%dma_start3A_2128, %dma_start3A_2129, %mul3A_2115] : memref<2x8x4096xf32, #tpu.memory_space<vmem>> -> memref<2x8x128xf32, #tpu.memory_space<vmem>>
      tpu.enqueue_dma source(%dma_start3A_2130 : memref<2x8x128xf32, #tpu.memory_space<vmem>>) target(%dma_start3A_2127 : memref<2x8x128xf32, #tpu.memory_space<hbm>>) target_semaphore(%arg6 : memref<!tpu.dma_semaphore, #tpu.memory_space<semaphore_mem>>)
    }
    %scan3A_8 = arith.constant 16 : i32
    %scan3A_9 = arith.constant 0 : i32
    %scan3A_10 = arith.constant 1 : i32
    %scan3A_11 = arith.constant 63 : i32
    %scan3A_12 = arith.addi %scan3A_10, %scan3A_11 : i32
    %scan3A_13 = arith.constant 1 : i32
    scf.for %scan3A_21 = %scan3A_10 to %scan3A_12 step %scan3A_13  : i32 {
      %mul3A_22 = arith.constant 2 : i32
      %mul3A_23 = arith.muli %mul3A_22, %scan3A_21 : i32
      %add3A_24 = arith.constant 126 : i32
      %add3A_25 = arith.addi %add3A_24, %mul3A_23 : i32
      %mul3A_26 = arith.constant 16 : i32
      %mul3A_27 = arith.muli %add3A_25, %mul3A_26 : i32
      %add3A_28 = vector.broadcast %mul3A_27 : i32 to vector<16xi32>
      %add3A_29 = arith.addi %add3A_28, %iota3A : vector<16xi32>
      %add3A_30 = vector.broadcast %sub3A_1 : i32 to vector<16xi32>
      %add3A_31 = arith.addi %add3A_29, %add3A_30 : vector<16xi32>
      %sub3A_32 = arith.constant 2047 : i32
      %sub3A_33 = vector.broadcast %sub3A_32 : i32 to vector<16xi32>
      %sub3A_34 = arith.subi %sub3A_33, %add3A_31 : vector<16xi32>
      %min3A = arith.constant 128 : i32
      %min3A_35 = vector.broadcast %min3A : i32 to vector<16xi32>
      %min3A_36 = arith.minsi %sub3A_34, %min3A_35 : vector<16xi32>
      %max3A = arith.constant -128 : i32
      %max3A_37 = vector.broadcast %max3A : i32 to vector<16xi32>
      %max3A_38 = arith.maxsi %min3A_36, %max3A_37 : vector<16xi32>
      %add3A_39 = arith.constant 128 : i32
      %add3A_40 = vector.broadcast %add3A_39 : i32 to vector<16xi32>
      %add3A_41 = arith.addi %max3A_38, %add3A_40 : vector<16xi32>
      %mul3A_42 = arith.constant 16 : i32
      %mul3A_43 = vector.broadcast %mul3A_42 : i32 to vector<16xi32>
      %mul3A_44 = arith.muli %add3A_41, %mul3A_43 : vector<16xi32>
      %add3A_45 = arith.constant 0 : i32
      %add3A_46 = vector.broadcast %add3A_45 : i32 to vector<16xi32>
      %add3A_47 = arith.addi %mul3A_44, %add3A_46 : vector<16xi32>
      %gather3A = tpu.vector_load_idx %arg4[%add3A_47] : memref<4112xf32, #tpu.memory_space<vmem>>[vector<16xi32>], vector<16xf32>,
      %mul3A_48 = arith.constant 16 : i32
      %mul3A_49 = arith.muli %add3A_25, %mul3A_48 : i32
      %swap3A = arith.constant 0 : i32
      %swap3A_50 = arith.constant 0 : i32
      %swap3A_51 = arith.index_cast %swap3A : i32 to index
      %swap3A_52 = arith.index_cast %swap3A_50 : i32 to index
      %swap3A_53 = arith.index_cast %mul3A_49 : i32 to index
      %swap3A_54 = tpu.vector_load %arg5[%swap3A_51, %swap3A_52, %swap3A_53] {strides = array<i32>} : memref<2x8x4096xf32, #tpu.memory_space<vmem>>, vector<16xf32>,
      tpu.vector_store %arg5[%swap3A_51, %swap3A_52, %swap3A_53], %gather3A {strides = array<i32>} : memref<2x8x4096xf32, #tpu.memory_space<vmem>>, vector<16xf32>,
      %mul3A_55 = arith.constant 16 : i32
      %mul3A_56 = vector.broadcast %mul3A_55 : i32 to vector<16xi32>
      %mul3A_57 = arith.muli %add3A_41, %mul3A_56 : vector<16xi32>
      %add3A_58 = arith.constant 1 : i32
      %add3A_59 = vector.broadcast %add3A_58 : i32 to vector<16xi32>
      %add3A_60 = arith.addi %mul3A_57, %add3A_59 : vector<16xi32>
      %gather3A_61 = tpu.vector_load_idx %arg4[%add3A_60] : memref<4112xf32, #tpu.memory_space<vmem>>[vector<16xi32>], vector<16xf32>,
      %mul3A_62 = arith.constant 16 : i32
      %mul3A_63 = arith.muli %add3A_25, %mul3A_62 : i32
      %swap3A_64 = arith.constant 0 : i32
      %swap3A_65 = arith.constant 1 : i32
      %swap3A_66 = arith.index_cast %swap3A_64 : i32 to index
      %swap3A_67 = arith.index_cast %swap3A_65 : i32 to index
      %swap3A_68 = arith.index_cast %mul3A_63 : i32 to index
      %swap3A_69 = tpu.vector_load %arg5[%swap3A_66, %swap3A_67, %swap3A_68] {strides = array<i32>} : memref<2x8x4096xf32, #tpu.memory_space<vmem>>, vector<16xf32>,
      tpu.vector_store %arg5[%swap3A_66, %swap3A_67, %swap3A_68], %gather3A_61 {strides = array<i32>} : memref<2x8x4096xf32, #tpu.memory_space<vmem>>, vector<16xf32>,
      %mul3A_70 = arith.constant 16 : i32
      %mul3A_71 = vector.broadcast %mul3A_70 : i32 to vector<16xi32>
      %mul3A_72 = arith.muli %add3A_41, %mul3A_71 : vector<16xi32>
      %add3A_73 = arith.constant 2 : i32
      %add3A_74 = vector.broadcast %add3A_73 : i32 to vector<16xi32>
      %add3A_75 = arith.addi %mul3A_72, %add3A_74 : vector<16xi32>
      %gather3A_76 = tpu.vector_load_idx %arg4[%add3A_75] : memref<4112xf32, #tpu.memory_space<vmem>>[vector<16xi32>], vector<16xf32>,
      %mul3A_77 = arith.constant 16 : i32
      %mul3A_78 = arith.muli %add3A_25, %mul3A_77 : i32
      %swap3A_79 = arith.constant 0 : i32
      %swap3A_80 = arith.constant 2 : i32
      %swap3A_81 = arith.index_cast %swap3A_79 : i32 to index
      %swap3A_82 = arith.index_cast %swap3A_80 : i32 to index
      %swap3A_83 = arith.index_cast %mul3A_78 : i32 to index
      %swap3A_84 = tpu.vector_load %arg5[%swap3A_81, %swap3A_82, %swap3A_83] {strides = array<i32>} : memref<2x8x4096xf32, #tpu.memory_space<vmem>>, vector<16xf32>,
      tpu.vector_store %arg5[%swap3A_81, %swap3A_82, %swap3A_83], %gather3A_76 {strides = array<i32>} : memref<2x8x4096xf32, #tpu.memory_space<vmem>>, vector<16xf32>,
      %mul3A_85 = arith.constant 16 : i32
      %mul3A_86 = vector.broadcast %mul3A_85 : i32 to vector<16xi32>
      %mul3A_87 = arith.muli %add3A_41, %mul3A_86 : vector<16xi32>
      %add3A_88 = arith.constant 3 : i32
      %add3A_89 = vector.broadcast %add3A_88 : i32 to vector<16xi32>
      %add3A_90 = arith.addi %mul3A_87, %add3A_89 : vector<16xi32>
      %gather3A_91 = tpu.vector_load_idx %arg4[%add3A_90] : memref<4112xf32, #tpu.memory_space<vmem>>[vector<16xi32>], vector<16xf32>,
      %mul3A_92 = arith.constant 16 : i32
      %mul3A_93 = arith.muli %add3A_25, %mul3A_92 : i32
      %swap3A_94 = arith.constant 0 : i32
      %swap3A_95 = arith.constant 3 : i32
      %swap3A_96 = arith.index_cast %swap3A_94 : i32 to index
      %swap3A_97 = arith.index_cast %swap3A_95 : i32 to index
      %swap3A_98 = arith.index_cast %mul3A_93 : i32 to index
      %swap3A_99 = tpu.vector_load %arg5[%swap3A_96, %swap3A_97, %swap3A_98] {strides = array<i32>} : memref<2x8x4096xf32, #tpu.memory_space<vmem>>, vector<16xf32>,
      tpu.vector_store %arg5[%swap3A_96, %swap3A_97, %swap3A_98], %gather3A_91 {strides = array<i32>} : memref<2x8x4096xf32, #tpu.memory_space<vmem>>, vector<16xf32>,
      %mul3A_100 = arith.constant 16 : i32
      %mul3A_101 = vector.broadcast %mul3A_100 : i32 to vector<16xi32>
      %mul3A_102 = arith.muli %add3A_41, %mul3A_101 : vector<16xi32>
      %add3A_103 = arith.constant 4 : i32
      %add3A_104 = vector.broadcast %add3A_103 : i32 to vector<16xi32>
      %add3A_105 = arith.addi %mul3A_102, %add3A_104 : vector<16xi32>
      %gather3A_106 = tpu.vector_load_idx %arg4[%add3A_105] : memref<4112xf32, #tpu.memory_space<vmem>>[vector<16xi32>], vector<16xf32>,
      %mul3A_107 = arith.constant 16 : i32
      %mul3A_108 = arith.muli %add3A_25, %mul3A_107 : i32
      %swap3A_109 = arith.constant 0 : i32
      %swap3A_110 = arith.constant 4 : i32
      %swap3A_111 = arith.index_cast %swap3A_109 : i32 to index
      %swap3A_112 = arith.index_cast %swap3A_110 : i32 to index
      %swap3A_113 = arith.index_cast %mul3A_108 : i32 to index
      %swap3A_114 = tpu.vector_load %arg5[%swap3A_111, %swap3A_112, %swap3A_113] {strides = array<i32>} : memref<2x8x4096xf32, #tpu.memory_space<vmem>>, vector<16xf32>,
      tpu.vector_store %arg5[%swap3A_111, %swap3A_112, %swap3A_113], %gather3A_106 {strides = array<i32>} : memref<2x8x4096xf32, #tpu.memory_space<vmem>>, vector<16xf32>,
      %mul3A_115 = arith.constant 16 : i32
      %mul3A_116 = vector.broadcast %mul3A_115 : i32 to vector<16xi32>
      %mul3A_117 = arith.muli %add3A_41, %mul3A_116 : vector<16xi32>
      %add3A_118 = arith.constant 5 : i32
      %add3A_119 = vector.broadcast %add3A_118 : i32 to vector<16xi32>
      %add3A_120 = arith.addi %mul3A_117, %add3A_119 : vector<16xi32>
      %gather3A_121 = tpu.vector_load_idx %arg4[%add3A_120] : memref<4112xf32, #tpu.memory_space<vmem>>[vector<16xi32>], vector<16xf32>,
      %mul3A_122 = arith.constant 16 : i32
      %mul3A_123 = arith.muli %add3A_25, %mul3A_122 : i32
      %swap3A_124 = arith.constant 0 : i32
      %swap3A_125 = arith.constant 5 : i32
      %swap3A_126 = arith.index_cast %swap3A_124 : i32 to index
      %swap3A_127 = arith.index_cast %swap3A_125 : i32 to index
      %swap3A_128 = arith.index_cast %mul3A_123 : i32 to index
      %swap3A_129 = tpu.vector_load %arg5[%swap3A_126, %swap3A_127, %swap3A_128] {strides = array<i32>} : memref<2x8x4096xf32, #tpu.memory_space<vmem>>, vector<16xf32>,
      tpu.vector_store %arg5[%swap3A_126, %swap3A_127, %swap3A_128], %gather3A_121 {strides = array<i32>} : memref<2x8x4096xf32, #tpu.memory_space<vmem>>, vector<16xf32>,
      %mul3A_130 = arith.constant 16 : i32
      %mul3A_131 = vector.broadcast %mul3A_130 : i32 to vector<16xi32>
      %mul3A_132 = arith.muli %add3A_41, %mul3A_131 : vector<16xi32>
      %add3A_133 = arith.constant 6 : i32
      %add3A_134 = vector.broadcast %add3A_133 : i32 to vector<16xi32>
      %add3A_135 = arith.addi %mul3A_132, %add3A_134 : vector<16xi32>
      %gather3A_136 = tpu.vector_load_idx %arg4[%add3A_135] : memref<4112xf32, #tpu.memory_space<vmem>>[vector<16xi32>], vector<16xf32>,
      %mul3A_137 = arith.constant 16 : i32
      %mul3A_138 = arith.muli %add3A_25, %mul3A_137 : i32
      %swap3A_139 = arith.constant 0 : i32
      %swap3A_140 = arith.constant 6 : i32
      %swap3A_141 = arith.index_cast %swap3A_139 : i32 to index
      %swap3A_142 = arith.index_cast %swap3A_140 : i32 to index
      %swap3A_143 = arith.index_cast %mul3A_138 : i32 to index
      %swap3A_144 = tpu.vector_load %arg5[%swap3A_141, %swap3A_142, %swap3A_143] {strides = array<i32>} : memref<2x8x4096xf32, #tpu.memory_space<vmem>>, vector<16xf32>,
      tpu.vector_store %arg5[%swap3A_141, %swap3A_142, %swap3A_143], %gather3A_136 {strides = array<i32>} : memref<2x8x4096xf32, #tpu.memory_space<vmem>>, vector<16xf32>,
      %mul3A_145 = arith.constant 16 : i32
      %mul3A_146 = vector.broadcast %mul3A_145 : i32 to vector<16xi32>
      %mul3A_147 = arith.muli %add3A_41, %mul3A_146 : vector<16xi32>
      %add3A_148 = arith.constant 7 : i32
      %add3A_149 = vector.broadcast %add3A_148 : i32 to vector<16xi32>
      %add3A_150 = arith.addi %mul3A_147, %add3A_149 : vector<16xi32>
      %gather3A_151 = tpu.vector_load_idx %arg4[%add3A_150] : memref<4112xf32, #tpu.memory_space<vmem>>[vector<16xi32>], vector<16xf32>,
      %mul3A_152 = arith.constant 16 : i32
      %mul3A_153 = arith.muli %add3A_25, %mul3A_152 : i32
      %swap3A_154 = arith.constant 0 : i32
      %swap3A_155 = arith.constant 7 : i32
      %swap3A_156 = arith.index_cast %swap3A_154 : i32 to index
      %swap3A_157 = arith.index_cast %swap3A_155 : i32 to index
      %swap3A_158 = arith.index_cast %mul3A_153 : i32 to index
      %swap3A_159 = tpu.vector_load %arg5[%swap3A_156, %swap3A_157, %swap3A_158] {strides = array<i32>} : memref<2x8x4096xf32, #tpu.memory_space<vmem>>, vector<16xf32>,
      tpu.vector_store %arg5[%swap3A_156, %swap3A_157, %swap3A_158], %gather3A_151 {strides = array<i32>} : memref<2x8x4096xf32, #tpu.memory_space<vmem>>, vector<16xf32>,
      %mul3A_160 = arith.constant 16 : i32
      %mul3A_161 = vector.broadcast %mul3A_160 : i32 to vector<16xi32>
      %mul3A_162 = arith.muli %add3A_41, %mul3A_161 : vector<16xi32>
      %add3A_163 = arith.constant 8 : i32
      %add3A_164 = vector.broadcast %add3A_163 : i32 to vector<16xi32>
      %add3A_165 = arith.addi %mul3A_162, %add3A_164 : vector<16xi32>
      %gather3A_166 = tpu.vector_load_idx %arg4[%add3A_165] : memref<4112xf32, #tpu.memory_space<vmem>>[vector<16xi32>], vector<16xf32>,
      %mul3A_167 = arith.constant 16 : i32
      %mul3A_168 = arith.muli %add3A_25, %mul3A_167 : i32
      %swap3A_169 = arith.constant 1 : i32
      %swap3A_170 = arith.constant 0 : i32
      %swap3A_171 = arith.index_cast %swap3A_169 : i32 to index
      %swap3A_172 = arith.index_cast %swap3A_170 : i32 to index
      %swap3A_173 = arith.index_cast %mul3A_168 : i32 to index
      %swap3A_174 = tpu.vector_load %arg5[%swap3A_171, %swap3A_172, %swap3A_173] {strides = array<i32>} : memref<2x8x4096xf32, #tpu.memory_space<vmem>>, vector<16xf32>,
      tpu.vector_store %arg5[%swap3A_171, %swap3A_172, %swap3A_173], %gather3A_166 {strides = array<i32>} : memref<2x8x4096xf32, #tpu.memory_space<vmem>>, vector<16xf32>,
      %mul3A_175 = arith.constant 16 : i32
      %mul3A_176 = vector.broadcast %mul3A_175 : i32 to vector<16xi32>
      %mul3A_177 = arith.muli %add3A_41, %mul3A_176 : vector<16xi32>
      %add3A_178 = arith.constant 9 : i32
      %add3A_179 = vector.broadcast %add3A_178 : i32 to vector<16xi32>
      %add3A_180 = arith.addi %mul3A_177, %add3A_179 : vector<16xi32>
      %gather3A_181 = tpu.vector_load_idx %arg4[%add3A_180] : memref<4112xf32, #tpu.memory_space<vmem>>[vector<16xi32>], vector<16xf32>,
      %mul3A_182 = arith.constant 16 : i32
      %mul3A_183 = arith.muli %add3A_25, %mul3A_182 : i32
      %swap3A_184 = arith.constant 1 : i32
      %swap3A_185 = arith.constant 1 : i32
      %swap3A_186 = arith.index_cast %swap3A_184 : i32 to index
      %swap3A_187 = arith.index_cast %swap3A_185 : i32 to index
      %swap3A_188 = arith.index_cast %mul3A_183 : i32 to index
      %swap3A_189 = tpu.vector_load %arg5[%swap3A_186, %swap3A_187, %swap3A_188] {strides = array<i32>} : memref<2x8x4096xf32, #tpu.memory_space<vmem>>, vector<16xf32>,
      tpu.vector_store %arg5[%swap3A_186, %swap3A_187, %swap3A_188], %gather3A_181 {strides = array<i32>} : memref<2x8x4096xf32, #tpu.memory_space<vmem>>, vector<16xf32>,
      %mul3A_190 = arith.constant 16 : i32
      %mul3A_191 = vector.broadcast %mul3A_190 : i32 to vector<16xi32>
      %mul3A_192 = arith.muli %add3A_41, %mul3A_191 : vector<16xi32>
      %add3A_193 = arith.constant 10 : i32
      %add3A_194 = vector.broadcast %add3A_193 : i32 to vector<16xi32>
      %add3A_195 = arith.addi %mul3A_192, %add3A_194 : vector<16xi32>
      %gather3A_196 = tpu.vector_load_idx %arg4[%add3A_195] : memref<4112xf32, #tpu.memory_space<vmem>>[vector<16xi32>], vector<16xf32>,
      %mul3A_197 = arith.constant 16 : i32
      %mul3A_198 = arith.muli %add3A_25, %mul3A_197 : i32
      %swap3A_199 = arith.constant 1 : i32
      %swap3A_200 = arith.constant 2 : i32
      %swap3A_201 = arith.index_cast %swap3A_199 : i32 to index
      %swap3A_202 = arith.index_cast %swap3A_200 : i32 to index
      %swap3A_203 = arith.index_cast %mul3A_198 : i32 to index
      %swap3A_204 = tpu.vector_load %arg5[%swap3A_201, %swap3A_202, %swap3A_203] {strides = array<i32>} : memref<2x8x4096xf32, #tpu.memory_space<vmem>>, vector<16xf32>,
      tpu.vector_store %arg5[%swap3A_201, %swap3A_202, %swap3A_203], %gather3A_196 {strides = array<i32>} : memref<2x8x4096xf32, #tpu.memory_space<vmem>>, vector<16xf32>,
      %mul3A_205 = arith.constant 16 : i32
      %mul3A_206 = vector.broadcast %mul3A_205 : i32 to vector<16xi32>
      %mul3A_207 = arith.muli %add3A_41, %mul3A_206 : vector<16xi32>
      %add3A_208 = arith.constant 11 : i32
      %add3A_209 = vector.broadcast %add3A_208 : i32 to vector<16xi32>
      %add3A_210 = arith.addi %mul3A_207, %add3A_209 : vector<16xi32>
      %gather3A_211 = tpu.vector_load_idx %arg4[%add3A_210] : memref<4112xf32, #tpu.memory_space<vmem>>[vector<16xi32>], vector<16xf32>,
      %mul3A_212 = arith.constant 16 : i32
      %mul3A_213 = arith.muli %add3A_25, %mul3A_212 : i32
      %swap3A_214 = arith.constant 1 : i32
      %swap3A_215 = arith.constant 3 : i32
      %swap3A_216 = arith.index_cast %swap3A_214 : i32 to index
      %swap3A_217 = arith.index_cast %swap3A_215 : i32 to index
      %swap3A_218 = arith.index_cast %mul3A_213 : i32 to index
      %swap3A_219 = tpu.vector_load %arg5[%swap3A_216, %swap3A_217, %swap3A_218] {strides = array<i32>} : memref<2x8x4096xf32, #tpu.memory_space<vmem>>, vector<16xf32>,
      tpu.vector_store %arg5[%swap3A_216, %swap3A_217, %swap3A_218], %gather3A_211 {strides = array<i32>} : memref<2x8x4096xf32, #tpu.memory_space<vmem>>, vector<16xf32>,
      %mul3A_220 = arith.constant 16 : i32
      %mul3A_221 = vector.broadcast %mul3A_220 : i32 to vector<16xi32>
      %mul3A_222 = arith.muli %add3A_41, %mul3A_221 : vector<16xi32>
      %add3A_223 = arith.constant 12 : i32
      %add3A_224 = vector.broadcast %add3A_223 : i32 to vector<16xi32>
      %add3A_225 = arith.addi %mul3A_222, %add3A_224 : vector<16xi32>
      %gather3A_226 = tpu.vector_load_idx %arg4[%add3A_225] : memref<4112xf32, #tpu.memory_space<vmem>>[vector<16xi32>], vector<16xf32>,
      %mul3A_227 = arith.constant 16 : i32
      %mul3A_228 = arith.muli %add3A_25, %mul3A_227 : i32
      %swap3A_229 = arith.constant 1 : i32
      %swap3A_230 = arith.constant 4 : i32
      %swap3A_231 = arith.index_cast %swap3A_229 : i32 to index
      %swap3A_232 = arith.index_cast %swap3A_230 : i32 to index
      %swap3A_233 = arith.index_cast %mul3A_228 : i32 to index
      %swap3A_234 = tpu.vector_load %arg5[%swap3A_231, %swap3A_232, %swap3A_233] {strides = array<i32>} : memref<2x8x4096xf32, #tpu.memory_space<vmem>>, vector<16xf32>,
      tpu.vector_store %arg5[%swap3A_231, %swap3A_232, %swap3A_233], %gather3A_226 {strides = array<i32>} : memref<2x8x4096xf32, #tpu.memory_space<vmem>>, vector<16xf32>,
      %mul3A_235 = arith.constant 16 : i32
      %mul3A_236 = vector.broadcast %mul3A_235 : i32 to vector<16xi32>
      %mul3A_237 = arith.muli %add3A_41, %mul3A_236 : vector<16xi32>
      %add3A_238 = arith.constant 13 : i32
      %add3A_239 = vector.broadcast %add3A_238 : i32 to vector<16xi32>
      %add3A_240 = arith.addi %mul3A_237, %add3A_239 : vector<16xi32>
      %gather3A_241 = tpu.vector_load_idx %arg4[%add3A_240] : memref<4112xf32, #tpu.memory_space<vmem>>[vector<16xi32>], vector<16xf32>,
      %mul3A_242 = arith.constant 16 : i32
      %mul3A_243 = arith.muli %add3A_25, %mul3A_242 : i32
      %swap3A_244 = arith.constant 1 : i32
      %swap3A_245 = arith.constant 5 : i32
      %swap3A_246 = arith.index_cast %swap3A_244 : i32 to index
      %swap3A_247 = arith.index_cast %swap3A_245 : i32 to index
      %swap3A_248 = arith.index_cast %mul3A_243 : i32 to index
      %swap3A_249 = tpu.vector_load %arg5[%swap3A_246, %swap3A_247, %swap3A_248] {strides = array<i32>} : memref<2x8x4096xf32, #tpu.memory_space<vmem>>, vector<16xf32>,
      tpu.vector_store %arg5[%swap3A_246, %swap3A_247, %swap3A_248], %gather3A_241 {strides = array<i32>} : memref<2x8x4096xf32, #tpu.memory_space<vmem>>, vector<16xf32>,
      %mul3A_250 = arith.constant 16 : i32
      %mul3A_251 = vector.broadcast %mul3A_250 : i32 to vector<16xi32>
      %mul3A_252 = arith.muli %add3A_41, %mul3A_251 : vector<16xi32>
      %add3A_253 = arith.constant 14 : i32
      %add3A_254 = vector.broadcast %add3A_253 : i32 to vector<16xi32>
      %add3A_255 = arith.addi %mul3A_252, %add3A_254 : vector<16xi32>
      %gather3A_256 = tpu.vector_load_idx %arg4[%add3A_255] : memref<4112xf32, #tpu.memory_space<vmem>>[vector<16xi32>], vector<16xf32>,
      %mul3A_257 = arith.constant 16 : i32
      %mul3A_258 = arith.muli %add3A_25, %mul3A_257 : i32
      %swap3A_259 = arith.constant 1 : i32
      %swap3A_260 = arith.constant 6 : i32
      %swap3A_261 = arith.index_cast %swap3A_259 : i32 to index
      %swap3A_262 = arith.index_cast %swap3A_260 : i32 to index
      %swap3A_263 = arith.index_cast %mul3A_258 : i32 to index
      %swap3A_264 = tpu.vector_load %arg5[%swap3A_261, %swap3A_262, %swap3A_263] {strides = array<i32>} : memref<2x8x4096xf32, #tpu.memory_space<vmem>>, vector<16xf32>,
      tpu.vector_store %arg5[%swap3A_261, %swap3A_262, %swap3A_263], %gather3A_256 {strides = array<i32>} : memref<2x8x4096xf32, #tpu.memory_space<vmem>>, vector<16xf32>,
      %mul3A_265 = arith.constant 16 : i32
      %mul3A_266 = vector.broadcast %mul3A_265 : i32 to vector<16xi32>
      %mul3A_267 = arith.muli %add3A_41, %mul3A_266 : vector<16xi32>
      %add3A_268 = arith.constant 15 : i32
      %add3A_269 = vector.broadcast %add3A_268 : i32 to vector<16xi32>
      %add3A_270 = arith.addi %mul3A_267, %add3A_269 : vector<16xi32>
      %gather3A_271 = tpu.vector_load_idx %arg4[%add3A_270] : memref<4112xf32, #tpu.memory_space<vmem>>[vector<16xi32>], vector<16xf32>,
      %mul3A_272 = arith.constant 16 : i32
      %mul3A_273 = arith.muli %add3A_25, %mul3A_272 : i32
      %swap3A_274 = arith.constant 1 : i32
      %swap3A_275 = arith.constant 7 : i32
      %swap3A_276 = arith.index_cast %swap3A_274 : i32 to index
      %swap3A_277 = arith.index_cast %swap3A_275 : i32 to index
      %swap3A_278 = arith.index_cast %mul3A_273 : i32 to index
      %swap3A_279 = tpu.vector_load %arg5[%swap3A_276, %swap3A_277, %swap3A_278] {strides = array<i32>} : memref<2x8x4096xf32, #tpu.memory_space<vmem>>, vector<16xf32>,
      tpu.vector_store %arg5[%swap3A_276, %swap3A_277, %swap3A_278], %gather3A_271 {strides = array<i32>} : memref<2x8x4096xf32, #tpu.memory_space<vmem>>, vector<16xf32>,
      %mul3A_280 = arith.constant 2 : i32
      %mul3A_281 = arith.muli %mul3A_280, %scan3A_21 : i32
      %add3A_282 = arith.constant 127 : i32
      %add3A_283 = arith.addi %add3A_282, %mul3A_281 : i32
      %mul3A_284 = arith.constant 16 : i32
      %mul3A_285 = arith.muli %add3A_283, %mul3A_284 : i32
      %add3A_286 = vector.broadcast %mul3A_285 : i32 to vector<16xi32>
      %add3A_287 = arith.addi %add3A_286, %iota3A : vector<16xi32>
      %add3A_288 = vector.broadcast %sub3A_1 : i32 to vector<16xi32>
      %add3A_289 = arith.addi %add3A_287, %add3A_288 : vector<16xi32>
      %sub3A_290 = arith.constant 2047 : i32
      %sub3A_291 = vector.broadcast %sub3A_290 : i32 to vector<16xi32>
      %sub3A_292 = arith.subi %sub3A_291, %add3A_289 : vector<16xi32>
      %min3A_293 = arith.constant 128 : i32
      %min3A_294 = vector.broadcast %min3A_293 : i32 to vector<16xi32>
      %min3A_295 = arith.minsi %sub3A_292, %min3A_294 : vector<16xi32>
      %max3A_296 = arith.constant -128 : i32
      %max3A_297 = vector.broadcast %max3A_296 : i32 to vector<16xi32>
      %max3A_298 = arith.maxsi %min3A_295, %max3A_297 : vector<16xi32>
      %add3A_299 = arith.constant 128 : i32
      %add3A_300 = vector.broadcast %add3A_299 : i32 to vector<16xi32>
      %add3A_301 = arith.addi %max3A_298, %add3A_300 : vector<16xi32>
      %mul3A_302 = arith.constant 16 : i32
      %mul3A_303 = vector.broadcast %mul3A_302 : i32 to vector<16xi32>
      %mul3A_304 = arith.muli %add3A_301, %mul3A_303 : vector<16xi32>
      %add3A_305 = arith.constant 0 : i32
      %add3A_306 = vector.broadcast %add3A_305 : i32 to vector<16xi32>
      %add3A_307 = arith.addi %mul3A_304, %add3A_306 : vector<16xi32>
      %gather3A_308 = tpu.vector_load_idx %arg4[%add3A_307] : memref<4112xf32, #tpu.memory_space<vmem>>[vector<16xi32>], vector<16xf32>,
      %mul3A_309 = arith.constant 16 : i32
      %mul3A_310 = arith.muli %add3A_283, %mul3A_309 : i32
      %swap3A_311 = arith.constant 0 : i32
      %swap3A_312 = arith.constant 0 : i32
      %swap3A_313 = arith.index_cast %swap3A_311 : i32 to index
      %swap3A_314 = arith.index_cast %swap3A_312 : i32 to index
      %swap3A_315 = arith.index_cast %mul3A_310 : i32 to index
      %swap3A_316 = tpu.vector_load %arg5[%swap3A_313, %swap3A_314, %swap3A_315] {strides = array<i32>} : memref<2x8x4096xf32, #tpu.memory_space<vmem>>, vector<16xf32>,
      tpu.vector_store %arg5[%swap3A_313, %swap3A_314, %swap3A_315], %gather3A_308 {strides = array<i32>} : memref<2x8x4096xf32, #tpu.memory_space<vmem>>, vector<16xf32>,
      %mul3A_317 = arith.constant 16 : i32
      %mul3A_318 = vector.broadcast %mul3A_317 : i32 to vector<16xi32>
      %mul3A_319 = arith.muli %add3A_301, %mul3A_318 : vector<16xi32>
      %add3A_320 = arith.constant 1 : i32
      %add3A_321 = vector.broadcast %add3A_320 : i32 to vector<16xi32>
      %add3A_322 = arith.addi %mul3A_319, %add3A_321 : vector<16xi32>
      %gather3A_323 = tpu.vector_load_idx %arg4[%add3A_322] : memref<4112xf32, #tpu.memory_space<vmem>>[vector<16xi32>], vector<16xf32>,
      %mul3A_324 = arith.constant 16 : i32
      %mul3A_325 = arith.muli %add3A_283, %mul3A_324 : i32
      %swap3A_326 = arith.constant 0 : i32
      %swap3A_327 = arith.constant 1 : i32
      %swap3A_328 = arith.index_cast %swap3A_326 : i32 to index
      %swap3A_329 = arith.index_cast %swap3A_327 : i32 to index
      %swap3A_330 = arith.index_cast %mul3A_325 : i32 to index
      %swap3A_331 = tpu.vector_load %arg5[%swap3A_328, %swap3A_329, %swap3A_330] {strides = array<i32>} : memref<2x8x4096xf32, #tpu.memory_space<vmem>>, vector<16xf32>,
      tpu.vector_store %arg5[%swap3A_328, %swap3A_329, %swap3A_330], %gather3A_323 {strides = array<i32>} : memref<2x8x4096xf32, #tpu.memory_space<vmem>>, vector<16xf32>,
      %mul3A_332 = arith.constant 16 : i32
      %mul3A_333 = vector.broadcast %mul3A_332 : i32 to vector<16xi32>
      %mul3A_334 = arith.muli %add3A_301, %mul3A_333 : vector<16xi32>
      %add3A_335 = arith.constant 2 : i32
      %add3A_336 = vector.broadcast %add3A_335 : i32 to vector<16xi32>
      %add3A_337 = arith.addi %mul3A_334, %add3A_336 : vector<16xi32>
      %gather3A_338 = tpu.vector_load_idx %arg4[%add3A_337] : memref<4112xf32, #tpu.memory_space<vmem>>[vector<16xi32>], vector<16xf32>,
      %mul3A_339 = arith.constant 16 : i32
      %mul3A_340 = arith.muli %add3A_283, %mul3A_339 : i32
      %swap3A_341 = arith.constant 0 : i32
      %swap3A_342 = arith.constant 2 : i32
      %swap3A_343 = arith.index_cast %swap3A_341 : i32 to index
      %swap3A_344 = arith.index_cast %swap3A_342 : i32 to index
      %swap3A_345 = arith.index_cast %mul3A_340 : i32 to index
      %swap3A_346 = tpu.vector_load %arg5[%swap3A_343, %swap3A_344, %swap3A_345] {strides = array<i32>} : memref<2x8x4096xf32, #tpu.memory_space<vmem>>, vector<16xf32>,
      tpu.vector_store %arg5[%swap3A_343, %swap3A_344, %swap3A_345], %gather3A_338 {strides = array<i32>} : memref<2x8x4096xf32, #tpu.memory_space<vmem>>, vector<16xf32>,
      %mul3A_347 = arith.constant 16 : i32
      %mul3A_348 = vector.broadcast %mul3A_347 : i32 to vector<16xi32>
      %mul3A_349 = arith.muli %add3A_301, %mul3A_348 : vector<16xi32>
      %add3A_350 = arith.constant 3 : i32
      %add3A_351 = vector.broadcast %add3A_350 : i32 to vector<16xi32>
      %add3A_352 = arith.addi %mul3A_349, %add3A_351 : vector<16xi32>
      %gather3A_353 = tpu.vector_load_idx %arg4[%add3A_352] : memref<4112xf32, #tpu.memory_space<vmem>>[vector<16xi32>], vector<16xf32>,
      %mul3A_354 = arith.constant 16 : i32
      %mul3A_355 = arith.muli %add3A_283, %mul3A_354 : i32
      %swap3A_356 = arith.constant 0 : i32
      %swap3A_357 = arith.constant 3 : i32
      %swap3A_358 = arith.index_cast %swap3A_356 : i32 to index
      %swap3A_359 = arith.index_cast %swap3A_357 : i32 to index
      %swap3A_360 = arith.index_cast %mul3A_355 : i32 to index
      %swap3A_361 = tpu.vector_load %arg5[%swap3A_358, %swap3A_359, %swap3A_360] {strides = array<i32>} : memref<2x8x4096xf32, #tpu.memory_space<vmem>>, vector<16xf32>,
      tpu.vector_store %arg5[%swap3A_358, %swap3A_359, %swap3A_360], %gather3A_353 {strides = array<i32>} : memref<2x8x4096xf32, #tpu.memory_space<vmem>>, vector<16xf32>,
      %mul3A_362 = arith.constant 16 : i32
      %mul3A_363 = vector.broadcast %mul3A_362 : i32 to vector<16xi32>
      %mul3A_364 = arith.muli %add3A_301, %mul3A_363 : vector<16xi32>
      %add3A_365 = arith.constant 4 : i32
      %add3A_366 = vector.broadcast %add3A_365 : i32 to vector<16xi32>
      %add3A_367 = arith.addi %mul3A_364, %add3A_366 : vector<16xi32>
      %gather3A_368 = tpu.vector_load_idx %arg4[%add3A_367] : memref<4112xf32, #tpu.memory_space<vmem>>[vector<16xi32>], vector<16xf32>,
      %mul3A_369 = arith.constant 16 : i32
      %mul3A_370 = arith.muli %add3A_283, %mul3A_369 : i32
      %swap3A_371 = arith.constant 0 : i32
      %swap3A_372 = arith.constant 4 : i32
      %swap3A_373 = arith.index_cast %swap3A_371 : i32 to index
      %swap3A_374 = arith.index_cast %swap3A_372 : i32 to index
      %swap3A_375 = arith.index_cast %mul3A_370 : i32 to index
      %swap3A_376 = tpu.vector_load %arg5[%swap3A_373, %swap3A_374, %swap3A_375] {strides = array<i32>} : memref<2x8x4096xf32, #tpu.memory_space<vmem>>, vector<16xf32>,
      tpu.vector_store %arg5[%swap3A_373, %swap3A_374, %swap3A_375], %gather3A_368 {strides = array<i32>} : memref<2x8x4096xf32, #tpu.memory_space<vmem>>, vector<16xf32>,
      %mul3A_377 = arith.constant 16 : i32
      %mul3A_378 = vector.broadcast %mul3A_377 : i32 to vector<16xi32>
      %mul3A_379 = arith.muli %add3A_301, %mul3A_378 : vector<16xi32>
      %add3A_380 = arith.constant 5 : i32
      %add3A_381 = vector.broadcast %add3A_380 : i32 to vector<16xi32>
      %add3A_382 = arith.addi %mul3A_379, %add3A_381 : vector<16xi32>
      %gather3A_383 = tpu.vector_load_idx %arg4[%add3A_382] : memref<4112xf32, #tpu.memory_space<vmem>>[vector<16xi32>], vector<16xf32>,
      %mul3A_384 = arith.constant 16 : i32
      %mul3A_385 = arith.muli %add3A_283, %mul3A_384 : i32
      %swap3A_386 = arith.constant 0 : i32
      %swap3A_387 = arith.constant 5 : i32
      %swap3A_388 = arith.index_cast %swap3A_386 : i32 to index
      %swap3A_389 = arith.index_cast %swap3A_387 : i32 to index
      %swap3A_390 = arith.index_cast %mul3A_385 : i32 to index
      %swap3A_391 = tpu.vector_load %arg5[%swap3A_388, %swap3A_389, %swap3A_390] {strides = array<i32>} : memref<2x8x4096xf32, #tpu.memory_space<vmem>>, vector<16xf32>,
      tpu.vector_store %arg5[%swap3A_388, %swap3A_389, %swap3A_390], %gather3A_383 {strides = array<i32>} : memref<2x8x4096xf32, #tpu.memory_space<vmem>>, vector<16xf32>,
      %mul3A_392 = arith.constant 16 : i32
      %mul3A_393 = vector.broadcast %mul3A_392 : i32 to vector<16xi32>
      %mul3A_394 = arith.muli %add3A_301, %mul3A_393 : vector<16xi32>
      %add3A_395 = arith.constant 6 : i32
      %add3A_396 = vector.broadcast %add3A_395 : i32 to vector<16xi32>
      %add3A_397 = arith.addi %mul3A_394, %add3A_396 : vector<16xi32>
      %gather3A_398 = tpu.vector_load_idx %arg4[%add3A_397] : memref<4112xf32, #tpu.memory_space<vmem>>[vector<16xi32>], vector<16xf32>,
      %mul3A_399 = arith.constant 16 : i32
      %mul3A_400 = arith.muli %add3A_283, %mul3A_399 : i32
      %swap3A_401 = arith.constant 0 : i32
      %swap3A_402 = arith.constant 6 : i32
      %swap3A_403 = arith.index_cast %swap3A_401 : i32 to index
      %swap3A_404 = arith.index_cast %swap3A_402 : i32 to index
      %swap3A_405 = arith.index_cast %mul3A_400 : i32 to index
      %swap3A_406 = tpu.vector_load %arg5[%swap3A_403, %swap3A_404, %swap3A_405] {strides = array<i32>} : memref<2x8x4096xf32, #tpu.memory_space<vmem>>, vector<16xf32>,
      tpu.vector_store %arg5[%swap3A_403, %swap3A_404, %swap3A_405], %gather3A_398 {strides = array<i32>} : memref<2x8x4096xf32, #tpu.memory_space<vmem>>, vector<16xf32>,
      %mul3A_407 = arith.constant 16 : i32
      %mul3A_408 = vector.broadcast %mul3A_407 : i32 to vector<16xi32>
      %mul3A_409 = arith.muli %add3A_301, %mul3A_408 : vector<16xi32>
      %add3A_410 = arith.constant 7 : i32
      %add3A_411 = vector.broadcast %add3A_410 : i32 to vector<16xi32>
      %add3A_412 = arith.addi %mul3A_409, %add3A_411 : vector<16xi32>
      %gather3A_413 = tpu.vector_load_idx %arg4[%add3A_412] : memref<4112xf32, #tpu.memory_space<vmem>>[vector<16xi32>], vector<16xf32>,
      %mul3A_414 = arith.constant 16 : i32
      %mul3A_415 = arith.muli %add3A_283, %mul3A_414 : i32
      %swap3A_416 = arith.constant 0 : i32
      %swap3A_417 = arith.constant 7 : i32
      %swap3A_418 = arith.index_cast %swap3A_416 : i32 to index
      %swap3A_419 = arith.index_cast %swap3A_417 : i32 to index
      %swap3A_420 = arith.index_cast %mul3A_415 : i32 to index
      %swap3A_421 = tpu.vector_load %arg5[%swap3A_418, %swap3A_419, %swap3A_420] {strides = array<i32>} : memref<2x8x4096xf32, #tpu.memory_space<vmem>>, vector<16xf32>,
      tpu.vector_store %arg5[%swap3A_418, %swap3A_419, %swap3A_420], %gather3A_413 {strides = array<i32>} : memref<2x8x4096xf32, #tpu.memory_space<vmem>>, vector<16xf32>,
      %mul3A_422 = arith.constant 16 : i32
      %mul3A_423 = vector.broadcast %mul3A_422 : i32 to vector<16xi32>
      %mul3A_424 = arith.muli %add3A_301, %mul3A_423 : vector<16xi32>
      %add3A_425 = arith.constant 8 : i32
      %add3A_426 = vector.broadcast %add3A_425 : i32 to vector<16xi32>
      %add3A_427 = arith.addi %mul3A_424, %add3A_426 : vector<16xi32>
      %gather3A_428 = tpu.vector_load_idx %arg4[%add3A_427] : memref<4112xf32, #tpu.memory_space<vmem>>[vector<16xi32>], vector<16xf32>,
      %mul3A_429 = arith.constant 16 : i32
      %mul3A_430 = arith.muli %add3A_283, %mul3A_429 : i32
      %swap3A_431 = arith.constant 1 : i32
      %swap3A_432 = arith.constant 0 : i32
      %swap3A_433 = arith.index_cast %swap3A_431 : i32 to index
      %swap3A_434 = arith.index_cast %swap3A_432 : i32 to index
      %swap3A_435 = arith.index_cast %mul3A_430 : i32 to index
      %swap3A_436 = tpu.vector_load %arg5[%swap3A_433, %swap3A_434, %swap3A_435] {strides = array<i32>} : memref<2x8x4096xf32, #tpu.memory_space<vmem>>, vector<16xf32>,
      tpu.vector_store %arg5[%swap3A_433, %swap3A_434, %swap3A_435], %gather3A_428 {strides = array<i32>} : memref<2x8x4096xf32, #tpu.memory_space<vmem>>, vector<16xf32>,
      %mul3A_437 = arith.constant 16 : i32
      %mul3A_438 = vector.broadcast %mul3A_437 : i32 to vector<16xi32>
      %mul3A_439 = arith.muli %add3A_301, %mul3A_438 : vector<16xi32>
      %add3A_440 = arith.constant 9 : i32
      %add3A_441 = vector.broadcast %add3A_440 : i32 to vector<16xi32>
      %add3A_442 = arith.addi %mul3A_439, %add3A_441 : vector<16xi32>
      %gather3A_443 = tpu.vector_load_idx %arg4[%add3A_442] : memref<4112xf32, #tpu.memory_space<vmem>>[vector<16xi32>], vector<16xf32>,
      %mul3A_444 = arith.constant 16 : i32
      %mul3A_445 = arith.muli %add3A_283, %mul3A_444 : i32
      %swap3A_446 = arith.constant 1 : i32
      %swap3A_447 = arith.constant 1 : i32
      %swap3A_448 = arith.index_cast %swap3A_446 : i32 to index
      %swap3A_449 = arith.index_cast %swap3A_447 : i32 to index
      %swap3A_450 = arith.index_cast %mul3A_445 : i32 to index
      %swap3A_451 = tpu.vector_load %arg5[%swap3A_448, %swap3A_449, %swap3A_450] {strides = array<i32>} : memref<2x8x4096xf32, #tpu.memory_space<vmem>>, vector<16xf32>,
      tpu.vector_store %arg5[%swap3A_448, %swap3A_449, %swap3A_450], %gather3A_443 {strides = array<i32>} : memref<2x8x4096xf32, #tpu.memory_space<vmem>>, vector<16xf32>,
      %mul3A_452 = arith.constant 16 : i32
      %mul3A_453 = vector.broadcast %mul3A_452 : i32 to vector<16xi32>
      %mul3A_454 = arith.muli %add3A_301, %mul3A_453 : vector<16xi32>
      %add3A_455 = arith.constant 10 : i32
      %add3A_456 = vector.broadcast %add3A_455 : i32 to vector<16xi32>
      %add3A_457 = arith.addi %mul3A_454, %add3A_456 : vector<16xi32>
      %gather3A_458 = tpu.vector_load_idx %arg4[%add3A_457] : memref<4112xf32, #tpu.memory_space<vmem>>[vector<16xi32>], vector<16xf32>,
      %mul3A_459 = arith.constant 16 : i32
      %mul3A_460 = arith.muli %add3A_283, %mul3A_459 : i32
      %swap3A_461 = arith.constant 1 : i32
      %swap3A_462 = arith.constant 2 : i32
      %swap3A_463 = arith.index_cast %swap3A_461 : i32 to index
      %swap3A_464 = arith.index_cast %swap3A_462 : i32 to index
      %swap3A_465 = arith.index_cast %mul3A_460 : i32 to index
      %swap3A_466 = tpu.vector_load %arg5[%swap3A_463, %swap3A_464, %swap3A_465] {strides = array<i32>} : memref<2x8x4096xf32, #tpu.memory_space<vmem>>, vector<16xf32>,
      tpu.vector_store %arg5[%swap3A_463, %swap3A_464, %swap3A_465], %gather3A_458 {strides = array<i32>} : memref<2x8x4096xf32, #tpu.memory_space<vmem>>, vector<16xf32>,
      %mul3A_467 = arith.constant 16 : i32
      %mul3A_468 = vector.broadcast %mul3A_467 : i32 to vector<16xi32>
      %mul3A_469 = arith.muli %add3A_301, %mul3A_468 : vector<16xi32>
      %add3A_470 = arith.constant 11 : i32
      %add3A_471 = vector.broadcast %add3A_470 : i32 to vector<16xi32>
      %add3A_472 = arith.addi %mul3A_469, %add3A_471 : vector<16xi32>
      %gather3A_473 = tpu.vector_load_idx %arg4[%add3A_472] : memref<4112xf32, #tpu.memory_space<vmem>>[vector<16xi32>], vector<16xf32>,
      %mul3A_474 = arith.constant 16 : i32
      %mul3A_475 = arith.muli %add3A_283, %mul3A_474 : i32
      %swap3A_476 = arith.constant 1 : i32
      %swap3A_477 = arith.constant 3 : i32
      %swap3A_478 = arith.index_cast %swap3A_476 : i32 to index
      %swap3A_479 = arith.index_cast %swap3A_477 : i32 to index
      %swap3A_480 = arith.index_cast %mul3A_475 : i32 to index
      %swap3A_481 = tpu.vector_load %arg5[%swap3A_478, %swap3A_479, %swap3A_480] {strides = array<i32>} : memref<2x8x4096xf32, #tpu.memory_space<vmem>>, vector<16xf32>,
      tpu.vector_store %arg5[%swap3A_478, %swap3A_479, %swap3A_480], %gather3A_473 {strides = array<i32>} : memref<2x8x4096xf32, #tpu.memory_space<vmem>>, vector<16xf32>,
      %mul3A_482 = arith.constant 16 : i32
      %mul3A_483 = vector.broadcast %mul3A_482 : i32 to vector<16xi32>
      %mul3A_484 = arith.muli %add3A_301, %mul3A_483 : vector<16xi32>
      %add3A_485 = arith.constant 12 : i32
      %add3A_486 = vector.broadcast %add3A_485 : i32 to vector<16xi32>
      %add3A_487 = arith.addi %mul3A_484, %add3A_486 : vector<16xi32>
      %gather3A_488 = tpu.vector_load_idx %arg4[%add3A_487] : memref<4112xf32, #tpu.memory_space<vmem>>[vector<16xi32>], vector<16xf32>,
      %mul3A_489 = arith.constant 16 : i32
      %mul3A_490 = arith.muli %add3A_283, %mul3A_489 : i32
      %swap3A_491 = arith.constant 1 : i32
      %swap3A_492 = arith.constant 4 : i32
      %swap3A_493 = arith.index_cast %swap3A_491 : i32 to index
      %swap3A_494 = arith.index_cast %swap3A_492 : i32 to index
      %swap3A_495 = arith.index_cast %mul3A_490 : i32 to index
      %swap3A_496 = tpu.vector_load %arg5[%swap3A_493, %swap3A_494, %swap3A_495] {strides = array<i32>} : memref<2x8x4096xf32, #tpu.memory_space<vmem>>, vector<16xf32>,
      tpu.vector_store %arg5[%swap3A_493, %swap3A_494, %swap3A_495], %gather3A_488 {strides = array<i32>} : memref<2x8x4096xf32, #tpu.memory_space<vmem>>, vector<16xf32>,
      %mul3A_497 = arith.constant 16 : i32
      %mul3A_498 = vector.broadcast %mul3A_497 : i32 to vector<16xi32>
      %mul3A_499 = arith.muli %add3A_301, %mul3A_498 : vector<16xi32>
      %add3A_500 = arith.constant 13 : i32
      %add3A_501 = vector.broadcast %add3A_500 : i32 to vector<16xi32>
      %add3A_502 = arith.addi %mul3A_499, %add3A_501 : vector<16xi32>
      %gather3A_503 = tpu.vector_load_idx %arg4[%add3A_502] : memref<4112xf32, #tpu.memory_space<vmem>>[vector<16xi32>], vector<16xf32>,
      %mul3A_504 = arith.constant 16 : i32
      %mul3A_505 = arith.muli %add3A_283, %mul3A_504 : i32
      %swap3A_506 = arith.constant 1 : i32
      %swap3A_507 = arith.constant 5 : i32
      %swap3A_508 = arith.index_cast %swap3A_506 : i32 to index
      %swap3A_509 = arith.index_cast %swap3A_507 : i32 to index
      %swap3A_510 = arith.index_cast %mul3A_505 : i32 to index
      %swap3A_511 = tpu.vector_load %arg5[%swap3A_508, %swap3A_509, %swap3A_510] {strides = array<i32>} : memref<2x8x4096xf32, #tpu.memory_space<vmem>>, vector<16xf32>,
      tpu.vector_store %arg5[%swap3A_508, %swap3A_509, %swap3A_510], %gather3A_503 {strides = array<i32>} : memref<2x8x4096xf32, #tpu.memory_space<vmem>>, vector<16xf32>,
      %mul3A_512 = arith.constant 16 : i32
      %mul3A_513 = vector.broadcast %mul3A_512 : i32 to vector<16xi32>
      %mul3A_514 = arith.muli %add3A_301, %mul3A_513 : vector<16xi32>
      %add3A_515 = arith.constant 14 : i32
      %add3A_516 = vector.broadcast %add3A_515 : i32 to vector<16xi32>
      %add3A_517 = arith.addi %mul3A_514, %add3A_516 : vector<16xi32>
      %gather3A_518 = tpu.vector_load_idx %arg4[%add3A_517] : memref<4112xf32, #tpu.memory_space<vmem>>[vector<16xi32>], vector<16xf32>,
      %mul3A_519 = arith.constant 16 : i32
      %mul3A_520 = arith.muli %add3A_283, %mul3A_519 : i32
      %swap3A_521 = arith.constant 1 : i32
      %swap3A_522 = arith.constant 6 : i32
      %swap3A_523 = arith.index_cast %swap3A_521 : i32 to index
      %swap3A_524 = arith.index_cast %swap3A_522 : i32 to index
      %swap3A_525 = arith.index_cast %mul3A_520 : i32 to index
      %swap3A_526 = tpu.vector_load %arg5[%swap3A_523, %swap3A_524, %swap3A_525] {strides = array<i32>} : memref<2x8x4096xf32, #tpu.memory_space<vmem>>, vector<16xf32>,
      tpu.vector_store %arg5[%swap3A_523, %swap3A_524, %swap3A_525], %gather3A_518 {strides = array<i32>} : memref<2x8x4096xf32, #tpu.memory_space<vmem>>, vector<16xf32>,
      %mul3A_527 = arith.constant 16 : i32
      %mul3A_528 = vector.broadcast %mul3A_527 : i32 to vector<16xi32>
      %mul3A_529 = arith.muli %add3A_301, %mul3A_528 : vector<16xi32>
      %add3A_530 = arith.constant 15 : i32
      %add3A_531 = vector.broadcast %add3A_530 : i32 to vector<16xi32>
      %add3A_532 = arith.addi %mul3A_529, %add3A_531 : vector<16xi32>
      %gather3A_533 = tpu.vector_load_idx %arg4[%add3A_532] : memref<4112xf32, #tpu.memory_space<vmem>>[vector<16xi32>], vector<16xf32>,
      %mul3A_534 = arith.constant 16 : i32
      %mul3A_535 = arith.muli %add3A_283, %mul3A_534 : i32
      %swap3A_536 = arith.constant 1 : i32
      %swap3A_537 = arith.constant 7 : i32
      %swap3A_538 = arith.index_cast %swap3A_536 : i32 to index
      %swap3A_539 = arith.index_cast %swap3A_537 : i32 to index
      %swap3A_540 = arith.index_cast %mul3A_535 : i32 to index
      %swap3A_541 = tpu.vector_load %arg5[%swap3A_538, %swap3A_539, %swap3A_540] {strides = array<i32>} : memref<2x8x4096xf32, #tpu.memory_space<vmem>>, vector<16xf32>,
      tpu.vector_store %arg5[%swap3A_538, %swap3A_539, %swap3A_540], %gather3A_533 {strides = array<i32>} : memref<2x8x4096xf32, #tpu.memory_space<vmem>>, vector<16xf32>,
      %sub3A_542 = arith.constant 63 : i32
      %sub3A_543 = arith.subi %sub3A_542, %scan3A_21 : i32
      %mul3A_544 = arith.constant 32 : i32
      %mul3A_545 = arith.muli %mul3A_544, %sub3A_543 : i32
      %add3A_546 = arith.addi %add3A, %mul3A_545 : i32
      %scan3A_547 = arith.constant 0 : i32
      %scan3A_548 = arith.constant 0 : i32
      %scan3A_549 = arith.constant 16 : i32
      %scan3A_550 = arith.addi %scan3A_548, %scan3A_549 : i32
      %scan3A_551 = arith.constant 1 : i32
      scf.for %scan3A_553 = %scan3A_548 to %scan3A_550 step %scan3A_551  : i32 {
        %mul3A_554 = arith.constant 4 : i32
        %mul3A_555 = arith.muli %mul3A_554, %sub3A_543 : i32
        %sub3A_556 = arith.constant 252 : i32
        %sub3A_557 = arith.subi %sub3A_556, %mul3A_555 : i32
        %mul3A_558 = arith.constant 16 : i32
        %mul3A_559 = arith.muli %mul3A_558, %scan3A_553 : i32
        %add3A_560 = arith.addi %sub3A_557, %mul3A_559 : i32
        %mul3A_561 = arith.constant 8 : i32
        %mul3A_562 = arith.muli %mul3A_561, %add3A_560 : i32
        %dma_start3A = arith.constant 0 : i32
        %dma_start3A_563 = arith.constant 0 : i32
        %dma_start3A_564 = tpu.memref_slice %arg5[%dma_start3A, %dma_start3A_563, %mul3A_562] : memref<2x8x4096xf32, #tpu.memory_space<vmem>> -> memref<2x8x128xf32, #tpu.memory_space<vmem>>
        %dma_start3A_565 = arith.constant 0 : i32
        %dma_start3A_566 = arith.constant 0 : i32
        %dma_start3A_567 = arith.constant 0 : i32
        %dma_start3A_568 = tpu.memref_slice %arg3[%add3A_546, %dma_start3A_565, %scan3A_553, %dma_start3A_566, %dma_start3A_567] : memref<2048x2x16x8x128xf32, #tpu.memory_space<hbm>> -> memref<1x2x1x8x128xf32, #tpu.memory_space<hbm>>
        %dma_start3A_569 = tpu.memref_squeeze %dma_start3A_568 : memref<1x2x1x8x128xf32, #tpu.memory_space<hbm>> -> memref<2x8x128xf32, #tpu.memory_space<hbm>>
        %dma_start3A_570 = arith.constant 0 : i32
        %dma_start3A_571 = arith.constant 0 : i32
        %dma_start3A_572 = arith.constant 0 : i32
        %dma_start3A_573 = tpu.memref_slice %arg3[%add3A_546, %dma_start3A_570, %scan3A_553, %dma_start3A_571, %dma_start3A_572] : memref<2048x2x16x8x128xf32, #tpu.memory_space<hbm>> -> memref<1x2x1x8x128xf32, #tpu.memory_space<hbm>>
        %dma_start3A_574 = tpu.memref_squeeze %dma_start3A_573 : memref<1x2x1x8x128xf32, #tpu.memory_space<hbm>> -> memref<2x8x128xf32, #tpu.memory_space<hbm>>
        %dma_start3A_575 = arith.constant 0 : i32
        %dma_start3A_576 = arith.constant 0 : i32
        %dma_start3A_577 = tpu.memref_slice %arg5[%dma_start3A_575, %dma_start3A_576, %mul3A_562] : memref<2x8x4096xf32, #tpu.memory_space<vmem>> -> memref<2x8x128xf32, #tpu.memory_space<vmem>>
        tpu.enqueue_dma source(%dma_start3A_577 : memref<2x8x128xf32, #tpu.memory_space<vmem>>) target(%dma_start3A_574 : memref<2x8x128xf32, #tpu.memory_space<hbm>>) target_semaphore(%arg6 : memref<!tpu.dma_semaphore, #tpu.memory_space<semaphore_mem>>)
      }
      %scan3A_552 = arith.constant 16 : i32
    }
    %scan3A_14 = arith.constant 63 : i32
    %scan3A_15 = arith.constant 0 : i32
    %scan3A_16 = arith.constant 0 : i32
    %scan3A_17 = arith.constant 64 : i32
    %scan3A_18 = arith.addi %scan3A_16, %scan3A_17 : i32
    %scan3A_19 = arith.constant 1 : i32
    scf.for %scan3A_21 = %scan3A_16 to %scan3A_18 step %scan3A_19  : i32 {
      %scan3A_22 = arith.constant 0 : i32
      %scan3A_23 = arith.constant 0 : i32
      %scan3A_24 = arith.constant 16 : i32
      %scan3A_25 = arith.addi %scan3A_23, %scan3A_24 : i32
      %scan3A_26 = arith.constant 1 : i32
      scf.for %scan3A_28 = %scan3A_23 to %scan3A_25 step %scan3A_26  : i32 {
        %mul3A_29 = arith.constant 32 : i32
        %mul3A_30 = arith.muli %mul3A_29, %scan3A_21 : i32
        %add3A_31 = arith.addi %add3A, %mul3A_30 : i32
        %dma_wait3A = arith.constant 0 : i32
        %dma_wait3A_32 = arith.constant 0 : i32
        %dma_wait3A_33 = arith.constant 0 : i32
        %dma_wait3A_34 = tpu.memref_slice %arg5[%dma_wait3A, %dma_wait3A_32, %dma_wait3A_33] : memref<2x8x4096xf32, #tpu.memory_space<vmem>> -> memref<2x8x128xf32, #tpu.memory_space<vmem>>
        %dma_wait3A_35 = arith.constant 0 : i32
        %dma_wait3A_36 = arith.constant 0 : i32
        %dma_wait3A_37 = arith.constant 0 : i32
        %dma_wait3A_38 = tpu.memref_slice %arg3[%add3A_31, %dma_wait3A_35, %scan3A_28, %dma_wait3A_36, %dma_wait3A_37] : memref<2048x2x16x8x128xf32, #tpu.memory_space<hbm>> -> memref<1x2x1x8x128xf32, #tpu.memory_space<hbm>>
        %dma_wait3A_39 = tpu.memref_squeeze %dma_wait3A_38 : memref<1x2x1x8x128xf32, #tpu.memory_space<hbm>> -> memref<2x8x128xf32, #tpu.memory_space<hbm>>
        %dma_wait3A_40 = arith.constant 0 : i32
        %dma_wait3A_41 = arith.constant 0 : i32
        %dma_wait3A_42 = arith.constant 0 : i32
        %dma_wait3A_43 = tpu.memref_slice %arg3[%add3A_31, %dma_wait3A_40, %scan3A_28, %dma_wait3A_41, %dma_wait3A_42] : memref<2048x2x16x8x128xf32, #tpu.memory_space<hbm>> -> memref<1x2x1x8x128xf32, #tpu.memory_space<hbm>>
        %dma_wait3A_44 = tpu.memref_squeeze %dma_wait3A_43 : memref<1x2x1x8x128xf32, #tpu.memory_space<hbm>> -> memref<2x8x128xf32, #tpu.memory_space<hbm>>
        %dma_wait3A_45 = arith.constant 0 : i32
        %dma_wait3A_46 = arith.constant 0 : i32
        %dma_wait3A_47 = arith.constant 0 : i32
        %dma_wait3A_48 = tpu.memref_slice %arg5[%dma_wait3A_45, %dma_wait3A_46, %dma_wait3A_47] : memref<2x8x4096xf32, #tpu.memory_space<vmem>> -> memref<2x8x128xf32, #tpu.memory_space<vmem>>
        tpu.wait_dma2 semaphore(%arg6 : memref<!tpu.dma_semaphore, #tpu.memory_space<semaphore_mem>>) src(%dma_wait3A_48 : memref<2x8x128xf32, #tpu.memory_space<vmem>>) dst(%dma_wait3A_44 : memref<2x8x128xf32, #tpu.memory_space<hbm>>)
      }
      %scan3A_27 = arith.constant 16 : i32
    }
    %scan3A_20 = arith.constant 64 : i32
    return
  }
}

</mosaic_0001>

<sc_bundles>
// kernel: kernel.3.cloned.1.call-start
scs
__scs_entry_jumppad:
0x0: {  	(pc) =	sbr.rel $0x88, $3  }
0x1: {  	(tag) =	ssettag $0x0;
	lr =	simm.s32 $0x1  }
0x2: {  	[smem:$0x3FA0] =	sst lr;
	_ =	strace $0xD0000000  }
0x3: {  	_ = 	snop  }
0x4: {  	_ = 	snop  }
0x5: {  	_ = 	snop  }
0x6: {  	_ = 	snop  }
0x7: {  	_ = 	snop  }
__scs_overlays_trampoline_lowered:
0x8: {  	[smem:$0x3FAF] =	sst s0  }
0x9: {  	[smem:$0x3FB0] =	sst s1  }
0xa: {  	[smem:$0x3FB1] =	sst s2  }
0xb: {  	[smem:$0x3FB2] =	sst s3  }
0xc: {  	[smem:$0x3FB3] =	sst s4  }
0xd: {  	[smem:$0x3FB4] =	sst s5  }
0xe: {  	[smem:$0x3FB5] =	sst s6  }
0xf: {  	[smem:$0x3FB6] =	sst s7  }
0x10: {  	[smem:$0x3FB7] =	sst s8  }
0x11: {  	[smem:$0x3FB8] =	sst s9;
	s0 =	simm.s32 @!p0 $0x0  }
0x12: {  	s1 =	sld [smem:$0x3F9E];
	s0 =	simm.s32 @p0 $0x1  }
0x13: {  	[smem:$0x3FB9] =	sst s0;
	s0 =	simm.s32 @!p1 $0x0  }
0x14: {  	s2 =	sld [smem:$0x3F9D];
	s0 =	simm.s32 @p1 $0x1  }
0x15: {  	[smem:$0x3FBA] =	sst s0;
	s0 =	simm.s32 @!p2 $0x0  }
0x16: {  	s3 =	sld [smem:$0x3FDB];
	s0 =	simm.s32 @p2 $0x1  }
0x17: {  	s4 =	simm.s32 $0x1BF5;
	[smem:$0x3FBC] =	sst s0  }
0x18: {  	s0 =	sld [smem:$0x3F9F];
	_ =	swait.ge [sflag:s4], $0x0  }
0x19: {  	s7 =	sld [smem:$0x3FA0]  }
0x1a: {  	s8 =	sadd.s32 $0xFFFFE003, lr  }
0x1b: {  	s9 =	sadd.s32 $0xFFFFFEF7, lr;
	s5 =	simm.s32 $0xFFFFFFFF;
	p2 =	slt.u32 s8, $0xFFFFF086  }
0x1c: {  	p1 =	slt.u32 s9, $0xF7A;
	s5 =	simm.s32 @!p2 $0x0  }
0x1d: {  	s5 =	simm.s32 @p1 $0x1;
	p0 =	seq.s32 s7, s2  }
0x1e: {  	s7 =	smul.u32 @!p0 $0xF7A, s2;
	p2 =	seq.s32 @!p0 s5, $0x0  }
0x1f: {  	s9 =	smul.u32 $0xF7A, s1;
	s8 =	simm.s32 @!p0 $0x1BF5;
	p2 =	por !p2, p0  }
0x20: {  	[sflag:s8] =	ssyncset.s32 @!p0 $0xFFFFF086;
	s6 =	sadd.s32 @!p0 s3, s7;
	s7 =	simm.s32 @!p0 $0x108  }
0x21: {  	s3 =	sadd.s32 s3, s9;
	s6 =	sadd.s32 @!p0 $0x88, s6;
	s7 =	simm.s32 @p2 $0x1082  }
0x22: {  	[simem:s7], [sflag:s8] =	dma.local @!p0 [hbm:s6], $0xF7A  }
0x23: {  	s9 =	sor.u32 $0xD0000000, s2;
	s6 =	simm.s32 $0x108;
	_ =	swait.ge @!p0 [sflag:s8], $0x0  }
0x24: {  	s3 =	sadd.s32 $0x88, s3;
	s6 =	simm.s32 @!p1 $0x1082;
	[sflag:s4] =	ssyncset.s32 $0xFFFFF086  }
0x25: {  	[simem:s6], [sflag:s4] =	dma.local [hbm:s3], $0xF7A  }
0x26: {  	[smem:$0x3FA0] =	sst s1;
	(tag) =	ssettag s2;
	_ =	strace s9  }
0x27: {  	s1 =	sld [smem:$0x3FB0]  }
0x28: {  	s2 =	sld [smem:$0x3FB1]  }
0x29: {  	s4 =	sld [smem:$0x3FB3]  }
0x2a: {  	p0 =	seq.s32 s5, $0x0;
	s5 =	sld [smem:$0x3FB4]  }
0x2b: {  	s6 =	sld [smem:$0x3FB5]  }
0x2c: {  	s7 =	sld [smem:$0x3FB6]  }
0x2d: {  	s3 =	simm.s32 $0x108;
	s8 =	sld [smem:$0x3FB7]  }
0x2e: {  	s3 =	simm.s32 @!p0 $0x1082;
	s9 =	sld [smem:$0x3FB8]  }
0x2f: {  	lr =	sadd.s32 s0, s3;
	s0 =	sld [smem:$0x3FAF]  }
0x30: {  	s3 =	sld [smem:$0x3FB2]  }
0x31: {  	[smem:$0x3FBB] =	sst s10  }
0x32: {  	s10 =	sld [smem:$0x3FB9];
	_ =	sdelay $0x3  }
0x33: {  	p0 =	seq.s32 s10, $0x1;
	s10 =	sld [smem:$0x3FBB];
	_ =	sdelay $0x3  }
0x34: {  	[smem:$0x3FBB] =	sst s10  }
0x35: {  	s10 =	sld [smem:$0x3FBA];
	_ =	sdelay $0x3  }
0x36: {  	p1 =	seq.s32 s10, $0x1;
	s10 =	sld [smem:$0x3FBB];
	_ =	sdelay $0x3  }
0x37: {  	[smem:$0x3FBB] =	sst s10  }
0x38: {  	s10 =	sld [smem:$0x3FBC]  }
0x39: {  	_ = 	snop;
	(pc) =	sbr.ind lr, $3  }
0x3a: {  	_ = 	snop  }
0x3b: {  	_ = 	snop  }
0x3c: {  	p2 =	seq.s32 s10, $0x1;
	s10 =	sld [smem:$0x3FBB]  }
0x3d: {  	_ =	shalt  }
0x3e: {  	_ =	shalt  }
0x3f: {  	_ =	shalt  }
0x40: {  	_ =	shalt  }
0x41: {  	_ =	shalt  }
0x42: {  	_ =	shalt  }
0x43: {  	_ =	shalt  }
0x44: {  	_ =	shalt  }
0x45: {  	_ =	shalt  }
0x46: {  	_ =	shalt  }
0x47: {  	_ =	shalt  }
0x48: {  	_ =	shalt  }
0x49: {  	_ =	shalt  }
0x4a: {  	_ =	shalt  }
0x4b: {  	_ =	shalt  }
0x4c: {  	_ =	shalt  }
0x4d: {  	_ =	shalt  }
0x4e: {  	_ =	shalt  }
0x4f: {  	_ =	shalt  }
0x50: {  	_ =	shalt  }
0x51: {  	_ =	shalt  }
0x52: {  	_ =	shalt  }
0x53: {  	_ =	shalt  }
0x54: {  	_ =	shalt  }
0x55: {  	_ =	shalt  }
0x56: {  	_ =	shalt  }
0x57: {  	_ =	shalt  }
0x58: {  	_ =	shalt  }
0x59: {  	_ =	shalt  }
0x5a: {  	_ =	shalt  }
0x5b: {  	_ =	shalt  }
0x5c: {  	_ =	shalt  }
0x5d: {  	_ =	shalt  }
0x5e: {  	_ =	shalt  }
0x5f: {  	_ =	shalt  }
0x60: {  	_ =	shalt  }
0x61: {  	_ =	shalt  }
0x62: {  	_ =	shalt  }
0x63: {  	_ =	shalt  }
0x64: {  	_ =	shalt  }
0x65: {  	_ =	shalt  }
0x66: {  	_ =	shalt  }
0x67: {  	_ =	shalt  }
0x68: {  	_ =	shalt  }
0x69: {  	_ =	shalt  }
0x6a: {  	_ =	shalt  }
0x6b: {  	_ =	shalt  }
0x6c: {  	_ =	shalt  }
0x6d: {  	_ =	shalt  }
0x6e: {  	_ =	shalt  }
0x6f: {  	_ =	shalt  }
0x70: {  	_ =	shalt  }
0x71: {  	_ =	shalt  }
0x72: {  	_ =	shalt  }
0x73: {  	_ =	shalt  }
0x74: {  	_ =	shalt  }
0x75: {  	_ =	shalt  }
0x76: {  	_ =	shalt  }
0x77: {  	_ =	shalt  }
0x78: {  	_ =	shalt  }
0x79: {  	_ =	shalt  }
0x7a: {  	_ =	shalt  }
0x7b: {  	_ =	shalt  }
0x7c: {  	_ =	shalt  }
0x7d: {  	_ =	shalt  }
0x7e: {  	_ =	shalt  }
0x7f: {  	_ =	shalt  }
0x80: {  	_ =	shalt  }
0x81: {  	_ =	shalt  }
0x82: {  	_ =	shalt  }
0x83: {  	_ =	shalt  }
0x84: {  	_ =	shalt  }
0x85: {  	_ =	shalt  }
0x86: {  	_ =	shalt  }
0x87: {  	_ =	shalt  }
.Lfunc_end0:
.L_simem_size_0:
called_computation_lowered:
.L_overlay_start_0:
0x88: {  	s2 =	sld [smem:$0x3FD9]  }
0x89: {  	s3 =	sld [smem:$0x3FFE];
	_ =	sdelay $0x1  }
0x8a: {  	s1 =	srdreg.scid  }
0x8b: {  	s0 =	sand.u32 $0x1, s1  }
0x8c: {  	s17 =	sshll.u32 s0, $0xA;
	s2 =	sadd.s32 s3, s2  }
0x8d: {  	s2 =	sadd.s32 s2, s17  }
0x8e: {  	[smem:$0x3FC7] =	sst s2  }
0x8f: {  	_ = 	snop  }
0x90: {  	s2 =	sld [smem:$0x3FD0];
	(tm) =	ssettm $0x1  }
0x91: {  	s18 =	sld [smem:$0x3FFB];
	_ =	sdelay $0x3  }
0x92: {  	_ =	strace s18  }
0x93: {  	s3 =	sld [smem:$0x3FFC];
	_ =	sdelay $0x3  }
0x94: {  	_ =	strace s3  }
0x95: {  	s3 =	sld [smem:$0x3FFD];
	_ =	sdelay $0x3  }
0x96: {  	_ =	strace s3  }
0x97: {  	_ =	strace $0x8FFFFFFF  }
0x98: {  	s19 =	sld [smem:$0x3FDB];
	_ =	sdelay $0x1  }
0x99: {  	s4 =	simm.s32 $_scs_section_size  }
0x9a: {  	s5 =	simm.s32 $_size__tile_overlayer_lowered;
	s6 =	simm.s32 $_tile_overlayer_lowered  }
0x9b: {  	s22 =	simm.s32 $0x1BFF;
	s21 =	sshll.u32 s6, $0x1;
	s3 =	sadd.s32 s4, s19  }
0x9c: {  	s7 =	simm.s32 $0x0;
	s20 =	sshll.u32 s5, $0x1;
	s5 =	sadd.s32 s21, s3  }
0x9d: {  	[timem:s7], [sflag:s22] =	dma.local [hbm:s5], s20  }
0x9e: {  	_ =	swait.ge [sflag:s22], s20  }
0x9f: {  	s4 =	ssub.s32 $0x0, s20;
	[sflag:s22] =	ssyncset.done $0x0  }
0xa0: {  	[sflag:s22] =	ssyncadd.s32 s4;
	_ =	sdelay $0x1  }
0xa1: {  	s23 =	simm.s32 $0x1B8B  }
0xa2: {  	_ =	swait.ge [sflag:s23], $0x1  }
0xa3: {  	[sflag:s23] =	ssyncset.done $0x0  }
0xa4: {  	s25 =	simm.s32 $0x1B8E;
	s24 =	sld [smem:$0x3FFE];
	[sflag:s23] =	ssyncadd.s32 $0xFFFFFFFF  }
0xa5: {  	s26 =	simm.s32 $execute0_lowered;
	[smem:$0x3FD2] =	sst s25  }
0xa6: {  	s5 =	sshll.u32 s26, $0x1;
	_ =	strace $0x80000046;
	[dreg:$0x1] =	wrdreg $0xFFFFFFFF  }
0xa7: {  	s28 =	simm.s32 $_size_execute0_lowered;
	s3 =	sadd.s32 s3, s5;
	[dreg:$0x0] =	wrdreg $0x0  }
0xa8: {  	s5 =	sshll.u32 s28, $0x1;
	[dreg:$0x2] =	wrdreg s3  }
0xa9: {  	[dreg:$0x3] =	wrdreg s5  }
0xaa: {  	[dreg:$0x4] =	wrdreg $0xC0  }
0xab: {  	_ =	task [dreg:s7], $0x5FFFF  }
0xac: {  	[dreg:$0x1] =	wrdreg $0xFFFFFFFF  }
0xad: {  	[dreg:$0x0] =	wrdreg $0x60  }
0xae: {  	[dreg:$0x2] =	wrdreg s24  }
0xaf: {  	[dreg:$0x3] =	wrdreg s2  }
0xb0: {  	[dreg:$0x4] =	wrdreg $0x9  }
0xb1: {  	_ =	task.clear_ibuf [dreg:s7], $0x5FFFF;
	_ =	strace $0x90000046  }
0xb2: {  	s29 =	simm.s32 $0x9;
	_ =	strace $0x80000048  }
0xb3: {  	_ =	swait.ge [sflag:s29], $0x1  }
0xb4: {  	[sflag:s29] =	ssyncadd.s32 $0xFFFFFFFF  }
0xb5: {  	_ =	strace $0x90000048  }
0xb6: {  	_ =	sfence  }
0xb7: {  	s30 =	sld [smem:$0x0];
	_ =	sdelay $0x2  }
0xb8: {  	s31 =	sshll.u32 s1, $0xD;
	s1 =	sshrl.u32 s1, $0x2  }
0xb9: {  	s3 =	sand.u32 $0x4000, s31;
	s1 =	sadd.s32 s1, s30  }
0xba: {  	s0 =	sor.u32 s3, s0;
	s1 =	sshll.u32 s1, $0x11  }
0xbb: {  	s0 =	sor.u32 s1, s0  }
0xbc: {  	s0 =	sadd.s32 $0x8F2B, s0  }
0xbd: {  	[sflag:s0] =	ssyncadd.remote.s32 $0x1  }
0xbe: {  	_ =	sfence.sel $0xFFFF  }
0xbf: {  	[dreg:$0x0] =	wrdreg $0xFFFFFFFF;
	(pc) =	sbr.abs _section_cstart, $3  }
0xc0: {  	[dreg:$0x1] =	wrdreg $0xFFFFFFFF  }
0xc1: {  	_ =	task.clear_ibuf [dreg:s7], $0x2FFFF;
	_ =	strace $0x9FFFFFFF  }
0xc2: {  	(tm) =	ssettm $0x7FFFFFFF  }
0xc3: {  	_ =	shalt  }
tec
execute0_lowered:
.L_overlay_start_1:
0x0: {  	(tag) =	ssettag $0x1  }
0x1: {  	s3 =	rddreg [dreg:$0x0]  }
0x2: {  	s4 =	rddreg [dreg:$0x1]  }
0x3: {  	s0 =	rddreg [dreg:$0x2]  }
0x4: {  	s2 =	simm.s32 $0x0;
	s5 =	srdreg.scid;
	s1 =	stileid.u32  }
0x5: {  	[smem:$0x7FF] =	sst s2;
	s5 =	sand.u32 $0x1, s5;
	s3 =	sadd.s32 $0x400, s3  }
0x6: {  	s7 =	sshll.u32 s1, $0xD;
	s8 =	sshll.u32 s1, $0x1;
	_ =	strace $0x80000047  }
0x7: {  	s6 =	ssub.s32 $0x2, s5;
	s4 =	sadd.s32 s7, s4;
	s30 =	sshll.u32 s5, $0xC  }
0x8: {  	v0 =	vlaneseq.u32;
	s5 =	sor.u32 s5, s8;
	s8 =	simm.s32 $0x1;
	s9 =	sshrl.u32 s6, $0x1  }
0x9: {  	v0 =	vmul.u32 $0xFFFFFFFF, v0;
	s7 =	sadd.s32 s30, s4;
	s4 =	sadd.s32 $0xFFFFFFE1, s5;
	s6 =	ssub.s32 s6, s9  }
0xa: {  	s31 =	sadd.s32 $0x7E0000, s7;
	s9 =	simm.s32 $0x0;
	s5 =	smax.u32 s6, $0x1  }
0xb: {  	v0 =	vadd.s32 $0x7FF, v0;
	[dreg:$0x3] =	wrdreg s31;
	s6 =	sadd.s32 $0x7C0000, s7;
	s7 =	simm.s32 $0x2  }
.LBB2_1:
0xc: {  	[tilespmem:s2], [sflag:$0x2] =	stream.linear.gather [hbm4b:s3+s2], $0x1010, $0x38;
	[tilespmem:$0x11010] =	vst v63  }
0xd: {  	_ =	swait.ge [sflag:s7], $0x1010  }
0xe: {  	[sflag:s7] =	ssyncset.done $0x0  }
0xf: {  	s10 =	simm.s32 $0x0;
	s11 =	simm.s32 $0x0;
	[sflag:s7] =	ssyncadd.s32 $0xFFFFEFF0  }
.LBB2_2:
0x10: {  	s13 =	ssub.s32 s4, s10  }
0x11: {  	v1 =	vadd.s32 s13, v0  }
0x12: {  	v1 =	vmin.u32 v1, $0x80  }
0x13: {  	v1 =	vshll.u32 v1, $0x4  }
0x14: {  	v2 =	vadd.s32 $0x800, v1;
	_ =	sdelay $0x4  }
0x15: {  	v2 =	vld.idx.msk [tilespmem:v2+s2+$0x0], $0xffff  }
0x16: {  	v3 =	vadd.s32 $0x801, v1;
	_ =	sdelay $0x2  }
0x17: {  	s12 =	sshra.s32 s11, $0x2  }
0x18: {  	[tilespmem:s12+$0x1010] =	vst v2  }
0x19: {  	v2 =	vld.idx.msk [tilespmem:v3+s2+$0x0], $0xffff  }
0x1a: {  	v3 =	vadd.s32 $0x802, v1;
	_ =	sdelay $0x3  }
0x1b: {  	[tilespmem:s12+$0x2010] =	vst v2  }
0x1c: {  	v2 =	vld.idx.msk [tilespmem:v3+s2+$0x0], $0xffff  }
0x1d: {  	v3 =	vadd.s32 $0x803, v1;
	_ =	sdelay $0x3  }
0x1e: {  	[tilespmem:s12+$0x3010] =	vst v2  }
0x1f: {  	v2 =	vld.idx.msk [tilespmem:v3+s2+$0x0], $0xffff  }
0x20: {  	v3 =	vadd.s32 $0x804, v1;
	_ =	sdelay $0x3  }
0x21: {  	[tilespmem:s12+$0x4010] =	vst v2  }
0x22: {  	v2 =	vld.idx.msk [tilespmem:v3+s2+$0x0], $0xffff  }
0x23: {  	v3 =	vadd.s32 $0x805, v1;
	_ =	sdelay $0x3  }
0x24: {  	[tilespmem:s12+$0x5010] =	vst v2  }
0x25: {  	v2 =	vld.idx.msk [tilespmem:v3+s2+$0x0], $0xffff  }
0x26: {  	v3 =	vadd.s32 $0x806, v1;
	_ =	sdelay $0x3  }
0x27: {  	[tilespmem:s12+$0x6010] =	vst v2  }
0x28: {  	v2 =	vld.idx.msk [tilespmem:v3+s2+$0x0], $0xffff  }
0x29: {  	v3 =	vadd.s32 $0x807, v1;
	_ =	sdelay $0x3  }
0x2a: {  	[tilespmem:s12+$0x7010] =	vst v2  }
0x2b: {  	v2 =	vld.idx.msk [tilespmem:v3+s2+$0x0], $0xffff  }
0x2c: {  	v3 =	vadd.s32 $0x808, v1;
	_ =	sdelay $0x3  }
0x2d: {  	[tilespmem:s12+$0x8010] =	vst v2  }
0x2e: {  	v2 =	vld.idx.msk [tilespmem:v3+s2+$0x0], $0xffff  }
0x2f: {  	v3 =	vadd.s32 $0x809, v1;
	_ =	sdelay $0x3  }
0x30: {  	[tilespmem:s12+$0x9010] =	vst v2  }
0x31: {  	v2 =	vld.idx.msk [tilespmem:v3+s2+$0x0], $0xffff  }
0x32: {  	v3 =	vadd.s32 $0x80A, v1;
	_ =	sdelay $0x3  }
0x33: {  	[tilespmem:s12+$0xA010] =	vst v2  }
0x34: {  	v2 =	vld.idx.msk [tilespmem:v3+s2+$0x0], $0xffff  }
0x35: {  	v3 =	vadd.s32 $0x80B, v1;
	_ =	sdelay $0x3  }
0x36: {  	[tilespmem:s12+$0xB010] =	vst v2  }
0x37: {  	v2 =	vld.idx.msk [tilespmem:v3+s2+$0x0], $0xffff  }
0x38: {  	v3 =	vadd.s32 $0x80C, v1;
	_ =	sdelay $0x3  }
0x39: {  	[tilespmem:s12+$0xC010] =	vst v2  }
0x3a: {  	v2 =	vld.idx.msk [tilespmem:v3+s2+$0x0], $0xffff  }
0x3b: {  	v3 =	vadd.s32 $0x80D, v1;
	_ =	sdelay $0x3  }
0x3c: {  	[tilespmem:s12+$0xD010] =	vst v2  }
0x3d: {  	v2 =	vld.idx.msk [tilespmem:v3+s2+$0x0], $0xffff  }
0x3e: {  	v3 =	vadd.s32 $0x80E, v1;
	_ =	sdelay $0x3  }
0x3f: {  	[tilespmem:s12+$0xE010] =	vst v2  }
0x40: {  	v2 =	vld.idx.msk [tilespmem:v3+s2+$0x0], $0xffff  }
0x41: {  	v1 =	vadd.s32 $0x80F, v1;
	_ =	sdelay $0x1  }
0x42: {  	s14 =	sadd.s32 $0xFFFFFFF0, s13  }
0x43: {  	v3 =	vadd.s32 s14, v0  }
0x44: {  	[tilespmem:s12+$0xF010] =	vst v2;
	v2 =	vmin.u32 v3, $0x80  }
0x45: {  	v1 =	vld.idx.msk [tilespmem:v1+s2+$0x0], $0xffff;
	v2 =	vshll.u32 v2, $0x4  }
0x46: {  	v3 =	vadd.s32 $0x800, v2;
	_ =	sdelay $0x3  }
0x47: {  	[tilespmem:s12+$0x10010] =	vst v1  }
0x48: {  	v1 =	vld.idx.msk [tilespmem:v3+s2+$0x0], $0xffff  }
0x49: {  	v3 =	vadd.s32 $0x801, v2;
	_ =	sdelay $0x3  }
0x4a: {  	[tilespmem:s12+$0x1020] =	vst v1  }
0x4b: {  	v1 =	vld.idx.msk [tilespmem:v3+s2+$0x0], $0xffff  }
0x4c: {  	v3 =	vadd.s32 $0x802, v2;
	_ =	sdelay $0x3  }
0x4d: {  	[tilespmem:s12+$0x2020] =	vst v1  }
0x4e: {  	v1 =	vld.idx.msk [tilespmem:v3+s2+$0x0], $0xffff  }
0x4f: {  	v3 =	vadd.s32 $0x803, v2;
	_ =	sdelay $0x3  }
0x50: {  	[tilespmem:s12+$0x3020] =	vst v1  }
0x51: {  	v1 =	vld.idx.msk [tilespmem:v3+s2+$0x0], $0xffff  }
0x52: {  	v3 =	vadd.s32 $0x804, v2;
	_ =	sdelay $0x3  }
0x53: {  	[tilespmem:s12+$0x4020] =	vst v1  }
0x54: {  	v1 =	vld.idx.msk [tilespmem:v3+s2+$0x0], $0xffff  }
0x55: {  	v3 =	vadd.s32 $0x805, v2;
	_ =	sdelay $0x3  }
0x56: {  	[tilespmem:s12+$0x5020] =	vst v1  }
0x57: {  	v1 =	vld.idx.msk [tilespmem:v3+s2+$0x0], $0xffff  }
0x58: {  	v3 =	vadd.s32 $0x806, v2;
	_ =	sdelay $0x3  }
0x59: {  	[tilespmem:s12+$0x6020] =	vst v1  }
0x5a: {  	v1 =	vld.idx.msk [tilespmem:v3+s2+$0x0], $0xffff  }
0x5b: {  	v3 =	vadd.s32 $0x807, v2;
	_ =	sdelay $0x3  }
0x5c: {  	[tilespmem:s12+$0x7020] =	vst v1  }
0x5d: {  	v1 =	vld.idx.msk [tilespmem:v3+s2+$0x0], $0xffff  }
0x5e: {  	v3 =	vadd.s32 $0x808, v2;
	_ =	sdelay $0x3  }
0x5f: {  	[tilespmem:s12+$0x8020] =	vst v1  }
0x60: {  	v1 =	vld.idx.msk [tilespmem:v3+s2+$0x0], $0xffff  }
0x61: {  	v3 =	vadd.s32 $0x809, v2;
	_ =	sdelay $0x3  }
0x62: {  	[tilespmem:s12+$0x9020] =	vst v1  }
0x63: {  	v1 =	vld.idx.msk [tilespmem:v3+s2+$0x0], $0xffff  }
0x64: {  	v3 =	vadd.s32 $0x80A, v2;
	_ =	sdelay $0x3  }
0x65: {  	[tilespmem:s12+$0xA020] =	vst v1  }
0x66: {  	v1 =	vld.idx.msk [tilespmem:v3+s2+$0x0], $0xffff  }
0x67: {  	v3 =	vadd.s32 $0x80B, v2;
	_ =	sdelay $0x3  }
0x68: {  	[tilespmem:s12+$0xB020] =	vst v1  }
0x69: {  	v1 =	vld.idx.msk [tilespmem:v3+s2+$0x0], $0xffff  }
0x6a: {  	v3 =	vadd.s32 $0x80C, v2;
	_ =	sdelay $0x3  }
0x6b: {  	[tilespmem:s12+$0xC020] =	vst v1  }
0x6c: {  	v1 =	vld.idx.msk [tilespmem:v3+s2+$0x0], $0xffff  }
0x6d: {  	v3 =	vadd.s32 $0x80D, v2;
	_ =	sdelay $0x3  }
0x6e: {  	[tilespmem:s12+$0xD020] =	vst v1  }
0x6f: {  	v1 =	vld.idx.msk [tilespmem:v3+s2+$0x0], $0xffff  }
0x70: {  	v3 =	vadd.s32 $0x80E, v2;
	_ =	sdelay $0x3  }
0x71: {  	[tilespmem:s12+$0xE020] =	vst v1  }
0x72: {  	v1 =	vld.idx.msk [tilespmem:v3+s2+$0x0], $0xffff  }
0x73: {  	v2 =	vadd.s32 $0x80F, v2;
	_ =	sdelay $0x1  }
0x74: {  	s30 =	sadd.s32 $0xFFFFFFE0, s13  }
0x75: {  	v3 =	vadd.s32 s30, v0  }
0x76: {  	[tilespmem:s12+$0xF020] =	vst v1;
	v1 =	vmin.u32 v3, $0x80  }
0x77: {  	v2 =	vld.idx.msk [tilespmem:v2+s2+$0x0], $0xffff;
	v1 =	vshll.u32 v1, $0x4  }
0x78: {  	v3 =	vadd.s32 $0x800, v1;
	_ =	sdelay $0x3  }
0x79: {  	[tilespmem:s12+$0x10020] =	vst v2  }
0x7a: {  	v2 =	vld.idx.msk [tilespmem:v3+s2+$0x0], $0xffff  }
0x7b: {  	v3 =	vadd.s32 $0x801, v1;
	_ =	sdelay $0x3  }
0x7c: {  	[tilespmem:s12+$0x1030] =	vst v2  }
0x7d: {  	v2 =	vld.idx.msk [tilespmem:v3+s2+$0x0], $0xffff  }
0x7e: {  	v3 =	vadd.s32 $0x802, v1;
	_ =	sdelay $0x3  }
0x7f: {  	[tilespmem:s12+$0x2030] =	vst v2  }
0x80: {  	v2 =	vld.idx.msk [tilespmem:v3+s2+$0x0], $0xffff  }
0x81: {  	v3 =	vadd.s32 $0x803, v1;
	_ =	sdelay $0x3  }
0x82: {  	[tilespmem:s12+$0x3030] =	vst v2  }
0x83: {  	v2 =	vld.idx.msk [tilespmem:v3+s2+$0x0], $0xffff  }
0x84: {  	v3 =	vadd.s32 $0x804, v1;
	_ =	sdelay $0x3  }
0x85: {  	[tilespmem:s12+$0x4030] =	vst v2  }
0x86: {  	v2 =	vld.idx.msk [tilespmem:v3+s2+$0x0], $0xffff  }
0x87: {  	v3 =	vadd.s32 $0x805, v1;
	_ =	sdelay $0x3  }
0x88: {  	[tilespmem:s12+$0x5030] =	vst v2  }
0x89: {  	v2 =	vld.idx.msk [tilespmem:v3+s2+$0x0], $0xffff  }
0x8a: {  	v3 =	vadd.s32 $0x806, v1;
	_ =	sdelay $0x3  }
0x8b: {  	[tilespmem:s12+$0x6030] =	vst v2  }
0x8c: {  	v2 =	vld.idx.msk [tilespmem:v3+s2+$0x0], $0xffff  }
0x8d: {  	v3 =	vadd.s32 $0x807, v1;
	_ =	sdelay $0x3  }
0x8e: {  	[tilespmem:s12+$0x7030] =	vst v2  }
0x8f: {  	v2 =	vld.idx.msk [tilespmem:v3+s2+$0x0], $0xffff  }
0x90: {  	v3 =	vadd.s32 $0x808, v1;
	_ =	sdelay $0x3  }
0x91: {  	[tilespmem:s12+$0x8030] =	vst v2  }
0x92: {  	v2 =	vld.idx.msk [tilespmem:v3+s2+$0x0], $0xffff  }
0x93: {  	v3 =	vadd.s32 $0x809, v1;
	_ =	sdelay $0x3  }
0x94: {  	[tilespmem:s12+$0x9030] =	vst v2  }
0x95: {  	v2 =	vld.idx.msk [tilespmem:v3+s2+$0x0], $0xffff  }
0x96: {  	v3 =	vadd.s32 $0x80A, v1;
	_ =	sdelay $0x3  }
0x97: {  	[tilespmem:s12+$0xA030] =	vst v2  }
0x98: {  	v2 =	vld.idx.msk [tilespmem:v3+s2+$0x0], $0xffff  }
0x99: {  	v3 =	vadd.s32 $0x80B, v1;
	_ =	sdelay $0x3  }
0x9a: {  	[tilespmem:s12+$0xB030] =	vst v2  }
0x9b: {  	v2 =	vld.idx.msk [tilespmem:v3+s2+$0x0], $0xffff  }
0x9c: {  	v3 =	vadd.s32 $0x80C, v1;
	_ =	sdelay $0x3  }
0x9d: {  	[tilespmem:s12+$0xC030] =	vst v2  }
0x9e: {  	v2 =	vld.idx.msk [tilespmem:v3+s2+$0x0], $0xffff  }
0x9f: {  	v3 =	vadd.s32 $0x80D, v1;
	_ =	sdelay $0x3  }
0xa0: {  	[tilespmem:s12+$0xD030] =	vst v2  }
0xa1: {  	v2 =	vld.idx.msk [tilespmem:v3+s2+$0x0], $0xffff  }
0xa2: {  	v3 =	vadd.s32 $0x80E, v1;
	_ =	sdelay $0x3  }
0xa3: {  	[tilespmem:s12+$0xE030] =	vst v2  }
0xa4: {  	v2 =	vld.idx.msk [tilespmem:v3+s2+$0x0], $0xffff  }
0xa5: {  	v1 =	vadd.s32 $0x80F, v1;
	_ =	sdelay $0x1  }
0xa6: {  	s31 =	sadd.s32 $0xFFFFFFD0, s13  }
0xa7: {  	v3 =	vadd.s32 s31, v0  }
0xa8: {  	[tilespmem:s12+$0xF030] =	vst v2;
	v2 =	vmin.u32 v3, $0x80  }
0xa9: {  	v1 =	vld.idx.msk [tilespmem:v1+s2+$0x0], $0xffff;
	v2 =	vshll.u32 v2, $0x4  }
0xaa: {  	v3 =	vadd.s32 $0x800, v2;
	_ =	sdelay $0x3  }
0xab: {  	[tilespmem:s12+$0x10030] =	vst v1  }
0xac: {  	v1 =	vld.idx.msk [tilespmem:v3+s2+$0x0], $0xffff  }
0xad: {  	v3 =	vadd.s32 $0x801, v2;
	_ =	sdelay $0x3  }
0xae: {  	[tilespmem:s12+$0x1040] =	vst v1  }
0xaf: {  	v1 =	vld.idx.msk [tilespmem:v3+s2+$0x0], $0xffff  }
0xb0: {  	v3 =	vadd.s32 $0x802, v2;
	_ =	sdelay $0x3  }
0xb1: {  	[tilespmem:s12+$0x2040] =	vst v1  }
0xb2: {  	v1 =	vld.idx.msk [tilespmem:v3+s2+$0x0], $0xffff  }
0xb3: {  	v3 =	vadd.s32 $0x803, v2;
	_ =	sdelay $0x3  }
0xb4: {  	[tilespmem:s12+$0x3040] =	vst v1  }
0xb5: {  	v1 =	vld.idx.msk [tilespmem:v3+s2+$0x0], $0xffff  }
0xb6: {  	v3 =	vadd.s32 $0x804, v2;
	_ =	sdelay $0x3  }
0xb7: {  	[tilespmem:s12+$0x4040] =	vst v1  }
0xb8: {  	v1 =	vld.idx.msk [tilespmem:v3+s2+$0x0], $0xffff  }
0xb9: {  	v3 =	vadd.s32 $0x805, v2;
	_ =	sdelay $0x3  }
0xba: {  	[tilespmem:s12+$0x5040] =	vst v1  }
0xbb: {  	v1 =	vld.idx.msk [tilespmem:v3+s2+$0x0], $0xffff  }
0xbc: {  	v3 =	vadd.s32 $0x806, v2;
	_ =	sdelay $0x3  }
0xbd: {  	[tilespmem:s12+$0x6040] =	vst v1  }
0xbe: {  	v1 =	vld.idx.msk [tilespmem:v3+s2+$0x0], $0xffff  }
0xbf: {  	v3 =	vadd.s32 $0x807, v2;
	_ =	sdelay $0x3  }
0xc0: {  	[tilespmem:s12+$0x7040] =	vst v1  }
0xc1: {  	v1 =	vld.idx.msk [tilespmem:v3+s2+$0x0], $0xffff  }
0xc2: {  	v3 =	vadd.s32 $0x808, v2;
	_ =	sdelay $0x3  }
0xc3: {  	[tilespmem:s12+$0x8040] =	vst v1  }
0xc4: {  	v1 =	vld.idx.msk [tilespmem:v3+s2+$0x0], $0xffff  }
0xc5: {  	v3 =	vadd.s32 $0x809, v2;
	_ =	sdelay $0x3  }
0xc6: {  	[tilespmem:s12+$0x9040] =	vst v1  }
0xc7: {  	v1 =	vld.idx.msk [tilespmem:v3+s2+$0x0], $0xffff  }
0xc8: {  	v3 =	vadd.s32 $0x80A, v2;
	_ =	sdelay $0x3  }
0xc9: {  	[tilespmem:s12+$0xA040] =	vst v1  }
0xca: {  	v1 =	vld.idx.msk [tilespmem:v3+s2+$0x0], $0xffff  }
0xcb: {  	v3 =	vadd.s32 $0x80B, v2;
	_ =	sdelay $0x3  }
0xcc: {  	[tilespmem:s12+$0xB040] =	vst v1  }
0xcd: {  	v1 =	vld.idx.msk [tilespmem:v3+s2+$0x0], $0xffff  }
0xce: {  	v3 =	vadd.s32 $0x80C, v2;
	_ =	sdelay $0x3  }
0xcf: {  	[tilespmem:s12+$0xC040] =	vst v1  }
0xd0: {  	v1 =	vld.idx.msk [tilespmem:v3+s2+$0x0], $0xffff  }
0xd1: {  	v3 =	vadd.s32 $0x80D, v2;
	_ =	sdelay $0x3  }
0xd2: {  	[tilespmem:s12+$0xD040] =	vst v1  }
0xd3: {  	v1 =	vld.idx.msk [tilespmem:v3+s2+$0x0], $0xffff  }
0xd4: {  	v3 =	vadd.s32 $0x80E, v2;
	_ =	sdelay $0x3  }
0xd5: {  	[tilespmem:s12+$0xE040] =	vst v1  }
0xd6: {  	v1 =	vld.idx.msk [tilespmem:v3+s2+$0x0], $0xffff  }
0xd7: {  	v2 =	vadd.s32 $0x80F, v2;
	_ =	sdelay $0x1  }
0xd8: {  	s15 =	sadd.s32 $0xFFFFFFC0, s13  }
0xd9: {  	v3 =	vadd.s32 s15, v0  }
0xda: {  	[tilespmem:s12+$0xF040] =	vst v1;
	v1 =	vmin.u32 v3, $0x80  }
0xdb: {  	v2 =	vld.idx.msk [tilespmem:v2+s2+$0x0], $0xffff;
	v1 =	vshll.u32 v1, $0x4  }
0xdc: {  	v3 =	vadd.s32 $0x800, v1;
	_ =	sdelay $0x3  }
0xdd: {  	[tilespmem:s12+$0x10040] =	vst v2  }
0xde: {  	v2 =	vld.idx.msk [tilespmem:v3+s2+$0x0], $0xffff  }
0xdf: {  	v3 =	vadd.s32 $0x801, v1;
	_ =	sdelay $0x3  }
0xe0: {  	[tilespmem:s12+$0x1050] =	vst v2  }
0xe1: {  	v2 =	vld.idx.msk [tilespmem:v3+s2+$0x0], $0xffff  }
0xe2: {  	v3 =	vadd.s32 $0x802, v1;
	_ =	sdelay $0x3  }
0xe3: {  	[tilespmem:s12+$0x2050] =	vst v2  }
0xe4: {  	v2 =	vld.idx.msk [tilespmem:v3+s2+$0x0], $0xffff  }
0xe5: {  	v3 =	vadd.s32 $0x803, v1;
	_ =	sdelay $0x3  }
0xe6: {  	[tilespmem:s12+$0x3050] =	vst v2  }
0xe7: {  	v2 =	vld.idx.msk [tilespmem:v3+s2+$0x0], $0xffff  }
0xe8: {  	v3 =	vadd.s32 $0x804, v1;
	_ =	sdelay $0x3  }
0xe9: {  	[tilespmem:s12+$0x4050] =	vst v2  }
0xea: {  	v2 =	vld.idx.msk [tilespmem:v3+s2+$0x0], $0xffff  }
0xeb: {  	v3 =	vadd.s32 $0x805, v1;
	_ =	sdelay $0x3  }
0xec: {  	[tilespmem:s12+$0x5050] =	vst v2  }
0xed: {  	v2 =	vld.idx.msk [tilespmem:v3+s2+$0x0], $0xffff  }
0xee: {  	v3 =	vadd.s32 $0x806, v1;
	_ =	sdelay $0x3  }
0xef: {  	[tilespmem:s12+$0x6050] =	vst v2  }
0xf0: {  	v2 =	vld.idx.msk [tilespmem:v3+s2+$0x0], $0xffff  }
0xf1: {  	v3 =	vadd.s32 $0x807, v1;
	_ =	sdelay $0x3  }
0xf2: {  	[tilespmem:s12+$0x7050] =	vst v2  }
0xf3: {  	v2 =	vld.idx.msk [tilespmem:v3+s2+$0x0], $0xffff  }
0xf4: {  	v3 =	vadd.s32 $0x808, v1;
	_ =	sdelay $0x3  }
0xf5: {  	[tilespmem:s12+$0x8050] =	vst v2  }
0xf6: {  	v2 =	vld.idx.msk [tilespmem:v3+s2+$0x0], $0xffff  }
0xf7: {  	v3 =	vadd.s32 $0x809, v1;
	_ =	sdelay $0x3  }
0xf8: {  	[tilespmem:s12+$0x9050] =	vst v2  }
0xf9: {  	v2 =	vld.idx.msk [tilespmem:v3+s2+$0x0], $0xffff  }
0xfa: {  	v3 =	vadd.s32 $0x80A, v1;
	_ =	sdelay $0x3  }
0xfb: {  	[tilespmem:s12+$0xA050] =	vst v2  }
0xfc: {  	v2 =	vld.idx.msk [tilespmem:v3+s2+$0x0], $0xffff  }
0xfd: {  	v3 =	vadd.s32 $0x80B, v1;
	_ =	sdelay $0x3  }
0xfe: {  	[tilespmem:s12+$0xB050] =	vst v2  }
0xff: {  	v2 =	vld.idx.msk [tilespmem:v3+s2+$0x0], $0xffff  }
0x100: {  	v3 =	vadd.s32 $0x80C, v1;
	_ =	sdelay $0x3  }
0x101: {  	[tilespmem:s12+$0xC050] =	vst v2  }
0x102: {  	v2 =	vld.idx.msk [tilespmem:v3+s2+$0x0], $0xffff  }
0x103: {  	v3 =	vadd.s32 $0x80D, v1;
	_ =	sdelay $0x3  }
0x104: {  	[tilespmem:s12+$0xD050] =	vst v2  }
0x105: {  	v2 =	vld.idx.msk [tilespmem:v3+s2+$0x0], $0xffff  }
0x106: {  	v3 =	vadd.s32 $0x80E, v1;
	_ =	sdelay $0x3  }
0x107: {  	[tilespmem:s12+$0xE050] =	vst v2  }
0x108: {  	v2 =	vld.idx.msk [tilespmem:v3+s2+$0x0], $0xffff  }
0x109: {  	v1 =	vadd.s32 $0x80F, v1;
	_ =	sdelay $0x1  }
0x10a: {  	s16 =	sadd.s32 $0xFFFFFFB0, s13  }
0x10b: {  	v3 =	vadd.s32 s16, v0  }
0x10c: {  	[tilespmem:s12+$0xF050] =	vst v2;
	v2 =	vmin.u32 v3, $0x80  }
0x10d: {  	v1 =	vld.idx.msk [tilespmem:v1+s2+$0x0], $0xffff;
	v2 =	vshll.u32 v2, $0x4  }
0x10e: {  	v3 =	vadd.s32 $0x800, v2;
	_ =	sdelay $0x3  }
0x10f: {  	[tilespmem:s12+$0x10050] =	vst v1  }
0x110: {  	v1 =	vld.idx.msk [tilespmem:v3+s2+$0x0], $0xffff  }
0x111: {  	v3 =	vadd.s32 $0x801, v2;
	_ =	sdelay $0x3  }
0x112: {  	[tilespmem:s12+$0x1060] =	vst v1  }
0x113: {  	v1 =	vld.idx.msk [tilespmem:v3+s2+$0x0], $0xffff  }
0x114: {  	v3 =	vadd.s32 $0x802, v2;
	_ =	sdelay $0x3  }
0x115: {  	[tilespmem:s12+$0x2060] =	vst v1  }
0x116: {  	v1 =	vld.idx.msk [tilespmem:v3+s2+$0x0], $0xffff  }
0x117: {  	v3 =	vadd.s32 $0x803, v2;
	_ =	sdelay $0x3  }
0x118: {  	[tilespmem:s12+$0x3060] =	vst v1  }
0x119: {  	v1 =	vld.idx.msk [tilespmem:v3+s2+$0x0], $0xffff  }
0x11a: {  	v3 =	vadd.s32 $0x804, v2;
	_ =	sdelay $0x3  }
0x11b: {  	[tilespmem:s12+$0x4060] =	vst v1  }
0x11c: {  	v1 =	vld.idx.msk [tilespmem:v3+s2+$0x0], $0xffff  }
0x11d: {  	v3 =	vadd.s32 $0x805, v2;
	_ =	sdelay $0x3  }
0x11e: {  	[tilespmem:s12+$0x5060] =	vst v1  }
0x11f: {  	v1 =	vld.idx.msk [tilespmem:v3+s2+$0x0], $0xffff  }
0x120: {  	v3 =	vadd.s32 $0x806, v2;
	_ =	sdelay $0x3  }
0x121: {  	[tilespmem:s12+$0x6060] =	vst v1  }
0x122: {  	v1 =	vld.idx.msk [tilespmem:v3+s2+$0x0], $0xffff  }
0x123: {  	v3 =	vadd.s32 $0x807, v2;
	_ =	sdelay $0x3  }
0x124: {  	[tilespmem:s12+$0x7060] =	vst v1  }
0x125: {  	v1 =	vld.idx.msk [tilespmem:v3+s2+$0x0], $0xffff  }
0x126: {  	v3 =	vadd.s32 $0x808, v2;
	_ =	sdelay $0x3  }
0x127: {  	[tilespmem:s12+$0x8060] =	vst v1  }
0x128: {  	v1 =	vld.idx.msk [tilespmem:v3+s2+$0x0], $0xffff  }
0x129: {  	v3 =	vadd.s32 $0x809, v2;
	_ =	sdelay $0x3  }
0x12a: {  	[tilespmem:s12+$0x9060] =	vst v1  }
0x12b: {  	v1 =	vld.idx.msk [tilespmem:v3+s2+$0x0], $0xffff  }
0x12c: {  	v3 =	vadd.s32 $0x80A, v2;
	_ =	sdelay $0x3  }
0x12d: {  	[tilespmem:s12+$0xA060] =	vst v1  }
0x12e: {  	v1 =	vld.idx.msk [tilespmem:v3+s2+$0x0], $0xffff  }
0x12f: {  	v3 =	vadd.s32 $0x80B, v2;
	_ =	sdelay $0x3  }
0x130: {  	[tilespmem:s12+$0xB060] =	vst v1  }
0x131: {  	v1 =	vld.idx.msk [tilespmem:v3+s2+$0x0], $0xffff  }
0x132: {  	v3 =	vadd.s32 $0x80C, v2;
	_ =	sdelay $0x3  }
0x133: {  	[tilespmem:s12+$0xC060] =	vst v1  }
0x134: {  	v1 =	vld.idx.msk [tilespmem:v3+s2+$0x0], $0xffff  }
0x135: {  	v3 =	vadd.s32 $0x80D, v2;
	_ =	sdelay $0x3  }
0x136: {  	[tilespmem:s12+$0xD060] =	vst v1  }
0x137: {  	v1 =	vld.idx.msk [tilespmem:v3+s2+$0x0], $0xffff  }
0x138: {  	v3 =	vadd.s32 $0x80E, v2;
	_ =	sdelay $0x3  }
0x139: {  	[tilespmem:s12+$0xE060] =	vst v1  }
0x13a: {  	s17 =	sadd.s32 $0xFFFFFFA0, s13;
	v1 =	vld.idx.msk [tilespmem:v3+s2+$0x0], $0xffff  }
0x13b: {  	v2 =	vadd.s32 $0x80F, v2;
	v3 =	vadd.s32 s17, v0  }
0x13c: {  	vm0 =	vgt.s32 v3, $0xFFFFFF80  }
0x13d: {  	v3 =	vnsel vm0, $0xFFFFFF80, v3  }
0x13e: {  	vm0 =	vlt.s32 v3, $0x80  }
0x13f: {  	[tilespmem:s12+$0xF060] =	vst v1;
	v1 =	vnsel vm0, $0x80, v3  }
0x140: {  	v2 =	vld.idx.msk [tilespmem:v2+s2+$0x0], $0xffff;
	v1 =	vshll.u32 v1, $0x4  }
0x141: {  	v3 =	vadd.s32 $0x800, v1;
	_ =	sdelay $0x3  }
0x142: {  	[tilespmem:s12+$0x10060] =	vst v2  }
0x143: {  	v2 =	vld.idx.msk [tilespmem:v3+s2+$0x0], $0xffff  }
0x144: {  	v3 =	vadd.s32 $0x801, v1;
	_ =	sdelay $0x3  }
0x145: {  	[tilespmem:s12+$0x1070] =	vst v2  }
0x146: {  	v2 =	vld.idx.msk [tilespmem:v3+s2+$0x0], $0xffff  }
0x147: {  	v3 =	vadd.s32 $0x802, v1;
	_ =	sdelay $0x3  }
0x148: {  	[tilespmem:s12+$0x2070] =	vst v2  }
0x149: {  	v2 =	vld.idx.msk [tilespmem:v3+s2+$0x0], $0xffff  }
0x14a: {  	v3 =	vadd.s32 $0x803, v1;
	_ =	sdelay $0x3  }
0x14b: {  	[tilespmem:s12+$0x3070] =	vst v2  }
0x14c: {  	v2 =	vld.idx.msk [tilespmem:v3+s2+$0x0], $0xffff  }
0x14d: {  	v3 =	vadd.s32 $0x804, v1;
	_ =	sdelay $0x3  }
0x14e: {  	[tilespmem:s12+$0x4070] =	vst v2  }
0x14f: {  	v2 =	vld.idx.msk [tilespmem:v3+s2+$0x0], $0xffff  }
0x150: {  	v3 =	vadd.s32 $0x805, v1;
	_ =	sdelay $0x3  }
0x151: {  	[tilespmem:s12+$0x5070] =	vst v2  }
0x152: {  	v2 =	vld.idx.msk [tilespmem:v3+s2+$0x0], $0xffff  }
0x153: {  	v3 =	vadd.s32 $0x806, v1;
	_ =	sdelay $0x3  }
0x154: {  	[tilespmem:s12+$0x6070] =	vst v2  }
0x155: {  	v2 =	vld.idx.msk [tilespmem:v3+s2+$0x0], $0xffff  }
0x156: {  	v3 =	vadd.s32 $0x807, v1;
	_ =	sdelay $0x3  }
0x157: {  	[tilespmem:s12+$0x7070] =	vst v2  }
0x158: {  	v2 =	vld.idx.msk [tilespmem:v3+s2+$0x0], $0xffff  }
0x159: {  	v3 =	vadd.s32 $0x808, v1;
	_ =	sdelay $0x3  }
0x15a: {  	[tilespmem:s12+$0x8070] =	vst v2  }
0x15b: {  	v2 =	vld.idx.msk [tilespmem:v3+s2+$0x0], $0xffff  }
0x15c: {  	v3 =	vadd.s32 $0x809, v1;
	_ =	sdelay $0x3  }
0x15d: {  	[tilespmem:s12+$0x9070] =	vst v2  }
0x15e: {  	v2 =	vld.idx.msk [tilespmem:v3+s2+$0x0], $0xffff  }
0x15f: {  	v3 =	vadd.s32 $0x80A, v1;
	_ =	sdelay $0x3  }
0x160: {  	[tilespmem:s12+$0xA070] =	vst v2  }
0x161: {  	v2 =	vld.idx.msk [tilespmem:v3+s2+$0x0], $0xffff  }
0x162: {  	v3 =	vadd.s32 $0x80B, v1;
	_ =	sdelay $0x3  }
0x163: {  	[tilespmem:s12+$0xB070] =	vst v2  }
0x164: {  	v2 =	vld.idx.msk [tilespmem:v3+s2+$0x0], $0xffff  }
0x165: {  	v3 =	vadd.s32 $0x80C, v1;
	_ =	sdelay $0x3  }
0x166: {  	[tilespmem:s12+$0xC070] =	vst v2  }
0x167: {  	v2 =	vld.idx.msk [tilespmem:v3+s2+$0x0], $0xffff  }
0x168: {  	v3 =	vadd.s32 $0x80D, v1;
	_ =	sdelay $0x3  }
0x169: {  	[tilespmem:s12+$0xD070] =	vst v2  }
0x16a: {  	v2 =	vld.idx.msk [tilespmem:v3+s2+$0x0], $0xffff  }
0x16b: {  	v3 =	vadd.s32 $0x80E, v1;
	_ =	sdelay $0x3  }
0x16c: {  	[tilespmem:s12+$0xE070] =	vst v2  }
0x16d: {  	s13 =	sadd.s32 $0xFFFFFF90, s13;
	v2 =	vld.idx.msk [tilespmem:v3+s2+$0x0], $0xffff  }
0x16e: {  	v1 =	vadd.s32 $0x80F, v1;
	v3 =	vadd.s32 s13, v0  }
0x16f: {  	vm15 =	vgt.s32 v3, $0xFFFFFF80  }
0x170: {  	v3 =	vnsel vm15, $0xFFFFFF80, v3  }
0x171: {  	vm0 =	vlt.s32 v3, $0x80  }
0x172: {  	[tilespmem:s12+$0xF070] =	vst v2;
	v2 =	vnsel vm0, $0x80, v3  }
0x173: {  	v1 =	vld.idx.msk [tilespmem:v1+s2+$0x0], $0xffff;
	v2 =	vshll.u32 v2, $0x4  }
0x174: {  	v3 =	vadd.s32 $0x800, v2;
	_ =	sdelay $0x3  }
0x175: {  	[tilespmem:s12+$0x10070] =	vst v1  }
0x176: {  	v1 =	vld.idx.msk [tilespmem:v3+s2+$0x0], $0xffff  }
0x177: {  	v3 =	vadd.s32 $0x801, v2;
	_ =	sdelay $0x3  }
0x178: {  	[tilespmem:s12+$0x1080] =	vst v1  }
0x179: {  	v1 =	vld.idx.msk [tilespmem:v3+s2+$0x0], $0xffff  }
0x17a: {  	v3 =	vadd.s32 $0x802, v2;
	_ =	sdelay $0x3  }
0x17b: {  	[tilespmem:s12+$0x2080] =	vst v1  }
0x17c: {  	v1 =	vld.idx.msk [tilespmem:v3+s2+$0x0], $0xffff  }
0x17d: {  	v3 =	vadd.s32 $0x803, v2;
	_ =	sdelay $0x3  }
0x17e: {  	[tilespmem:s12+$0x3080] =	vst v1  }
0x17f: {  	v1 =	vld.idx.msk [tilespmem:v3+s2+$0x0], $0xffff  }
0x180: {  	v3 =	vadd.s32 $0x804, v2;
	_ =	sdelay $0x3  }
0x181: {  	[tilespmem:s12+$0x4080] =	vst v1  }
0x182: {  	v1 =	vld.idx.msk [tilespmem:v3+s2+$0x0], $0xffff  }
0x183: {  	v3 =	vadd.s32 $0x805, v2;
	_ =	sdelay $0x3  }
0x184: {  	[tilespmem:s12+$0x5080] =	vst v1  }
0x185: {  	v1 =	vld.idx.msk [tilespmem:v3+s2+$0x0], $0xffff  }
0x186: {  	v3 =	vadd.s32 $0x806, v2;
	_ =	sdelay $0x3  }
0x187: {  	[tilespmem:s12+$0x6080] =	vst v1  }
0x188: {  	v1 =	vld.idx.msk [tilespmem:v3+s2+$0x0], $0xffff  }
0x189: {  	v3 =	vadd.s32 $0x807, v2;
	_ =	sdelay $0x3  }
0x18a: {  	[tilespmem:s12+$0x7080] =	vst v1  }
0x18b: {  	v1 =	vld.idx.msk [tilespmem:v3+s2+$0x0], $0xffff  }
0x18c: {  	v3 =	vadd.s32 $0x808, v2;
	_ =	sdelay $0x3  }
0x18d: {  	[tilespmem:s12+$0x8080] =	vst v1  }
0x18e: {  	v1 =	vld.idx.msk [tilespmem:v3+s2+$0x0], $0xffff  }
0x18f: {  	v3 =	vadd.s32 $0x809, v2;
	_ =	sdelay $0x3  }
0x190: {  	[tilespmem:s12+$0x9080] =	vst v1  }
0x191: {  	v1 =	vld.idx.msk [tilespmem:v3+s2+$0x0], $0xffff  }
0x192: {  	v3 =	vadd.s32 $0x80A, v2;
	_ =	sdelay $0x3  }
0x193: {  	[tilespmem:s12+$0xA080] =	vst v1  }
0x194: {  	v1 =	vld.idx.msk [tilespmem:v3+s2+$0x0], $0xffff  }
0x195: {  	v3 =	vadd.s32 $0x80B, v2;
	_ =	sdelay $0x3  }
0x196: {  	[tilespmem:s12+$0xB080] =	vst v1  }
0x197: {  	v1 =	vld.idx.msk [tilespmem:v3+s2+$0x0], $0xffff  }
0x198: {  	v3 =	vadd.s32 $0x80C, v2;
	_ =	sdelay $0x3  }
0x199: {  	[tilespmem:s12+$0xC080] =	vst v1  }
0x19a: {  	v1 =	vld.idx.msk [tilespmem:v3+s2+$0x0], $0xffff  }
0x19b: {  	v3 =	vadd.s32 $0x80D, v2;
	_ =	sdelay $0x3  }
0x19c: {  	[tilespmem:s12+$0xD080] =	vst v1  }
0x19d: {  	v1 =	vld.idx.msk [tilespmem:v3+s2+$0x0], $0xffff  }
0x19e: {  	v3 =	vadd.s32 $0x80E, v2;
	_ =	sdelay $0x3  }
0x19f: {  	[tilespmem:s12+$0xE080] =	vst v1  }
0x1a0: {  	v1 =	vld.idx.msk [tilespmem:v3+s2+$0x0], $0xffff  }
0x1a1: {  	v2 =	vadd.s32 $0x80F, v2;
	_ =	sdelay $0x3  }
0x1a2: {  	[tilespmem:s12+$0xF080] =	vst v1  }
0x1a3: {  	v1 =	vld.idx.msk [tilespmem:v2+s2+$0x0], $0xffff;
	_ =	sdelay $0x3  }
0x1a4: {  	s18 =	rddreg [dreg:$0x3]  }
0x1a5: {  	s19 =	sadd.s32 $0x1010, s12;
	s13 =	sadd.s32 s10, s18;
	[tilespmem:s12+$0x10080] =	vst v1  }
0x1a6: {  	[hbm4b:s13+s2] =	stream.linear.scatter [tilespmem:s19], [sflag:$0x1], $0x80, $0x38;
	[tilespmem:$0x11010] =	vst v63  }
0x1a7: {  	s20 =	sadd.s32 $0x2010, s12;
	s15 =	sadd.s32 $0x10, s13  }
0x1a8: {  	[hbm4b:s15+s2] =	stream.linear.scatter [tilespmem:s20], [sflag:$0x1], $0x80, $0x38;
	[tilespmem:$0x11010] =	vst v63  }
0x1a9: {  	s21 =	sadd.s32 $0x3010, s12;
	s22 =	sadd.s32 $0x20, s13  }
0x1aa: {  	[hbm4b:s22+s2] =	stream.linear.scatter [tilespmem:s21], [sflag:$0x1], $0x80, $0x38;
	[tilespmem:$0x11010] =	vst v63  }
0x1ab: {  	s23 =	sadd.s32 $0x4010, s12;
	s24 =	sadd.s32 $0x30, s13  }
0x1ac: {  	[hbm4b:s24+s2] =	stream.linear.scatter [tilespmem:s23], [sflag:$0x1], $0x80, $0x38;
	[tilespmem:$0x11010] =	vst v63  }
0x1ad: {  	s25 =	sadd.s32 $0x5010, s12;
	s26 =	sadd.s32 $0x40, s13  }
0x1ae: {  	[hbm4b:s26+s2] =	stream.linear.scatter [tilespmem:s25], [sflag:$0x1], $0x80, $0x38;
	[tilespmem:$0x11010] =	vst v63  }
0x1af: {  	s28 =	sadd.s32 $0x6010, s12;
	s29 =	sadd.s32 $0x50, s13  }
0x1b0: {  	[hbm4b:s29+s2] =	stream.linear.scatter [tilespmem:s28], [sflag:$0x1], $0x80, $0x38;
	[tilespmem:$0x11010] =	vst v63  }
0x1b1: {  	s30 =	sadd.s32 $0x7010, s12;
	s31 =	sadd.s32 $0x60, s13  }
0x1b2: {  	[hbm4b:s31+s2] =	stream.linear.scatter [tilespmem:s30], [sflag:$0x1], $0x80, $0x38;
	[tilespmem:$0x11010] =	vst v63  }
0x1b3: {  	s16 =	sadd.s32 $0x70, s13;
	s15 =	sadd.s32 $0x8010, s12  }
0x1b4: {  	[hbm4b:s16+s2] =	stream.linear.scatter [tilespmem:s15], [sflag:$0x1], $0x80, $0x38;
	[tilespmem:$0x11010] =	vst v63  }
0x1b5: {  	s17 =	sadd.s32 $0x9010, s12;
	s18 =	sadd.s32 $0x800, s13  }
0x1b6: {  	[hbm4b:s18+s2] =	stream.linear.scatter [tilespmem:s17], [sflag:$0x1], $0x80, $0x38;
	[tilespmem:$0x11010] =	vst v63  }
0x1b7: {  	s19 =	sadd.s32 $0xA010, s12;
	s20 =	sadd.s32 $0x810, s13  }
0x1b8: {  	[hbm4b:s20+s2] =	stream.linear.scatter [tilespmem:s19], [sflag:$0x1], $0x80, $0x38;
	[tilespmem:$0x11010] =	vst v63  }
0x1b9: {  	s21 =	sadd.s32 $0xB010, s12;
	s22 =	sadd.s32 $0x820, s13  }
0x1ba: {  	[hbm4b:s22+s2] =	stream.linear.scatter [tilespmem:s21], [sflag:$0x1], $0x80, $0x38;
	[tilespmem:$0x11010] =	vst v63  }
0x1bb: {  	s23 =	sadd.s32 $0xC010, s12;
	s24 =	sadd.s32 $0x830, s13  }
0x1bc: {  	[hbm4b:s24+s2] =	stream.linear.scatter [tilespmem:s23], [sflag:$0x1], $0x80, $0x38;
	[tilespmem:$0x11010] =	vst v63  }
0x1bd: {  	s25 =	sadd.s32 $0xD010, s12;
	s26 =	sadd.s32 $0x840, s13  }
0x1be: {  	[hbm4b:s26+s2] =	stream.linear.scatter [tilespmem:s25], [sflag:$0x1], $0x80, $0x38;
	[tilespmem:$0x11010] =	vst v63  }
0x1bf: {  	p0 =	sne.s32 s11, $0x1E00;
	s28 =	sadd.s32 $0xE010, s12;
	s29 =	sadd.s32 $0x850, s13  }
0x1c0: {  	[hbm4b:s29+s2] =	stream.linear.scatter [tilespmem:s28], [sflag:$0x1], $0x80, $0x38;
	[tilespmem:$0x11010] =	vst v63  }
.Ltmp0:
0x1c1: {  	_ = 	snop;
	(pc) =	sbr.rel @p0 .LBB2_2-.Ltmp0, $4  }
0x1c2: {  	s11 =	sadd.s32 $0x200, s11;
	s30 =	sadd.s32 $0xF010, s12;
	s31 =	sadd.s32 $0x860, s13  }
0x1c3: {  	[hbm4b:s31+s2] =	stream.linear.scatter [tilespmem:s30], [sflag:$0x1], $0x80, $0x38;
	[tilespmem:$0x11010] =	vst v63  }
0x1c4: {  	s10 =	sadd.s32 $0x80, s10;
	s12 =	sadd.s32 $0x10010, s12;
	s13 =	sadd.s32 $0x870, s13  }
0x1c5: {  	[hbm4b:s13+s2] =	stream.linear.scatter [tilespmem:s12], [sflag:$0x1], $0x80, $0x38;
	[tilespmem:$0x11010] =	vst v63  }
0x1c6: {  	s10 =	simm.s32 $0x1;
	s11 =	simm.s32 $0x1010;
	s12 =	smov.u32 s6  }
.LBB2_4:
0x1c7: {  	s13 =	sshll.u32 s10, $0x5  }
0x1c8: {  	s15 =	ssub.s32 s4, s13  }
0x1c9: {  	s14 =	sadd.s32 $0xFFFFF820, s15  }
0x1ca: {  	v1 =	vadd.s32 s14, v0  }
0x1cb: {  	vm0 =	vgt.s32 v1, $0xFFFFFF80  }
0x1cc: {  	v1 =	vnsel vm0, $0xFFFFFF80, v1  }
0x1cd: {  	vm0 =	vlt.s32 v1, $0x80  }
0x1ce: {  	v1 =	vnsel vm0, $0x80, v1  }
0x1cf: {  	v1 =	vshll.u32 v1, $0x4  }
0x1d0: {  	v2 =	vadd.s32 $0x800, v1;
	_ =	sdelay $0x3  }
0x1d1: {  	s17 =	simm.s32 $0x0  }
0x1d2: {  	v2 =	vld.idx.msk [tilespmem:v2+s17+$0x0], $0xffff  }
0x1d3: {  	v3 =	vadd.s32 $0x801, v1;
	_ =	sdelay $0x3  }
0x1d4: {  	[tilespmem:s13+$0x17F0] =	vst v2  }
0x1d5: {  	v2 =	vld.idx.msk [tilespmem:v3+s17+$0x0], $0xffff  }
0x1d6: {  	v3 =	vadd.s32 $0x802, v1;
	_ =	sdelay $0x3  }
0x1d7: {  	[tilespmem:s13+$0x27F0] =	vst v2  }
0x1d8: {  	v2 =	vld.idx.msk [tilespmem:v3+s17+$0x0], $0xffff  }
0x1d9: {  	v3 =	vadd.s32 $0x803, v1;
	_ =	sdelay $0x3  }
0x1da: {  	[tilespmem:s13+$0x37F0] =	vst v2  }
0x1db: {  	v2 =	vld.idx.msk [tilespmem:v3+s17+$0x0], $0xffff  }
0x1dc: {  	v3 =	vadd.s32 $0x804, v1;
	_ =	sdelay $0x3  }
0x1dd: {  	[tilespmem:s13+$0x47F0] =	vst v2  }
0x1de: {  	v2 =	vld.idx.msk [tilespmem:v3+s17+$0x0], $0xffff  }
0x1df: {  	v3 =	vadd.s32 $0x805, v1;
	_ =	sdelay $0x3  }
0x1e0: {  	[tilespmem:s13+$0x57F0] =	vst v2  }
0x1e1: {  	v2 =	vld.idx.msk [tilespmem:v3+s17+$0x0], $0xffff  }
0x1e2: {  	v3 =	vadd.s32 $0x806, v1;
	_ =	sdelay $0x3  }
0x1e3: {  	[tilespmem:s13+$0x67F0] =	vst v2  }
0x1e4: {  	v2 =	vld.idx.msk [tilespmem:v3+s17+$0x0], $0xffff  }
0x1e5: {  	v3 =	vadd.s32 $0x807, v1;
	_ =	sdelay $0x3  }
0x1e6: {  	[tilespmem:s13+$0x77F0] =	vst v2  }
0x1e7: {  	v2 =	vld.idx.msk [tilespmem:v3+s17+$0x0], $0xffff  }
0x1e8: {  	v3 =	vadd.s32 $0x808, v1;
	_ =	sdelay $0x3  }
0x1e9: {  	[tilespmem:s13+$0x87F0] =	vst v2  }
0x1ea: {  	v2 =	vld.idx.msk [tilespmem:v3+s17+$0x0], $0xffff  }
0x1eb: {  	v3 =	vadd.s32 $0x809, v1;
	_ =	sdelay $0x3  }
0x1ec: {  	[tilespmem:s13+$0x97F0] =	vst v2  }
0x1ed: {  	v2 =	vld.idx.msk [tilespmem:v3+s17+$0x0], $0xffff  }
0x1ee: {  	v3 =	vadd.s32 $0x80A, v1;
	_ =	sdelay $0x3  }
0x1ef: {  	[tilespmem:s13+$0xA7F0] =	vst v2  }
0x1f0: {  	v2 =	vld.idx.msk [tilespmem:v3+s17+$0x0], $0xffff  }
0x1f1: {  	v3 =	vadd.s32 $0x80B, v1;
	_ =	sdelay $0x3  }
0x1f2: {  	[tilespmem:s13+$0xB7F0] =	vst v2  }
0x1f3: {  	v2 =	vld.idx.msk [tilespmem:v3+s17+$0x0], $0xffff  }
0x1f4: {  	v3 =	vadd.s32 $0x80C, v1;
	_ =	sdelay $0x3  }
0x1f5: {  	[tilespmem:s13+$0xC7F0] =	vst v2  }
0x1f6: {  	v2 =	vld.idx.msk [tilespmem:v3+s17+$0x0], $0xffff  }
0x1f7: {  	v3 =	vadd.s32 $0x80D, v1;
	_ =	sdelay $0x3  }
0x1f8: {  	[tilespmem:s13+$0xD7F0] =	vst v2  }
0x1f9: {  	v2 =	vld.idx.msk [tilespmem:v3+s17+$0x0], $0xffff  }
0x1fa: {  	v3 =	vadd.s32 $0x80E, v1;
	_ =	sdelay $0x3  }
0x1fb: {  	[tilespmem:s13+$0xE7F0] =	vst v2  }
0x1fc: {  	s15 =	sadd.s32 $0xFFFFF810, s15;
	v2 =	vld.idx.msk [tilespmem:v3+s17+$0x0], $0xffff  }
0x1fd: {  	v1 =	vadd.s32 $0x80F, v1;
	v3 =	vadd.s32 s15, v0  }
0x1fe: {  	vm15 =	vgt.s32 v3, $0xFFFFFF80  }
0x1ff: {  	v3 =	vnsel vm15, $0xFFFFFF80, v3  }
0x200: {  	vm0 =	vlt.s32 v3, $0x80  }
0x201: {  	[tilespmem:s13+$0xF7F0] =	vst v2;
	v2 =	vnsel vm0, $0x80, v3  }
0x202: {  	v1 =	vld.idx.msk [tilespmem:v1+s17+$0x0], $0xffff;
	v2 =	vshll.u32 v2, $0x4  }
0x203: {  	v3 =	vadd.s32 $0x800, v2;
	_ =	sdelay $0x3  }
0x204: {  	[tilespmem:s13+$0x107F0] =	vst v1  }
0x205: {  	v1 =	vld.idx.msk [tilespmem:v3+s17+$0x0], $0xffff  }
0x206: {  	v3 =	vadd.s32 $0x801, v2;
	_ =	sdelay $0x3  }
0x207: {  	[tilespmem:s13+$0x1800] =	vst v1  }
0x208: {  	v1 =	vld.idx.msk [tilespmem:v3+s17+$0x0], $0xffff  }
0x209: {  	v3 =	vadd.s32 $0x802, v2;
	_ =	sdelay $0x3  }
0x20a: {  	[tilespmem:s13+$0x2800] =	vst v1  }
0x20b: {  	v1 =	vld.idx.msk [tilespmem:v3+s17+$0x0], $0xffff  }
0x20c: {  	v3 =	vadd.s32 $0x803, v2;
	_ =	sdelay $0x3  }
0x20d: {  	[tilespmem:s13+$0x3800] =	vst v1  }
0x20e: {  	v1 =	vld.idx.msk [tilespmem:v3+s17+$0x0], $0xffff  }
0x20f: {  	v3 =	vadd.s32 $0x804, v2;
	_ =	sdelay $0x3  }
0x210: {  	[tilespmem:s13+$0x4800] =	vst v1  }
0x211: {  	v1 =	vld.idx.msk [tilespmem:v3+s17+$0x0], $0xffff  }
0x212: {  	v3 =	vadd.s32 $0x805, v2;
	_ =	sdelay $0x3  }
0x213: {  	[tilespmem:s13+$0x5800] =	vst v1  }
0x214: {  	v1 =	vld.idx.msk [tilespmem:v3+s17+$0x0], $0xffff  }
0x215: {  	v3 =	vadd.s32 $0x806, v2;
	_ =	sdelay $0x3  }
0x216: {  	[tilespmem:s13+$0x6800] =	vst v1  }
0x217: {  	v1 =	vld.idx.msk [tilespmem:v3+s17+$0x0], $0xffff  }
0x218: {  	v3 =	vadd.s32 $0x807, v2;
	_ =	sdelay $0x3  }
0x219: {  	[tilespmem:s13+$0x7800] =	vst v1  }
0x21a: {  	v1 =	vld.idx.msk [tilespmem:v3+s17+$0x0], $0xffff  }
0x21b: {  	v3 =	vadd.s32 $0x808, v2;
	_ =	sdelay $0x3  }
0x21c: {  	[tilespmem:s13+$0x8800] =	vst v1  }
0x21d: {  	v1 =	vld.idx.msk [tilespmem:v3+s17+$0x0], $0xffff  }
0x21e: {  	v3 =	vadd.s32 $0x809, v2;
	_ =	sdelay $0x3  }
0x21f: {  	[tilespmem:s13+$0x9800] =	vst v1  }
0x220: {  	v1 =	vld.idx.msk [tilespmem:v3+s17+$0x0], $0xffff  }
0x221: {  	v3 =	vadd.s32 $0x80A, v2;
	_ =	sdelay $0x3  }
0x222: {  	[tilespmem:s13+$0xA800] =	vst v1  }
0x223: {  	v1 =	vld.idx.msk [tilespmem:v3+s17+$0x0], $0xffff  }
0x224: {  	v3 =	vadd.s32 $0x80B, v2;
	_ =	sdelay $0x3  }
0x225: {  	[tilespmem:s13+$0xB800] =	vst v1  }
0x226: {  	v1 =	vld.idx.msk [tilespmem:v3+s17+$0x0], $0xffff  }
0x227: {  	v3 =	vadd.s32 $0x80C, v2;
	_ =	sdelay $0x3  }
0x228: {  	[tilespmem:s13+$0xC800] =	vst v1  }
0x229: {  	v1 =	vld.idx.msk [tilespmem:v3+s17+$0x0], $0xffff  }
0x22a: {  	v3 =	vadd.s32 $0x80D, v2;
	_ =	sdelay $0x3  }
0x22b: {  	[tilespmem:s13+$0xD800] =	vst v1  }
0x22c: {  	v1 =	vld.idx.msk [tilespmem:v3+s17+$0x0], $0xffff  }
0x22d: {  	v3 =	vadd.s32 $0x80E, v2;
	_ =	sdelay $0x3  }
0x22e: {  	[tilespmem:s13+$0xE800] =	vst v1  }
0x22f: {  	v1 =	vld.idx.msk [tilespmem:v3+s17+$0x0], $0xffff  }
0x230: {  	v2 =	vadd.s32 $0x80F, v2;
	_ =	sdelay $0x3  }
0x231: {  	[tilespmem:s13+$0xF800] =	vst v1  }
0x232: {  	v1 =	vld.idx.msk [tilespmem:v2+s17+$0x0], $0xffff;
	_ =	sdelay $0x3  }
0x233: {  	s15 =	sadd.s32 $0x0, s11  }
0x234: {  	s18 =	sadd.s32 $0x20, s15;
	[tilespmem:s13+$0x10800] =	vst v1  }
0x235: {  	[hbm4b:s12+s2] =	stream.linear.scatter [tilespmem:s18], [sflag:$0x1], $0x80, $0x38;
	[tilespmem:$0x11010] =	vst v63  }
0x236: {  	s20 =	sadd.s32 $0x10, s12;
	s19 =	sadd.s32 $0x1020, s15  }
0x237: {  	[hbm4b:s20+s2] =	stream.linear.scatter [tilespmem:s19], [sflag:$0x1], $0x80, $0x38;
	[tilespmem:$0x11010] =	vst v63  }
0x238: {  	s22 =	sadd.s32 $0x20, s12;
	s21 =	sadd.s32 $0x2020, s15  }
0x239: {  	[hbm4b:s22+s2] =	stream.linear.scatter [tilespmem:s21], [sflag:$0x1], $0x80, $0x38;
	[tilespmem:$0x11010] =	vst v63  }
0x23a: {  	s24 =	sadd.s32 $0x30, s12;
	s23 =	sadd.s32 $0x3020, s15  }
0x23b: {  	[hbm4b:s24+s2] =	stream.linear.scatter [tilespmem:s23], [sflag:$0x1], $0x80, $0x38;
	[tilespmem:$0x11010] =	vst v63  }
0x23c: {  	s26 =	sadd.s32 $0x40, s12;
	s25 =	sadd.s32 $0x4020, s15  }
0x23d: {  	[hbm4b:s26+s2] =	stream.linear.scatter [tilespmem:s25], [sflag:$0x1], $0x80, $0x38;
	[tilespmem:$0x11010] =	vst v63  }
0x23e: {  	s29 =	sadd.s32 $0x50, s12;
	s28 =	sadd.s32 $0x5020, s15  }
0x23f: {  	[hbm4b:s29+s2] =	stream.linear.scatter [tilespmem:s28], [sflag:$0x1], $0x80, $0x38;
	[tilespmem:$0x11010] =	vst v63  }
0x240: {  	s31 =	sadd.s32 $0x60, s12;
	s30 =	sadd.s32 $0x6020, s15  }
0x241: {  	[hbm4b:s31+s2] =	stream.linear.scatter [tilespmem:s30], [sflag:$0x1], $0x80, $0x38;
	[tilespmem:$0x11010] =	vst v63  }
0x242: {  	s16 =	sadd.s32 $0x70, s12;
	s14 =	sadd.s32 $0x7020, s15  }
0x243: {  	[hbm4b:s16+s2] =	stream.linear.scatter [tilespmem:s14], [sflag:$0x1], $0x80, $0x38;
	[tilespmem:$0x11010] =	vst v63  }
0x244: {  	s17 =	sadd.s32 $0x8020, s15;
	s18 =	sadd.s32 $0x800, s12  }
0x245: {  	[hbm4b:s18+s2] =	stream.linear.scatter [tilespmem:s17], [sflag:$0x1], $0x80, $0x38;
	[tilespmem:$0x11010] =	vst v63  }
0x246: {  	s19 =	sadd.s32 $0x9020, s15;
	s20 =	sadd.s32 $0x810, s12  }
0x247: {  	[hbm4b:s20+s2] =	stream.linear.scatter [tilespmem:s19], [sflag:$0x1], $0x80, $0x38;
	[tilespmem:$0x11010] =	vst v63  }
0x248: {  	s13 =	sadd.s32 $0x80, s12;
	s21 =	sadd.s32 $0xA020, s15;
	s22 =	sadd.s32 $0x820, s12  }
0x249: {  	[hbm4b:s22+s2] =	stream.linear.scatter [tilespmem:s21], [sflag:$0x1], $0x80, $0x38;
	[tilespmem:$0x11010] =	vst v63  }
0x24a: {  	s23 =	sadd.s32 $0xB020, s15;
	s24 =	sadd.s32 $0x830, s12;
	s25 =	sadd.s32 $0xC020, s15  }
0x24b: {  	[hbm4b:s24+s2] =	stream.linear.scatter [tilespmem:s23], [sflag:$0x1], $0x80, $0x38;
	[tilespmem:$0x11010] =	vst v63  }
0x24c: {  	s26 =	sadd.s32 $0x840, s12;
	s28 =	sadd.s32 $0xD020, s15;
	s29 =	sadd.s32 $0x850, s12  }
0x24d: {  	[hbm4b:s26+s2] =	stream.linear.scatter [tilespmem:s25], [sflag:$0x1], $0x80, $0x38;
	[tilespmem:$0x11010] =	vst v63  }
0x24e: {  	s30 =	sadd.s32 $0xE020, s15;
	s31 =	sadd.s32 $0x860, s12;
	s14 =	simm.s32 $0x80  }
0x24f: {  	[hbm4b:s29+s2] =	stream.linear.scatter [tilespmem:s28], [sflag:$0x1], $0x80, $0x38;
	[tilespmem:$0x11010] =	vst v63  }
0x250: {  	s16 =	sadd.s32 $0xF020, s15;
	s17 =	simm.s32 $0x400;
	s18 =	sadd.s32 $0x870, s12  }
0x251: {  	[hbm4b:s31+s2] =	stream.linear.scatter [tilespmem:s30], [sflag:$0x1], $0x80, $0x38;
	[tilespmem:$0x11010] =	vst v63  }
.LBB2_5:
0x252: {  	[hbm4b:s18+s2] =	stream.linear.scatter [tilespmem:s16], [sflag:$0x1], $0x80, $0x38;
	[tilespmem:$0x11010] =	vst v63  }
0x253: {  	s18 =	smov.u32 s17  }
0x254: {  	s15 =	sadd.s32 $0x200, s17;
	s16 =	sadd.s32 s14, s11;
	s14 =	sshra.s32 s18, $0x2  }
0x255: {  	p0 =	sne.s32 s17, $0x1E00;
	s17 =	sadd.s32 $0x20, s16  }
0x256: {  	[hbm4b:s13+s2] =	stream.linear.scatter [tilespmem:s17], [sflag:$0x1], $0x80, $0x38;
	[tilespmem:$0x11010] =	vst v63  }
0x257: {  	s18 =	sadd.s32 $0x10, s13;
	s17 =	sadd.s32 $0x1020, s16  }
0x258: {  	[hbm4b:s18+s2] =	stream.linear.scatter [tilespmem:s17], [sflag:$0x1], $0x80, $0x38;
	[tilespmem:$0x11010] =	vst v63  }
0x259: {  	s17 =	sadd.s32 $0x2020, s16;
	s18 =	sadd.s32 $0x20, s13  }
0x25a: {  	[hbm4b:s18+s2] =	stream.linear.scatter [tilespmem:s17], [sflag:$0x1], $0x80, $0x38;
	[tilespmem:$0x11010] =	vst v63  }
0x25b: {  	s17 =	sadd.s32 $0x3020, s16;
	s18 =	sadd.s32 $0x30, s13  }
0x25c: {  	[hbm4b:s18+s2] =	stream.linear.scatter [tilespmem:s17], [sflag:$0x1], $0x80, $0x38;
	[tilespmem:$0x11010] =	vst v63  }
0x25d: {  	s17 =	sadd.s32 $0x4020, s16;
	s18 =	sadd.s32 $0x40, s13  }
0x25e: {  	[hbm4b:s18+s2] =	stream.linear.scatter [tilespmem:s17], [sflag:$0x1], $0x80, $0x38;
	[tilespmem:$0x11010] =	vst v63  }
0x25f: {  	s17 =	sadd.s32 $0x5020, s16;
	s18 =	sadd.s32 $0x50, s13  }
0x260: {  	[hbm4b:s18+s2] =	stream.linear.scatter [tilespmem:s17], [sflag:$0x1], $0x80, $0x38;
	[tilespmem:$0x11010] =	vst v63  }
0x261: {  	s17 =	sadd.s32 $0x6020, s16;
	s18 =	sadd.s32 $0x60, s13  }
0x262: {  	[hbm4b:s18+s2] =	stream.linear.scatter [tilespmem:s17], [sflag:$0x1], $0x80, $0x38;
	[tilespmem:$0x11010] =	vst v63  }
0x263: {  	s17 =	sadd.s32 $0x7020, s16;
	s18 =	sadd.s32 $0x70, s13  }
0x264: {  	[hbm4b:s18+s2] =	stream.linear.scatter [tilespmem:s17], [sflag:$0x1], $0x80, $0x38;
	[tilespmem:$0x11010] =	vst v63  }
0x265: {  	s17 =	sadd.s32 $0x8020, s16;
	s18 =	sadd.s32 $0x800, s13  }
0x266: {  	[hbm4b:s18+s2] =	stream.linear.scatter [tilespmem:s17], [sflag:$0x1], $0x80, $0x38;
	[tilespmem:$0x11010] =	vst v63  }
0x267: {  	s17 =	sadd.s32 $0x9020, s16;
	s18 =	sadd.s32 $0x810, s13  }
0x268: {  	[hbm4b:s18+s2] =	stream.linear.scatter [tilespmem:s17], [sflag:$0x1], $0x80, $0x38;
	[tilespmem:$0x11010] =	vst v63  }
0x269: {  	s17 =	sadd.s32 $0xA020, s16;
	s18 =	sadd.s32 $0x820, s13  }
0x26a: {  	[hbm4b:s18+s2] =	stream.linear.scatter [tilespmem:s17], [sflag:$0x1], $0x80, $0x38;
	[tilespmem:$0x11010] =	vst v63  }
0x26b: {  	s17 =	sadd.s32 $0xB020, s16;
	s18 =	sadd.s32 $0x830, s13  }
0x26c: {  	[hbm4b:s18+s2] =	stream.linear.scatter [tilespmem:s17], [sflag:$0x1], $0x80, $0x38;
	[tilespmem:$0x11010] =	vst v63  }
0x26d: {  	s17 =	sadd.s32 $0xC020, s16;
	s18 =	sadd.s32 $0x840, s13  }
0x26e: {  	[hbm4b:s18+s2] =	stream.linear.scatter [tilespmem:s17], [sflag:$0x1], $0x80, $0x38;
	[tilespmem:$0x11010] =	vst v63  }
.Ltmp1:
0x26f: {  	s17 =	sadd.s32 $0xD020, s16;
	s18 =	sadd.s32 $0x850, s13;
	(pc) =	sbr.rel @p0 .LBB2_5-.Ltmp1, $4  }
0x270: {  	[hbm4b:s18+s2] =	stream.linear.scatter [tilespmem:s17], [sflag:$0x1], $0x80, $0x38;
	[tilespmem:$0x11010] =	vst v63  }
0x271: {  	s17 =	sadd.s32 $0xE020, s16;
	s18 =	sadd.s32 $0x860, s13;
	s16 =	sadd.s32 $0xF020, s16  }
0x272: {  	[hbm4b:s18+s2] =	stream.linear.scatter [tilespmem:s17], [sflag:$0x1], $0x80, $0x38;
	[tilespmem:$0x11010] =	vst v63  }
0x273: {  	s18 =	sadd.s32 $0x870, s13;
	s13 =	sadd.s32 $0x80, s13;
	s17 =	smov.u32 s15  }
0x274: {  	[hbm4b:s18+s2] =	stream.linear.scatter [tilespmem:s16], [sflag:$0x1], $0x80, $0x38;
	[tilespmem:$0x11010] =	vst v63  }
0x275: {  	s14 =	sadd.s32 s14, s11  }
0x276: {  	s15 =	sadd.s32 $0x20, s14  }
0x277: {  	[hbm4b:s13+s2] =	stream.linear.scatter [tilespmem:s15], [sflag:$0x1], $0x80, $0x38;
	[tilespmem:$0x11010] =	vst v63  }
0x278: {  	s18 =	sadd.s32 $0x10, s13;
	s17 =	sadd.s32 $0x1020, s14  }
0x279: {  	[hbm4b:s18+s2] =	stream.linear.scatter [tilespmem:s17], [sflag:$0x1], $0x80, $0x38;
	[tilespmem:$0x11010] =	vst v63  }
0x27a: {  	s20 =	sadd.s32 $0x20, s13;
	s19 =	sadd.s32 $0x2020, s14  }
0x27b: {  	[hbm4b:s20+s2] =	stream.linear.scatter [tilespmem:s19], [sflag:$0x1], $0x80, $0x38;
	[tilespmem:$0x11010] =	vst v63  }
0x27c: {  	s22 =	sadd.s32 $0x30, s13;
	s21 =	sadd.s32 $0x3020, s14  }
0x27d: {  	[hbm4b:s22+s2] =	stream.linear.scatter [tilespmem:s21], [sflag:$0x1], $0x80, $0x38;
	[tilespmem:$0x11010] =	vst v63  }
0x27e: {  	s24 =	sadd.s32 $0x40, s13;
	s23 =	sadd.s32 $0x4020, s14  }
0x27f: {  	[hbm4b:s24+s2] =	stream.linear.scatter [tilespmem:s23], [sflag:$0x1], $0x80, $0x38;
	[tilespmem:$0x11010] =	vst v63  }
0x280: {  	s26 =	sadd.s32 $0x50, s13;
	s25 =	sadd.s32 $0x5020, s14  }
0x281: {  	[hbm4b:s26+s2] =	stream.linear.scatter [tilespmem:s25], [sflag:$0x1], $0x80, $0x38;
	[tilespmem:$0x11010] =	vst v63  }
0x282: {  	s29 =	sadd.s32 $0x60, s13;
	s28 =	sadd.s32 $0x6020, s14  }
0x283: {  	[hbm4b:s29+s2] =	stream.linear.scatter [tilespmem:s28], [sflag:$0x1], $0x80, $0x38;
	[tilespmem:$0x11010] =	vst v63  }
0x284: {  	s31 =	sadd.s32 $0x70, s13;
	s30 =	sadd.s32 $0x7020, s14  }
0x285: {  	[hbm4b:s31+s2] =	stream.linear.scatter [tilespmem:s30], [sflag:$0x1], $0x80, $0x38;
	[tilespmem:$0x11010] =	vst v63  }
0x286: {  	s16 =	sadd.s32 $0x8020, s14;
	s17 =	sadd.s32 $0x800, s13  }
0x287: {  	[hbm4b:s17+s2] =	stream.linear.scatter [tilespmem:s16], [sflag:$0x1], $0x80, $0x38;
	[tilespmem:$0x11010] =	vst v63  }
0x288: {  	s18 =	sadd.s32 $0x9020, s14;
	s19 =	sadd.s32 $0x810, s13  }
0x289: {  	[hbm4b:s19+s2] =	stream.linear.scatter [tilespmem:s18], [sflag:$0x1], $0x80, $0x38;
	[tilespmem:$0x11010] =	vst v63  }
0x28a: {  	s20 =	sadd.s32 $0xA020, s14;
	s21 =	sadd.s32 $0x820, s13  }
0x28b: {  	[hbm4b:s21+s2] =	stream.linear.scatter [tilespmem:s20], [sflag:$0x1], $0x80, $0x38;
	[tilespmem:$0x11010] =	vst v63  }
0x28c: {  	s22 =	sadd.s32 $0xB020, s14;
	s23 =	sadd.s32 $0x830, s13  }
0x28d: {  	[hbm4b:s23+s2] =	stream.linear.scatter [tilespmem:s22], [sflag:$0x1], $0x80, $0x38;
	[tilespmem:$0x11010] =	vst v63  }
0x28e: {  	s10 =	sadd.s32 $0x1, s10;
	s24 =	sadd.s32 $0xC020, s14;
	s25 =	sadd.s32 $0x840, s13  }
0x28f: {  	[hbm4b:s25+s2] =	stream.linear.scatter [tilespmem:s24], [sflag:$0x1], $0x80, $0x38;
	[tilespmem:$0x11010] =	vst v63  }
0x290: {  	p0 =	sne.s32 s10, $0x40;
	s26 =	sadd.s32 $0xD020, s14;
	s28 =	sadd.s32 $0x850, s13  }
0x291: {  	[hbm4b:s28+s2] =	stream.linear.scatter [tilespmem:s26], [sflag:$0x1], $0x80, $0x38;
	[tilespmem:$0x11010] =	vst v63  }
.Ltmp2:
0x292: {  	_ = 	snop;
	(pc) =	sbr.rel @p0 .LBB2_4-.Ltmp2, $4  }
0x293: {  	s12 =	sadd.s32 $0xFFFE0000, s12;
	s29 =	sadd.s32 $0xE020, s14;
	s30 =	sadd.s32 $0x860, s13  }
0x294: {  	[hbm4b:s30+s2] =	stream.linear.scatter [tilespmem:s29], [sflag:$0x1], $0x80, $0x38;
	[tilespmem:$0x11010] =	vst v63  }
0x295: {  	s11 =	sadd.s32 $0x20, s11;
	s14 =	sadd.s32 $0xF020, s14;
	s31 =	sadd.s32 $0x870, s13  }
0x296: {  	[hbm4b:s31+s2] =	stream.linear.scatter [tilespmem:s14], [sflag:$0x1], $0x80, $0x38;
	[tilespmem:$0x11010] =	vst v63  }
0x297: {  	_ =	swait.ge [sflag:s8], $0x800  }
0x298: {  	[sflag:s8] =	ssyncset.done $0x0  }
0x299: {  	[sflag:s8] =	ssyncadd.s32 $0xFFFFF800  }
0x29a: {  	_ =	swait.ge [sflag:s8], $0x800  }
0x29b: {  	[sflag:s8] =	ssyncset.done $0x0  }
0x29c: {  	[sflag:s8] =	ssyncadd.s32 $0xFFFFF800  }
0x29d: {  	_ =	swait.ge [sflag:s8], $0x800  }
0x29e: {  	[sflag:s8] =	ssyncset.done $0x0  }
0x29f: {  	[sflag:s8] =	ssyncadd.s32 $0xFFFFF800  }
0x2a0: {  	_ =	swait.ge [sflag:s8], $0x800  }
0x2a1: {  	[sflag:s8] =	ssyncset.done $0x0  }
0x2a2: {  	[sflag:s8] =	ssyncadd.s32 $0xFFFFF800  }
0x2a3: {  	_ =	swait.ge [sflag:s8], $0x800  }
0x2a4: {  	[sflag:s8] =	ssyncset.done $0x0  }
0x2a5: {  	[sflag:s8] =	ssyncadd.s32 $0xFFFFF800  }
0x2a6: {  	_ =	swait.ge [sflag:s8], $0x800  }
0x2a7: {  	[sflag:s8] =	ssyncset.done $0x0  }
0x2a8: {  	[sflag:s8] =	ssyncadd.s32 $0xFFFFF800  }
0x2a9: {  	_ =	swait.ge [sflag:s8], $0x800  }
0x2aa: {  	[sflag:s8] =	ssyncset.done $0x0  }
0x2ab: {  	[sflag:s8] =	ssyncadd.s32 $0xFFFFF800  }
0x2ac: {  	_ =	swait.ge [sflag:s8], $0x800  }
0x2ad: {  	[sflag:s8] =	ssyncset.done $0x0  }
0x2ae: {  	[sflag:s8] =	ssyncadd.s32 $0xFFFFF800  }
0x2af: {  	_ =	swait.ge [sflag:s8], $0x800  }
0x2b0: {  	[sflag:s8] =	ssyncset.done $0x0  }
0x2b1: {  	[sflag:s8] =	ssyncadd.s32 $0xFFFFF800  }
0x2b2: {  	_ =	swait.ge [sflag:s8], $0x800  }
0x2b3: {  	[sflag:s8] =	ssyncset.done $0x0  }
0x2b4: {  	[sflag:s8] =	ssyncadd.s32 $0xFFFFF800  }
0x2b5: {  	_ =	swait.ge [sflag:s8], $0x800  }
0x2b6: {  	[sflag:s8] =	ssyncset.done $0x0  }
0x2b7: {  	[sflag:s8] =	ssyncadd.s32 $0xFFFFF800  }
0x2b8: {  	_ =	swait.ge [sflag:s8], $0x800  }
0x2b9: {  	[sflag:s8] =	ssyncset.done $0x0  }
0x2ba: {  	[sflag:s8] =	ssyncadd.s32 $0xFFFFF800  }
0x2bb: {  	_ =	swait.ge [sflag:s8], $0x800  }
0x2bc: {  	[sflag:s8] =	ssyncset.done $0x0  }
0x2bd: {  	[sflag:s8] =	ssyncadd.s32 $0xFFFFF800  }
0x2be: {  	_ =	swait.ge [sflag:s8], $0x800  }
0x2bf: {  	[sflag:s8] =	ssyncset.done $0x0  }
0x2c0: {  	[sflag:s8] =	ssyncadd.s32 $0xFFFFF800  }
0x2c1: {  	_ =	swait.ge [sflag:s8], $0x800  }
0x2c2: {  	[sflag:s8] =	ssyncset.done $0x0  }
0x2c3: {  	[sflag:s8] =	ssyncadd.s32 $0xFFFFF800  }
0x2c4: {  	_ =	swait.ge [sflag:s8], $0x800  }
0x2c5: {  	s10 =	simm.s32 $0x3F;
	[sflag:s8] =	ssyncset.done $0x0  }
.LBB2_8:
0x2c6: {  	p0 =	sne.s32 s10, $0x1;
	s10 =	sadd.s32 $0xFFFFFFFF, s10;
	[sflag:s8] =	ssyncadd.s32 $0xFFFFF800  }
0x2c7: {  	_ =	swait.ge [sflag:s8], $0x800  }
0x2c8: {  	[sflag:s8] =	ssyncset.done $0x0  }
0x2c9: {  	[sflag:s8] =	ssyncadd.s32 $0xFFFFF800  }
0x2ca: {  	_ =	swait.ge [sflag:s8], $0x800  }
0x2cb: {  	[sflag:s8] =	ssyncset.done $0x0  }
0x2cc: {  	[sflag:s8] =	ssyncadd.s32 $0xFFFFF800  }
0x2cd: {  	_ =	swait.ge [sflag:s8], $0x800  }
0x2ce: {  	[sflag:s8] =	ssyncset.done $0x0  }
0x2cf: {  	[sflag:s8] =	ssyncadd.s32 $0xFFFFF800  }
0x2d0: {  	_ =	swait.ge [sflag:s8], $0x800  }
0x2d1: {  	[sflag:s8] =	ssyncset.done $0x0  }
0x2d2: {  	[sflag:s8] =	ssyncadd.s32 $0xFFFFF800  }
0x2d3: {  	_ =	swait.ge [sflag:s8], $0x800  }
0x2d4: {  	[sflag:s8] =	ssyncset.done $0x0  }
0x2d5: {  	[sflag:s8] =	ssyncadd.s32 $0xFFFFF800  }
0x2d6: {  	_ =	swait.ge [sflag:s8], $0x800  }
0x2d7: {  	[sflag:s8] =	ssyncset.done $0x0  }
0x2d8: {  	[sflag:s8] =	ssyncadd.s32 $0xFFFFF800  }
0x2d9: {  	_ =	swait.ge [sflag:s8], $0x800  }
0x2da: {  	[sflag:s8] =	ssyncset.done $0x0  }
0x2db: {  	[sflag:s8] =	ssyncadd.s32 $0xFFFFF800  }
0x2dc: {  	_ =	swait.ge [sflag:s8], $0x800  }
0x2dd: {  	[sflag:s8] =	ssyncset.done $0x0  }
0x2de: {  	[sflag:s8] =	ssyncadd.s32 $0xFFFFF800  }
0x2df: {  	_ =	swait.ge [sflag:s8], $0x800  }
0x2e0: {  	[sflag:s8] =	ssyncset.done $0x0  }
0x2e1: {  	[sflag:s8] =	ssyncadd.s32 $0xFFFFF800  }
0x2e2: {  	_ =	swait.ge [sflag:s8], $0x800  }
0x2e3: {  	[sflag:s8] =	ssyncset.done $0x0  }
0x2e4: {  	[sflag:s8] =	ssyncadd.s32 $0xFFFFF800  }
0x2e5: {  	_ =	swait.ge [sflag:s8], $0x800  }
0x2e6: {  	[sflag:s8] =	ssyncset.done $0x0  }
0x2e7: {  	[sflag:s8] =	ssyncadd.s32 $0xFFFFF800  }
0x2e8: {  	_ =	swait.ge [sflag:s8], $0x800  }
0x2e9: {  	[sflag:s8] =	ssyncset.done $0x0  }
0x2ea: {  	[sflag:s8] =	ssyncadd.s32 $0xFFFFF800  }
0x2eb: {  	_ =	swait.ge [sflag:s8], $0x800  }
0x2ec: {  	[sflag:s8] =	ssyncset.done $0x0  }
0x2ed: {  	[sflag:s8] =	ssyncadd.s32 $0xFFFFF800  }
0x2ee: {  	_ =	swait.ge [sflag:s8], $0x800  }
0x2ef: {  	[sflag:s8] =	ssyncset.done $0x0  }
0x2f0: {  	[sflag:s8] =	ssyncadd.s32 $0xFFFFF800  }
.Ltmp3:
0x2f1: {  	_ =	swait.ge [sflag:s8], $0x800;
	(pc) =	sbr.rel @p0 .LBB2_8-.Ltmp3, $4  }
0x2f2: {  	[sflag:s8] =	ssyncset.done $0x0  }
0x2f3: {  	[sflag:s8] =	ssyncadd.s32 $0xFFFFF800  }
0x2f4: {  	_ =	swait.ge [sflag:s8], $0x800  }
0x2f5: {  	[sflag:s8] =	ssyncset.done $0x0  }
0x2f6: {  	s9 =	sadd.s32 $0x1, s9  }
0x2f7: {  	p0 =	sne.s32 s9, s5  }
.Ltmp4:
0x2f8: {  	_ = 	snop;
	(pc) =	sbr.rel @p0 .LBB2_1-.Ltmp4, $2  }
0x2f9: {  	_ =	sdelay $0x2  }
0x2fa: {  	[sflag:s8] =	ssyncadd.s32 $0xFFFFF800  }
0x2fb: {  	_ =	sfence.sel $0x180000  }
0x2fc: {  	[bflag:$0x0] =	sbarrier.arrive $0xFFFF  }
0x2fd: {  	p0 =	sne.s32 s1, $0x0;
	_ =	strace $0x90000047  }
0x2fe: {  	s0 =	sadd.s32 @!p0 $0x100000, s0;
	[bflag:$0x2] =	sbarrier.arrive $0xFFFF  }
0x2ff: {  	[sflag:s0] =	ssyncadd.tile.s32 @!p0 $0x1;
	_ =	shalt  }
.Lfunc_end2:
_tile_overlayer_lowered:
.L_overlay_start_2:
0x300: {  	(tag) =	ssettag $0x2  }
0x301: {  	s0 =	rddreg [dreg:$0x0];
	s2 =	stileid.u32  }
0x302: {  	s1 =	rddreg [dreg:$0x1];
	p0 =	sne.s32 s2, $0x0  }
0x303: {  	s3 =	rddreg [dreg:$0x2];
	[bflag:$0x3] =	sbarrier.arrive $0xFFFF;
	s2 =	simm.s32 @!p0 $0x1C02  }
0x304: {  	[timem:s3], [sflag:s2] =	dma.local @!p0 [hbm:s0], s1  }
0x305: {  	s0 =	simm.s32 @!p0 $0x2  }
0x306: {  	_ =	swait.ge @!p0 [sflag:s0], s1  }
0x307: {  	s1 =	ssub.s32 @!p0 $0x0, s1;
	[sflag:s0] =	ssyncset.done @!p0 $0x0  }
0x308: {  	[sflag:s0] =	ssyncadd.s32 @!p0 s1  }
0x309: {  	[bflag:$0x3] =	sbarrier.arrive $0xFFFF  }
0x30a: {  	_ =	shalt  }

</sc_bundles>
